<compile_context>
chip_gen: v7x
topology: tpu7x:2x2x1
jax: 0.10.2.dev20260603
libtpu: 0.0.44.dev20260713+nightly
codegen_flags: <defaults>
</compile_context>

<pallas_src>
import functools
import math

import jax
import jax.numpy as jnp
from jax import lax
from jax.experimental import pallas as pl
from jax.experimental.pallas import tpu as pltpu
from jax.experimental.pallas import tpu_sc as plsc

N = 10000
E = 160000
NP = 10240
EP = 163840
NC = 4
CL = 128
DH = 512
RB = 2048
GRID = NP // RB
EB = 128
NB = 80
NBH = 40
NST = NB // NBH
BN_SCALE = 1.0 / math.sqrt(1.0 + 1e-5)

_f32 = jnp.float32


def _deg_kernel_body(dst_hbm, zeros_hbm, ones_hbm, out_hbm, hist, idx_v,
                     ones_v, zeros_v):
    cid = lax.axis_index("c")
    sid = lax.axis_index("s")
    wid = cid * 16 + sid
    pltpu.sync_copy(ones_hbm, ones_v)
    pltpu.sync_copy(zeros_hbm, zeros_v)
    pltpu.sync_copy(zeros_v, hist.at[pl.ds(sid * 640, 640)])
    plsc.subcore_barrier()
    pltpu.sync_copy(dst_hbm.at[wid], idx_v)

    def body(j, carry):
        pltpu.sync_copy(ones_v.at[pl.ds(0, 128)], hist.at[idx_v.at[j]],
                        add=True)
        return carry

    lax.fori_loop(0, 40, body, 0)
    plsc.subcore_barrier()
    pltpu.sync_copy(hist.at[pl.ds(sid * 640, 640)],
                    out_hbm.at[cid, pl.ds(sid * 640, 640)])


@functools.cache
def _deg_call():
    return functools.partial(
        pl.kernel,
        out_type=jax.ShapeDtypeStruct((2, NP), _f32),
        mesh=plsc.VectorSubcoreMesh(core_axis_name="c", subcore_axis_name="s"),
        scratch_types=[
            pltpu.VMEM_SHARED((NP,), _f32),
            pltpu.VMEM((40, 128), jnp.int32),
            pltpu.VMEM((640,), _f32),
            pltpu.VMEM((640,), _f32),
        ],
    )(_deg_kernel_body)


def _agg_kernel_body(xws_hbm, src_hbm, dst_hbm, out_hbm, acc, sidx, didx,
                     rows, sem0, sem1):
    cid = lax.axis_index("c")
    sid = lax.axis_index("s")
    rows0 = rows.at[pl.ds(0, EB)]
    rows1 = rows.at[pl.ds(EB, EB)]
    lin = xws_hbm.at[pl.ds(0, EB)]
    def chunk_body(cc, carry):
        c = cid * 2 + cc
        pltpu.sync_copy(xws_hbm.at[pl.ds(c * NP + sid * 640, 640)],
                        acc.at[pl.ds(sid * 640, 640)])
        plsc.subcore_barrier()

        def half_body(h, carry1):
            pltpu.sync_copy(src_hbm.at[c, sid, pl.ds(h * NBH, NBH)], sidx)
            pltpu.sync_copy(dst_hbm.at[sid, pl.ds(h * NBH, NBH)], didx)
            pltpu.async_copy(xws_hbm.at[sidx.at[0]], rows0, sem0)
            pltpu.async_copy(xws_hbm.at[sidx.at[1]], rows1, sem1)

            def outer(jj, carry2):
                j0 = 2 * jj
                pltpu.make_async_copy(lin, rows0, sem0).wait()
                pltpu.sync_copy(rows0, acc.at[didx.at[j0]], add=True)
                pltpu.async_copy(xws_hbm.at[sidx.at[lax.rem(j0 + 2, NBH)]],
                                 rows0, sem0)

                pltpu.make_async_copy(lin, rows1, sem1).wait()
                pltpu.sync_copy(rows1, acc.at[didx.at[j0 + 1]], add=True)
                pltpu.async_copy(xws_hbm.at[sidx.at[lax.rem(j0 + 3, NBH)]],
                                 rows1, sem1)

                return carry2

            lax.fori_loop(0, NBH // 2, outer, 0)
            pltpu.make_async_copy(lin, rows0, sem0).wait()
            pltpu.make_async_copy(lin, rows1, sem1).wait()
            return carry1

        lax.fori_loop(0, NST, half_body, 0)
        plsc.subcore_barrier()
        pltpu.sync_copy(acc.at[pl.ds(sid * 640, 640)],
                        out_hbm.at[c, pl.ds(sid * 640, 640)])
        plsc.subcore_barrier()
        return carry

    lax.fori_loop(0, 2, chunk_body, 0)


@functools.cache
def _agg_call():
    return functools.partial(
        pl.kernel,
        out_type=jax.ShapeDtypeStruct((NC, NP, CL), _f32),
        mesh=plsc.VectorSubcoreMesh(core_axis_name="c", subcore_axis_name="s"),
        scratch_types=[
            pltpu.VMEM_SHARED((NP, CL), _f32),
            pltpu.VMEM((NBH, EB), jnp.int32),
            pltpu.VMEM((NBH, EB), jnp.int32),
            pltpu.VMEM((2 * EB, CL), _f32),
            pltpu.SemaphoreType.DMA,
            pltpu.SemaphoreType.DMA,
        ],
    )(_agg_kernel_body)


def _a0_body(x_ref, p_ref, w_ref, xws_ref, dis_ref):
    p = p_ref[...]
    deg = 1.0 + p[0] + p[1]
    dis = lax.rsqrt(deg)
    xw = jnp.dot(x_ref[...], w_ref[...], preferred_element_type=_f32)
    xws = xw * dis[:, None]
    for cc in range(NC):
        xws_ref[cc] = xws[:, cc * CL:(cc + 1) * CL]
    dis_ref[...] = dis[None, :]


def _a0_call(x, partials, w1):
    return pl.pallas_call(
        _a0_body,
        grid=(GRID,),
        in_specs=[
            pl.BlockSpec((RB, 256), lambda i: (i, 0)),
            pl.BlockSpec((2, RB), lambda i: (0, i)),
            pl.BlockSpec((256, DH), lambda i: (0, 0)),
        ],
        out_specs=[
            pl.BlockSpec((NC, RB, CL), lambda i: (0, i, 0)),
            pl.BlockSpec((1, RB), lambda i: (0, i)),
        ],
        out_shape=[
            jax.ShapeDtypeStruct((NC, NP, CL), _f32),
            jax.ShapeDtypeStruct((1, NP), _f32),
        ],
    )(x, partials, w1)


def _make_mid_body(has_res):
    def body(*refs):
        if has_res:
            (acc_ref, dis_ref, b_ref, g_ref, be_ref, hprev_ref, w_ref,
             h_ref, xws_ref) = refs
        else:
            (acc_ref, dis_ref, b_ref, g_ref, be_ref, w_ref,
             h_ref, xws_ref) = refs
        dis = dis_ref[0]
        parts = []
        for cc in range(NC):
            sl = slice(cc * CL, (cc + 1) * CL)
            t = acc_ref[cc] * dis[:, None] + b_ref[0, sl]
            r = jnp.maximum(t, 0.0)
            hcc = g_ref[0, sl] * (r * BN_SCALE) + be_ref[0, sl]
            if has_res:
                hcc = hcc + hprev_ref[:, sl]
            parts.append(hcc)
        h = jnp.concatenate(parts, axis=1)
        h_ref[...] = h
        xws = jnp.dot(h, w_ref[...], preferred_element_type=_f32)
        xws = xws * dis[:, None]
        for cc in range(NC):
            xws_ref[cc] = xws[:, cc * CL:(cc + 1) * CL]
    return body


def _mid_call(acc, dis, b, g, be, hprev, wnext):
    has_res = hprev is not None
    in_specs = [
        pl.BlockSpec((NC, RB, CL), lambda i: (0, i, 0)),
        pl.BlockSpec((1, RB), lambda i: (0, i)),
        pl.BlockSpec((1, DH), lambda i: (0, 0)),
        pl.BlockSpec((1, DH), lambda i: (0, 0)),
        pl.BlockSpec((1, DH), lambda i: (0, 0)),
    ]
    args = [acc, dis, b, g, be]
    if has_res:
        in_specs.append(pl.BlockSpec((RB, DH), lambda i: (i, 0)))
        args.append(hprev)
    in_specs.append(pl.BlockSpec((DH, DH), lambda i: (0, 0)))
    args.append(wnext)
    return pl.pallas_call(
        _make_mid_body(has_res),
        grid=(GRID,),
        in_specs=in_specs,
        out_specs=[
            pl.BlockSpec((RB, DH), lambda i: (i, 0)),
            pl.BlockSpec((NC, RB, CL), lambda i: (0, i, 0)),
        ],
        out_shape=[
            jax.ShapeDtypeStruct((NP, DH), _f32),
            jax.ShapeDtypeStruct((NC, NP, CL), _f32),
        ],
    )(*args)


def _a3_body(acc_ref, dis_ref, b_ref, g_ref, be_ref, hprev_ref, cw1_ref,
             cb1_ref, cw2_ref, cb2_ref, wsmd_ref, bsmd_ref, w2p_ref,
             b2p_ref, comm_ref, smd_ref):
    dis = dis_ref[0]
    parts = []
    for cc in range(NC):
        sl = slice(cc * CL, (cc + 1) * CL)
        t = acc_ref[cc] * dis[:, None] + b_ref[0, sl]
        r = jnp.maximum(t, 0.0)
        hcc = g_ref[0, sl] * (r * BN_SCALE) + be_ref[0, sl] + hprev_ref[:, sl]
        parts.append(hcc)
    h3 = jnp.concatenate(parts, axis=1)
    c1 = jnp.maximum(
        jnp.dot(h3, cw1_ref[...], preferred_element_type=_f32) + cb1_ref[0],
        0.0)
    comm_ref[...] = (jnp.dot(c1, cw2_ref[...], preferred_element_type=_f32)
                     + cb2_ref[0])
    t = jnp.maximum(
        jnp.dot(h3, wsmd_ref[...], preferred_element_type=_f32) + bsmd_ref[0],
        0.0)
    z = jnp.dot(t, w2p_ref[...], preferred_element_type=_f32) + b2p_ref[0]
    smd_ref[...] = jax.nn.sigmoid(z)


def _a3_call(acc, dis, b, g, be, hprev, cw1, cb1, cw2, cb2, wsmd, bsmd, w2p,
             b2p):
    return pl.pallas_call(
        _a3_body,
        grid=(GRID,),
        in_specs=[
            pl.BlockSpec((NC, RB, CL), lambda i: (0, i, 0)),
            pl.BlockSpec((1, RB), lambda i: (0, i)),
            pl.BlockSpec((1, DH), lambda i: (0, 0)),
            pl.BlockSpec((1, DH), lambda i: (0, 0)),
            pl.BlockSpec((1, DH), lambda i: (0, 0)),
            pl.BlockSpec((RB, DH), lambda i: (i, 0)),
            pl.BlockSpec((DH, DH), lambda i: (0, 0)),
            pl.BlockSpec((1, DH), lambda i: (0, 0)),
            pl.BlockSpec((DH, CL), lambda i: (0, 0)),
            pl.BlockSpec((1, CL), lambda i: (0, 0)),
            pl.BlockSpec((DH, 768), lambda i: (0, 0)),
            pl.BlockSpec((1, 768), lambda i: (0, 0)),
            pl.BlockSpec((768, CL), lambda i: (0, 0)),
            pl.BlockSpec((1, CL), lambda i: (0, 0)),
        ],
        out_specs=[
            pl.BlockSpec((RB, CL), lambda i: (i, 0)),
            pl.BlockSpec((RB, CL), lambda i: (i, 0)),
        ],
        out_shape=[
            jax.ShapeDtypeStruct((NP, CL), _f32),
            jax.ShapeDtypeStruct((NP, CL), _f32),
        ],
    )(acc, dis, b, g, be, hprev, cw1, cb1, cw2, cb2, wsmd, bsmd, w2p, b2p)


def kernel(x, edge_index, W1, b1, W2, b2, W3, b3, g1, be1, g2, be2, g3, be3,
           sW1, sb1, sW2, sb2, mW1, mb1, mW2, mb2, dW1, db1, dW2, db2,
           cW1, cb1, cW2, cb2):
    src = edge_index[0]
    dst = edge_index[1]
    x = jnp.pad(x, ((0, NP - N), (0, 0)))
    npad = EP - E
    pad_ar = jnp.arange(npad, dtype=jnp.int32)
    src_p = jnp.concatenate([src, (pad_ar * 37) % N])
    dst_p = jnp.concatenate([dst, N + (pad_ar % (NP - N))])
    offs = (jnp.arange(NC, dtype=jnp.int32) * NP)[:, None]
    src_all = (src_p[None, :] + offs).reshape(NC, 16, NB, EB)
    dst3 = dst_p.reshape(16, NB, EB)
    dstd = dst_p.reshape(32, 40, 128)

    zeros640 = jnp.zeros((640,), _f32)
    ones640 = jnp.ones((640,), _f32)

    partials = _deg_call()(dstd, zeros640, ones640)

    xws1, dis = _a0_call(x, partials, W1)
    acc1 = _agg_call()(xws1.reshape(NC * NP, CL), src_all, dst3)
    h1, xws2 = _mid_call(acc1, dis, b1.reshape(1, DH), g1.reshape(1, DH),
                         be1.reshape(1, DH), None, W2)
    acc2 = _agg_call()(xws2.reshape(NC * NP, CL), src_all, dst3)
    h2, xws3 = _mid_call(acc2, dis, b2.reshape(1, DH), g2.reshape(1, DH),
                         be2.reshape(1, DH), h1, W3)
    acc3 = _agg_call()(xws3.reshape(NC * NP, CL), src_all, dst3)

    wsmd = jnp.concatenate([sW1, mW1, dW1], axis=1)
    bsmd = jnp.concatenate([sb1, mb1, db1]).reshape(1, 768)
    w2p = jnp.zeros((768, CL), _f32)
    w2p = w2p.at[0:256, 0].set(sW2[:, 0])
    w2p = w2p.at[256:512, 1].set(mW2[:, 0])
    w2p = w2p.at[512:768, 2].set(dW2[:, 0])
    b2p = jnp.zeros((1, CL), _f32)
    b2p = b2p.at[0, 0].set(sb2[0]).at[0, 1].set(mb2[0]).at[0, 2].set(db2[0])

    communities, smd = _a3_call(
        acc3, dis, b3.reshape(1, DH), g3.reshape(1, DH), be3.reshape(1, DH),
        h2, cW1, cb1.reshape(1, DH), cW2, cb2.reshape(1, CL),
        wsmd, bsmd, w2p, b2p)

    splits = smd[:N, 0:1]
    merges = smd[:N, 1:2]
    dissolves = smd[:N, 2:3]
    return (communities[:N], splits, merges, dissolves)

# --- scband reference (transcript-rebuilt; emitter-appended) ---
"""Pipeline reference for scband-community-evolution-gnn-58789512348243 (READ-ONLY COPY).

The authoritative reference and input builder live on the scoring server;
editing this copy changes nothing except your own understanding.
"""

import jax, jax.numpy as jnp
import numpy as np

N = 10000
E = 160000
D_IN = 256
D_H = 512
D_OUT = 128


def setup_inputs(seed: int = 0) -> dict:
    key = jax.random.key(seed)
    ks = jax.random.split(key, 20)
    inp = {}
    inp['x'] = jax.random.normal(ks[0], (N, D_IN), dtype=jnp.float32)
    inp['edge_index'] = jax.random.randint(ks[1], (2, E), 0, N, dtype=jnp.int32)
    # GCN layer weights (glorot-ish scale)
    inp['W1'] = jax.random.normal(ks[2], (D_IN, D_H), dtype=jnp.float32) * 0.05
    inp['b1'] = jnp.zeros((D_H,), jnp.float32)
    inp['W2'] = jax.random.normal(ks[3], (D_H, D_H), dtype=jnp.float32) * 0.04
    inp['b2'] = jnp.zeros((D_H,), jnp.float32)
    inp['W3'] = jax.random.normal(ks[4], (D_H, D_H), dtype=jnp.float32) * 0.04
    inp['b3'] = jnp.zeros((D_H,), jnp.float32)
    # BatchNorm affine params (eval mode: running_mean=0, running_var=1)
    for i in (1, 2, 3):
        inp['g%d' % i] = jnp.ones((D_H,), jnp.float32)
        inp['be%d' % i] = jnp.zeros((D_H,), jnp.float32)
    # split / merge / dissolve predictors: Linear(D_H, D_H//2) -> ReLU -> Linear(D_H//2, 1) -> Sigmoid
    inp['sW1'] = jax.random.normal(ks[5], (D_H, D_H // 2), dtype=jnp.float32) * 0.04
    inp['sb1'] = jnp.zeros((D_H // 2,), jnp.float32)
    inp['sW2'] = jax.random.normal(ks[6], (D_H // 2, 1), dtype=jnp.float32) * 0.06
    inp['sb2'] = jnp.zeros((1,), jnp.float32)
    inp['mW1'] = jax.random.normal(ks[7], (D_H, D_H // 2), dtype=jnp.float32) * 0.04
    inp['mb1'] = jnp.zeros((D_H // 2,), jnp.float32)
    inp['mW2'] = jax.random.normal(ks[8], (D_H // 2, 1), dtype=jnp.float32) * 0.06
    inp['mb2'] = jnp.zeros((1,), jnp.float32)
    inp['dW1'] = jax.random.normal(ks[9], (D_H, D_H // 2), dtype=jnp.float32) * 0.04
    inp['db1'] = jnp.zeros((D_H // 2,), jnp.float32)
    inp['dW2'] = jax.random.normal(ks[10], (D_H // 2, 1), dtype=jnp.float32) * 0.06
    inp['db2'] = jnp.zeros((1,), jnp.float32)
    # community predictor: Linear(D_H, D_H) -> ReLU -> Linear(D_H, D_OUT)
    inp['cW1'] = jax.random.normal(ks[11], (D_H, D_H), dtype=jnp.float32) * 0.04
    inp['cb1'] = jnp.zeros((D_H,), jnp.float32)
    inp['cW2'] = jax.random.normal(ks[12], (D_H, D_OUT), dtype=jnp.float32) * 0.04
    inp['cb2'] = jnp.zeros((D_OUT,), jnp.float32)
    return inp


def reference(x, edge_index, W1, b1, W2, b2, W3, b3, g1, be1, g2, be2, g3, be3,
              sW1, sb1, sW2, sb2, mW1, mb1, mW2, mb2, dW1, db1, dW2, db2,
              cW1, cb1, cW2, cb2):
    # GCN normalization with added self loops (PyG GCNConv semantics)
    src = edge_index[0]
    dst = edge_index[1]
    loop = jnp.arange(N, dtype=src.dtype)
    src_f = jnp.concatenate([src, loop])
    dst_f = jnp.concatenate([dst, loop])
    deg = jnp.zeros((N,), jnp.float32).at[dst_f].add(1.0)
    dis = jnp.where(deg > 0, 1.0 / jnp.sqrt(deg), 0.0)
    norm = dis[src_f] * dis[dst_f]

    def gcn(h, W, b):
        xw = h @ W
        msg = xw[src_f] * norm[:, None]
        return jax.ops.segment_sum(msg, dst_f, num_segments=N) + b

    def bn(h, g, b):
        # eval-mode BatchNorm1d: running_mean=0, running_var=1, eps=1e-5
        return g * (h / jnp.sqrt(1.0 + 1e-5)) + b

    h1 = bn(jax.nn.relu(gcn(x, W1, b1)), g1, be1)
    h2 = bn(jax.nn.relu(gcn(h1, W2, b2)), g2, be2) + h1
    h3 = bn(jax.nn.relu(gcn(h2, W3, b3)), g3, be3) + h2

    def head_sig(h, Wa, ba, Wb, bb):
        return jax.nn.sigmoid(jax.nn.relu(h @ Wa + ba) @ Wb + bb)

    splits = head_sig(h3, sW1, sb1, sW2, sb2)
    merges = head_sig(h3, mW1, mb1, mW2, mb2)
    dissolves = head_sig(h3, dW1, db1, dW2, db2)
    communities = jax.nn.relu(h3 @ cW1 + cb1) @ cW2 + cb2
    return (communities, splits, merges, dissolves)

if __name__ == "__main__":
    import jax
    _d = setup_inputs()
    print(jax.jit(kernel)(*tuple(_d.values())))

</pallas_src>

<mosaic_0001>
#map = affine_map<(d0, d1) -> (0, 0, 0)>
#map1 = affine_map<(d0, d1) -> (0)>
#map2 = affine_map<(d0, d1) -> (0, 0)>
module attributes {stable_mosaic.version = 14 : i64} {
  func.func @_deg_kernel_body(%arg0: i32, %arg1: i32, %arg2: memref<32x40x128xi32, #tpu.memory_space<hbm>>, %arg3: memref<640xf32, #tpu.memory_space<hbm>>, %arg4: memref<640xf32, #tpu.memory_space<hbm>>, %arg5: memref<2x10240xf32, #tpu.memory_space<hbm>>, %arg6: memref<10240xf32, #tpu.memory_space<vmem_shared>>, %arg7: memref<40x128xi32, #tpu.memory_space<vmem>>, %arg8: memref<640xf32, #tpu.memory_space<vmem>>, %arg9: memref<640xf32, #tpu.memory_space<vmem>>) attributes {dimension_semantics = [#tpu.dimension_semantics<core_parallel>, #tpu.dimension_semantics<subcore_parallel>], iteration_bounds = array<i64: 2, 16>, scalar_prefetch = 0 : i64, scratch_operands = 4 : i64, tpu.core_type = #tpu.core_type<sc_vector_subcore>, window_params = [{transform_indices = #map}, {transform_indices = #map1}, {transform_indices = #map1}, {transform_indices = #map2}]} {
    %mul3A = arith.constant 16 : i32
    %mul3A_0 = arith.muli %arg0, %mul3A : i32
    %add3A = arith.addi %mul3A_0, %arg1 : i32
    "tpu.region"() ({
      %run_scoped3A = tpu.sem_alloc : memref<!tpu.dma_semaphore, #tpu.memory_space<semaphore_mem>>
      tpu.enqueue_dma source(%arg4 : memref<640xf32, #tpu.memory_space<hbm>>) target(%arg8 : memref<640xf32, #tpu.memory_space<vmem>>) target_semaphore(%run_scoped3A : memref<!tpu.dma_semaphore, #tpu.memory_space<semaphore_mem>>)
      tpu.wait_dma2 semaphore(%run_scoped3A : memref<!tpu.dma_semaphore, #tpu.memory_space<semaphore_mem>>) src(%arg4 : memref<640xf32, #tpu.memory_space<hbm>>) dst(%arg8 : memref<640xf32, #tpu.memory_space<vmem>>)
      tpu.yield
    }) : () -> ()
    "tpu.region"() ({
      %run_scoped3A = tpu.sem_alloc : memref<!tpu.dma_semaphore, #tpu.memory_space<semaphore_mem>>
      tpu.enqueue_dma source(%arg3 : memref<640xf32, #tpu.memory_space<hbm>>) target(%arg9 : memref<640xf32, #tpu.memory_space<vmem>>) target_semaphore(%run_scoped3A : memref<!tpu.dma_semaphore, #tpu.memory_space<semaphore_mem>>)
      tpu.wait_dma2 semaphore(%run_scoped3A : memref<!tpu.dma_semaphore, #tpu.memory_space<semaphore_mem>>) src(%arg3 : memref<640xf32, #tpu.memory_space<hbm>>) dst(%arg9 : memref<640xf32, #tpu.memory_space<vmem>>)
      tpu.yield
    }) : () -> ()
    %mul3A_1 = arith.constant 640 : i32
    %mul3A_2 = arith.muli %arg1, %mul3A_1 : i32
    "tpu.region"() ({
      %run_scoped3A = tpu.sem_alloc : memref<!tpu.dma_semaphore, #tpu.memory_space<semaphore_mem>>
      %dma_start3A = tpu.memref_slice %arg6[%mul3A_2] : memref<10240xf32, #tpu.memory_space<vmem_shared>> -> memref<640xf32, #tpu.memory_space<vmem_shared>>
      %dma_start3A_13 = tpu.memref_slice %arg6[%mul3A_2] : memref<10240xf32, #tpu.memory_space<vmem_shared>> -> memref<640xf32, #tpu.memory_space<vmem_shared>>
      tpu.enqueue_dma source(%arg9 : memref<640xf32, #tpu.memory_space<vmem>>) target(%dma_start3A_13 : memref<640xf32, #tpu.memory_space<vmem_shared>>) target_semaphore(%run_scoped3A : memref<!tpu.dma_semaphore, #tpu.memory_space<semaphore_mem>>)
      %dma_wait3A = tpu.memref_slice %arg6[%mul3A_2] : memref<10240xf32, #tpu.memory_space<vmem_shared>> -> memref<640xf32, #tpu.memory_space<vmem_shared>>
      %dma_wait3A_14 = tpu.memref_slice %arg6[%mul3A_2] : memref<10240xf32, #tpu.memory_space<vmem_shared>> -> memref<640xf32, #tpu.memory_space<vmem_shared>>
      tpu.wait_dma2 semaphore(%run_scoped3A : memref<!tpu.dma_semaphore, #tpu.memory_space<semaphore_mem>>) src(%arg9 : memref<640xf32, #tpu.memory_space<vmem>>) dst(%dma_wait3A_14 : memref<640xf32, #tpu.memory_space<vmem_shared>>)
      tpu.yield
    }) : () -> ()
    %barrier3A = arith.constant 0 : index
    tpu.barrier barrier_id(%barrier3A)
    "tpu.region"() ({
      %run_scoped3A = tpu.sem_alloc : memref<!tpu.dma_semaphore, #tpu.memory_space<semaphore_mem>>
      %dma_start3A = arith.constant 0 : i32
      %dma_start3A_13 = arith.constant 0 : i32
      %dma_start3A_14 = tpu.memref_slice %arg2[%add3A, %dma_start3A, %dma_start3A_13] : memref<32x40x128xi32, #tpu.memory_space<hbm>> -> memref<1x40x128xi32, #tpu.memory_space<hbm>>
      %dma_start3A_15 = tpu.memref_squeeze %dma_start3A_14 : memref<1x40x128xi32, #tpu.memory_space<hbm>> -> memref<40x128xi32, #tpu.memory_space<hbm>>
      %dma_start3A_16 = arith.constant 0 : i32
      %dma_start3A_17 = arith.constant 0 : i32
      %dma_start3A_18 = tpu.memref_slice %arg2[%add3A, %dma_start3A_16, %dma_start3A_17] : memref<32x40x128xi32, #tpu.memory_space<hbm>> -> memref<1x40x128xi32, #tpu.memory_space<hbm>>
      %dma_start3A_19 = tpu.memref_squeeze %dma_start3A_18 : memref<1x40x128xi32, #tpu.memory_space<hbm>> -> memref<40x128xi32, #tpu.memory_space<hbm>>
      tpu.enqueue_dma source(%dma_start3A_19 : memref<40x128xi32, #tpu.memory_space<hbm>>) target(%arg7 : memref<40x128xi32, #tpu.memory_space<vmem>>) target_semaphore(%run_scoped3A : memref<!tpu.dma_semaphore, #tpu.memory_space<semaphore_mem>>)
      %dma_wait3A = arith.constant 0 : i32
      %dma_wait3A_20 = arith.constant 0 : i32
      %dma_wait3A_21 = tpu.memref_slice %arg2[%add3A, %dma_wait3A, %dma_wait3A_20] : memref<32x40x128xi32, #tpu.memory_space<hbm>> -> memref<1x40x128xi32, #tpu.memory_space<hbm>>
      %dma_wait3A_22 = tpu.memref_squeeze %dma_wait3A_21 : memref<1x40x128xi32, #tpu.memory_space<hbm>> -> memref<40x128xi32, #tpu.memory_space<hbm>>
      %dma_wait3A_23 = arith.constant 0 : i32
      %dma_wait3A_24 = arith.constant 0 : i32
      %dma_wait3A_25 = tpu.memref_slice %arg2[%add3A, %dma_wait3A_23, %dma_wait3A_24] : memref<32x40x128xi32, #tpu.memory_space<hbm>> -> memref<1x40x128xi32, #tpu.memory_space<hbm>>
      %dma_wait3A_26 = tpu.memref_squeeze %dma_wait3A_25 : memref<1x40x128xi32, #tpu.memory_space<hbm>> -> memref<40x128xi32, #tpu.memory_space<hbm>>
      tpu.wait_dma2 semaphore(%run_scoped3A : memref<!tpu.dma_semaphore, #tpu.memory_space<semaphore_mem>>) src(%dma_wait3A_26 : memref<40x128xi32, #tpu.memory_space<hbm>>) dst(%arg7 : memref<40x128xi32, #tpu.memory_space<vmem>>)
      tpu.yield
    }) : () -> ()
    %scan3A = arith.constant 0 : i32
    %scan3A_3 = arith.constant 0 : i32
    %scan3A_4 = arith.constant 40 : i32
    %scan3A_5 = arith.addi %scan3A_3, %scan3A_4 : i32
    %scan3A_6 = arith.constant 1 : i32
    scf.for %scan3A_13 = %scan3A_3 to %scan3A_5 step %scan3A_6  : i32 {
      "tpu.region"() ({
        %run_scoped3A = tpu.sem_alloc : memref<!tpu.dma_semaphore, #tpu.memory_space<semaphore_mem>>
        %dma_start3A = arith.constant 0 : i32
        %dma_start3A_14 = tpu.memref_slice %arg8[%dma_start3A] : memref<640xf32, #tpu.memory_space<vmem>> -> memref<128xf32, #tpu.memory_space<vmem>>
        %dma_start3A_15 = arith.constant 0 : i32
        %dma_start3A_16 = tpu.memref_slice %arg7[%scan3A_13, %dma_start3A_15] : memref<40x128xi32, #tpu.memory_space<vmem>> -> memref<1x128xi32, #tpu.memory_space<vmem>>
        %dma_start3A_17 = tpu.memref_squeeze %dma_start3A_16 : memref<1x128xi32, #tpu.memory_space<vmem>> -> memref<128xi32, #tpu.memory_space<vmem>>
        %dma_start3A_18 = arith.constant 0 : i32
        %dma_start3A_19 = tpu.memref_slice %arg6[%dma_start3A_18] : memref<10240xf32, #tpu.memory_space<vmem_shared>> -> memref<10240xf32, #tpu.memory_space<vmem_shared>>
        tpu.enqueue_indirect_dma source(%dma_start3A_14 : memref<128xf32, #tpu.memory_space<vmem>>) target(%dma_start3A_19 : memref<10240xf32, #tpu.memory_space<vmem_shared>>) offsets(%dma_start3A_17 : memref<128xi32, #tpu.memory_space<vmem>>) semaphore(%run_scoped3A : memref<!tpu.dma_semaphore, #tpu.memory_space<semaphore_mem>>) {add = true}
        %dma_wait3A = arith.constant 0 : i32
        %dma_wait3A_20 = tpu.memref_slice %arg8[%dma_wait3A] : memref<640xf32, #tpu.memory_space<vmem>> -> memref<128xf32, #tpu.memory_space<vmem>>
        %dma_wait3A_21 = arith.constant 0 : i32
        %dma_wait3A_22 = tpu.memref_slice %arg7[%scan3A_13, %dma_wait3A_21] : memref<40x128xi32, #tpu.memory_space<vmem>> -> memref<1x128xi32, #tpu.memory_space<vmem>>
        %dma_wait3A_23 = tpu.memref_squeeze %dma_wait3A_22 : memref<1x128xi32, #tpu.memory_space<vmem>> -> memref<128xi32, #tpu.memory_space<vmem>>
        %dma_wait3A_24 = arith.constant 0 : i32
        %dma_wait3A_25 = tpu.memref_slice %arg6[%dma_wait3A_24] : memref<10240xf32, #tpu.memory_space<vmem_shared>> -> memref<10240xf32, #tpu.memory_space<vmem_shared>>
        tpu.wait_indirect_dma semaphore(%run_scoped3A : memref<!tpu.dma_semaphore, #tpu.memory_space<semaphore_mem>>) src(%dma_wait3A_20 : memref<128xf32, #tpu.memory_space<vmem>>) dst(%dma_wait3A_25 : memref<10240xf32, #tpu.memory_space<vmem_shared>>)
        tpu.yield
      }) : () -> ()
    }
    %scan3A_7 = arith.constant 40 : i32
    %barrier3A_8 = arith.constant 0 : index
    tpu.barrier barrier_id(%barrier3A_8)
    %mul3A_9 = arith.constant 640 : i32
    %mul3A_10 = arith.muli %arg1, %mul3A_9 : i32
    %mul3A_11 = arith.constant 640 : i32
    %mul3A_12 = arith.muli %arg1, %mul3A_11 : i32
    "tpu.region"() ({
      %run_scoped3A = tpu.sem_alloc : memref<!tpu.dma_semaphore, #tpu.memory_space<semaphore_mem>>
      %dma_start3A = tpu.memref_slice %arg5[%arg0, %mul3A_12] : memref<2x10240xf32, #tpu.memory_space<hbm>> -> memref<1x640xf32, #tpu.memory_space<hbm>>
      %dma_start3A_13 = tpu.memref_squeeze %dma_start3A : memref<1x640xf32, #tpu.memory_space<hbm>> -> memref<640xf32, #tpu.memory_space<hbm>>
      %dma_start3A_14 = tpu.memref_slice %arg6[%mul3A_10] : memref<10240xf32, #tpu.memory_space<vmem_shared>> -> memref<640xf32, #tpu.memory_space<vmem_shared>>
      tpu.enqueue_dma source(%dma_start3A_14 : memref<640xf32, #tpu.memory_space<vmem_shared>>) target(%dma_start3A_13 : memref<640xf32, #tpu.memory_space<hbm>>) target_semaphore(%run_scoped3A : memref<!tpu.dma_semaphore, #tpu.memory_space<semaphore_mem>>)
      %dma_wait3A = tpu.memref_slice %arg5[%arg0, %mul3A_12] : memref<2x10240xf32, #tpu.memory_space<hbm>> -> memref<1x640xf32, #tpu.memory_space<hbm>>
      %dma_wait3A_15 = tpu.memref_squeeze %dma_wait3A : memref<1x640xf32, #tpu.memory_space<hbm>> -> memref<640xf32, #tpu.memory_space<hbm>>
      %dma_wait3A_16 = tpu.memref_slice %arg6[%mul3A_10] : memref<10240xf32, #tpu.memory_space<vmem_shared>> -> memref<640xf32, #tpu.memory_space<vmem_shared>>
      tpu.wait_dma2 semaphore(%run_scoped3A : memref<!tpu.dma_semaphore, #tpu.memory_space<semaphore_mem>>) src(%dma_wait3A_16 : memref<640xf32, #tpu.memory_space<vmem_shared>>) dst(%dma_wait3A_15 : memref<640xf32, #tpu.memory_space<hbm>>)
      tpu.yield
    }) : () -> ()
    return
  }
}

#map = affine_map<(d0, d1) -> (0, 0)>
#map1 = affine_map<(d0, d1) -> (0, 0, 0, 0)>
#map2 = affine_map<(d0, d1) -> (0, 0, 0)>
module attributes {stable_mosaic.version = 14 : i64} {
  func.func @_agg_kernel_body(%arg0: i32, %arg1: i32, %arg2: memref<40960x128xf32, #tpu.memory_space<hbm>>, %arg3: memref<4x16x80x128xi32, #tpu.memory_space<hbm>>, %arg4: memref<16x80x128xi32, #tpu.memory_space<hbm>>, %arg5: memref<4x10240x128xf32, #tpu.memory_space<hbm>>, %arg6: memref<10240x128xf32, #tpu.memory_space<vmem_shared>>, %arg7: memref<40x128xi32, #tpu.memory_space<vmem>>, %arg8: memref<40x128xi32, #tpu.memory_space<vmem>>, %arg9: memref<256x128xf32, #tpu.memory_space<vmem>>, %arg10: memref<!tpu.dma_semaphore, #tpu.memory_space<semaphore_mem>>, %arg11: memref<!tpu.dma_semaphore, #tpu.memory_space<semaphore_mem>>) attributes {dimension_semantics = [#tpu.dimension_semantics<core_parallel>, #tpu.dimension_semantics<subcore_parallel>], iteration_bounds = array<i64: 2, 16>, scalar_prefetch = 0 : i64, scratch_operands = 6 : i64, tpu.core_type = #tpu.core_type<sc_vector_subcore>, window_params = [{transform_indices = #map}, {transform_indices = #map1}, {transform_indices = #map2}, {transform_indices = #map2}]} {
    %scan3A = arith.constant 0 : i32
    %scan3A_0 = arith.constant 0 : i32
    %scan3A_1 = arith.constant 2 : i32
    %scan3A_2 = arith.addi %scan3A_0, %scan3A_1 : i32
    %scan3A_3 = arith.constant 1 : i32
    scf.for %scan3A_5 = %scan3A_0 to %scan3A_2 step %scan3A_3  : i32 {
      %mul3A = arith.constant 2 : i32
      %mul3A_6 = arith.muli %arg0, %mul3A : i32
      %add3A = arith.addi %mul3A_6, %scan3A_5 : i32
      %mul3A_7 = arith.constant 10240 : i32
      %mul3A_8 = arith.muli %add3A, %mul3A_7 : i32
      %mul3A_9 = arith.constant 640 : i32
      %mul3A_10 = arith.muli %arg1, %mul3A_9 : i32
      %add3A_11 = arith.addi %mul3A_8, %mul3A_10 : i32
      %mul3A_12 = arith.constant 640 : i32
      %mul3A_13 = arith.muli %arg1, %mul3A_12 : i32
      "tpu.region"() ({
        %run_scoped3A = tpu.sem_alloc : memref<!tpu.dma_semaphore, #tpu.memory_space<semaphore_mem>>
        %dma_start3A = arith.constant 0 : i32
        %dma_start3A_26 = tpu.memref_slice %arg6[%mul3A_13, %dma_start3A] : memref<10240x128xf32, #tpu.memory_space<vmem_shared>> -> memref<640x128xf32, #tpu.memory_space<vmem_shared>>
        %dma_start3A_27 = arith.constant 0 : i32
        %dma_start3A_28 = tpu.memref_slice %arg2[%add3A_11, %dma_start3A_27] : memref<40960x128xf32, #tpu.memory_space<hbm>> -> memref<640x128xf32, #tpu.memory_space<hbm>>
        tpu.enqueue_dma source(%dma_start3A_28 : memref<640x128xf32, #tpu.memory_space<hbm>>) target(%dma_start3A_26 : memref<640x128xf32, #tpu.memory_space<vmem_shared>>) target_semaphore(%run_scoped3A : memref<!tpu.dma_semaphore, #tpu.memory_space<semaphore_mem>>)
        %dma_wait3A = arith.constant 0 : i32
        %dma_wait3A_29 = tpu.memref_slice %arg6[%mul3A_13, %dma_wait3A] : memref<10240x128xf32, #tpu.memory_space<vmem_shared>> -> memref<640x128xf32, #tpu.memory_space<vmem_shared>>
        %dma_wait3A_30 = arith.constant 0 : i32
        %dma_wait3A_31 = tpu.memref_slice %arg2[%add3A_11, %dma_wait3A_30] : memref<40960x128xf32, #tpu.memory_space<hbm>> -> memref<640x128xf32, #tpu.memory_space<hbm>>
        tpu.wait_dma2 semaphore(%run_scoped3A : memref<!tpu.dma_semaphore, #tpu.memory_space<semaphore_mem>>) src(%dma_wait3A_31 : memref<640x128xf32, #tpu.memory_space<hbm>>) dst(%dma_wait3A_29 : memref<640x128xf32, #tpu.memory_space<vmem_shared>>)
        tpu.yield
      }) : () -> ()
      %barrier3A = arith.constant 0 : index
      tpu.barrier barrier_id(%barrier3A)
      %scan3A_14 = arith.constant 0 : i32
      %scan3A_15 = arith.constant 0 : i32
      %scan3A_16 = arith.constant 2 : i32
      %scan3A_17 = arith.addi %scan3A_15, %scan3A_16 : i32
      %scan3A_18 = arith.constant 1 : i32
      scf.for %scan3A_26 = %scan3A_15 to %scan3A_17 step %scan3A_18  : i32 {
        %mul3A_27 = arith.constant 40 : i32
        %mul3A_28 = arith.muli %scan3A_26, %mul3A_27 : i32
        "tpu.region"() ({
          %run_scoped3A = tpu.sem_alloc : memref<!tpu.dma_semaphore, #tpu.memory_space<semaphore_mem>>
          %dma_start3A_79 = arith.constant 0 : i32
          %dma_start3A_80 = tpu.memref_slice %arg3[%add3A, %arg1, %mul3A_28, %dma_start3A_79] : memref<4x16x80x128xi32, #tpu.memory_space<hbm>> -> memref<1x1x40x128xi32, #tpu.memory_space<hbm>>
          %dma_start3A_81 = tpu.memref_squeeze %dma_start3A_80 : memref<1x1x40x128xi32, #tpu.memory_space<hbm>> -> memref<40x128xi32, #tpu.memory_space<hbm>>
          %dma_start3A_82 = arith.constant 0 : i32
          %dma_start3A_83 = tpu.memref_slice %arg3[%add3A, %arg1, %mul3A_28, %dma_start3A_82] : memref<4x16x80x128xi32, #tpu.memory_space<hbm>> -> memref<1x1x40x128xi32, #tpu.memory_space<hbm>>
          %dma_start3A_84 = tpu.memref_squeeze %dma_start3A_83 : memref<1x1x40x128xi32, #tpu.memory_space<hbm>> -> memref<40x128xi32, #tpu.memory_space<hbm>>
          tpu.enqueue_dma source(%dma_start3A_84 : memref<40x128xi32, #tpu.memory_space<hbm>>) target(%arg7 : memref<40x128xi32, #tpu.memory_space<vmem>>) target_semaphore(%run_scoped3A : memref<!tpu.dma_semaphore, #tpu.memory_space<semaphore_mem>>)
          %dma_wait3A_85 = arith.constant 0 : i32
          %dma_wait3A_86 = tpu.memref_slice %arg3[%add3A, %arg1, %mul3A_28, %dma_wait3A_85] : memref<4x16x80x128xi32, #tpu.memory_space<hbm>> -> memref<1x1x40x128xi32, #tpu.memory_space<hbm>>
          %dma_wait3A_87 = tpu.memref_squeeze %dma_wait3A_86 : memref<1x1x40x128xi32, #tpu.memory_space<hbm>> -> memref<40x128xi32, #tpu.memory_space<hbm>>
          %dma_wait3A_88 = arith.constant 0 : i32
          %dma_wait3A_89 = tpu.memref_slice %arg3[%add3A, %arg1, %mul3A_28, %dma_wait3A_88] : memref<4x16x80x128xi32, #tpu.memory_space<hbm>> -> memref<1x1x40x128xi32, #tpu.memory_space<hbm>>
          %dma_wait3A_90 = tpu.memref_squeeze %dma_wait3A_89 : memref<1x1x40x128xi32, #tpu.memory_space<hbm>> -> memref<40x128xi32, #tpu.memory_space<hbm>>
          tpu.wait_dma2 semaphore(%run_scoped3A : memref<!tpu.dma_semaphore, #tpu.memory_space<semaphore_mem>>) src(%dma_wait3A_90 : memref<40x128xi32, #tpu.memory_space<hbm>>) dst(%arg7 : memref<40x128xi32, #tpu.memory_space<vmem>>)
          tpu.yield
        }) : () -> ()
        %mul3A_29 = arith.constant 40 : i32
        %mul3A_30 = arith.muli %scan3A_26, %mul3A_29 : i32
        "tpu.region"() ({
          %run_scoped3A = tpu.sem_alloc : memref<!tpu.dma_semaphore, #tpu.memory_space<semaphore_mem>>
          %dma_start3A_79 = arith.constant 0 : i32
          %dma_start3A_80 = tpu.memref_slice %arg4[%arg1, %mul3A_30, %dma_start3A_79] : memref<16x80x128xi32, #tpu.memory_space<hbm>> -> memref<1x40x128xi32, #tpu.memory_space<hbm>>
          %dma_start3A_81 = tpu.memref_squeeze %dma_start3A_80 : memref<1x40x128xi32, #tpu.memory_space<hbm>> -> memref<40x128xi32, #tpu.memory_space<hbm>>
          %dma_start3A_82 = arith.constant 0 : i32
          %dma_start3A_83 = tpu.memref_slice %arg4[%arg1, %mul3A_30, %dma_start3A_82] : memref<16x80x128xi32, #tpu.memory_space<hbm>> -> memref<1x40x128xi32, #tpu.memory_space<hbm>>
          %dma_start3A_84 = tpu.memref_squeeze %dma_start3A_83 : memref<1x40x128xi32, #tpu.memory_space<hbm>> -> memref<40x128xi32, #tpu.memory_space<hbm>>
          tpu.enqueue_dma source(%dma_start3A_84 : memref<40x128xi32, #tpu.memory_space<hbm>>) target(%arg8 : memref<40x128xi32, #tpu.memory_space<vmem>>) target_semaphore(%run_scoped3A : memref<!tpu.dma_semaphore, #tpu.memory_space<semaphore_mem>>)
          %dma_wait3A_85 = arith.constant 0 : i32
          %dma_wait3A_86 = tpu.memref_slice %arg4[%arg1, %mul3A_30, %dma_wait3A_85] : memref<16x80x128xi32, #tpu.memory_space<hbm>> -> memref<1x40x128xi32, #tpu.memory_space<hbm>>
          %dma_wait3A_87 = tpu.memref_squeeze %dma_wait3A_86 : memref<1x40x128xi32, #tpu.memory_space<hbm>> -> memref<40x128xi32, #tpu.memory_space<hbm>>
          %dma_wait3A_88 = arith.constant 0 : i32
          %dma_wait3A_89 = tpu.memref_slice %arg4[%arg1, %mul3A_30, %dma_wait3A_88] : memref<16x80x128xi32, #tpu.memory_space<hbm>> -> memref<1x40x128xi32, #tpu.memory_space<hbm>>
          %dma_wait3A_90 = tpu.memref_squeeze %dma_wait3A_89 : memref<1x40x128xi32, #tpu.memory_space<hbm>> -> memref<40x128xi32, #tpu.memory_space<hbm>>
          tpu.wait_dma2 semaphore(%run_scoped3A : memref<!tpu.dma_semaphore, #tpu.memory_space<semaphore_mem>>) src(%dma_wait3A_90 : memref<40x128xi32, #tpu.memory_space<hbm>>) dst(%arg8 : memref<40x128xi32, #tpu.memory_space<vmem>>)
          tpu.yield
        }) : () -> ()
        %dma_start3A = arith.constant 0 : i32
        %dma_start3A_31 = arith.constant 0 : i32
        %dma_start3A_32 = arith.constant 0 : i32
        %dma_start3A_33 = tpu.memref_slice %arg9[%dma_start3A_31, %dma_start3A_32] : memref<256x128xf32, #tpu.memory_space<vmem>> -> memref<128x128xf32, #tpu.memory_space<vmem>>
        %dma_start3A_34 = arith.constant 0 : i32
        %dma_start3A_35 = tpu.memref_slice %arg7[%dma_start3A, %dma_start3A_34] : memref<40x128xi32, #tpu.memory_space<vmem>> -> memref<1x128xi32, #tpu.memory_space<vmem>>
        %dma_start3A_36 = tpu.memref_squeeze %dma_start3A_35 : memref<1x128xi32, #tpu.memory_space<vmem>> -> memref<128xi32, #tpu.memory_space<vmem>>
        %dma_start3A_37 = arith.constant 0 : i32
        %dma_start3A_38 = arith.constant 0 : i32
        %dma_start3A_39 = tpu.memref_slice %arg2[%dma_start3A_37, %dma_start3A_38] : memref<40960x128xf32, #tpu.memory_space<hbm>> -> memref<40960x128xf32, #tpu.memory_space<hbm>>
        tpu.enqueue_indirect_dma source(%dma_start3A_39 : memref<40960x128xf32, #tpu.memory_space<hbm>>) target(%dma_start3A_33 : memref<128x128xf32, #tpu.memory_space<vmem>>) offsets(%dma_start3A_36 : memref<128xi32, #tpu.memory_space<vmem>>) semaphore(%arg10 : memref<!tpu.dma_semaphore, #tpu.memory_space<semaphore_mem>>)
        %dma_start3A_40 = arith.constant 1 : i32
        %dma_start3A_41 = arith.constant 128 : i32
        %dma_start3A_42 = arith.constant 0 : i32
        %dma_start3A_43 = tpu.memref_slice %arg9[%dma_start3A_41, %dma_start3A_42] : memref<256x128xf32, #tpu.memory_space<vmem>> -> memref<128x128xf32, #tpu.memory_space<vmem>>
        %dma_start3A_44 = arith.constant 0 : i32
        %dma_start3A_45 = tpu.memref_slice %arg7[%dma_start3A_40, %dma_start3A_44] : memref<40x128xi32, #tpu.memory_space<vmem>> -> memref<1x128xi32, #tpu.memory_space<vmem>>
        %dma_start3A_46 = tpu.memref_squeeze %dma_start3A_45 : memref<1x128xi32, #tpu.memory_space<vmem>> -> memref<128xi32, #tpu.memory_space<vmem>>
        %dma_start3A_47 = arith.constant 0 : i32
        %dma_start3A_48 = arith.constant 0 : i32
        %dma_start3A_49 = tpu.memref_slice %arg2[%dma_start3A_47, %dma_start3A_48] : memref<40960x128xf32, #tpu.memory_space<hbm>> -> memref<40960x128xf32, #tpu.memory_space<hbm>>
        tpu.enqueue_indirect_dma source(%dma_start3A_49 : memref<40960x128xf32, #tpu.memory_space<hbm>>) target(%dma_start3A_43 : memref<128x128xf32, #tpu.memory_space<vmem>>) offsets(%dma_start3A_46 : memref<128xi32, #tpu.memory_space<vmem>>) semaphore(%arg11 : memref<!tpu.dma_semaphore, #tpu.memory_space<semaphore_mem>>)
        %scan3A_50 = arith.constant 0 : i32
        %scan3A_51 = arith.constant 0 : i32
        %scan3A_52 = arith.constant 20 : i32
        %scan3A_53 = arith.addi %scan3A_51, %scan3A_52 : i32
        %scan3A_54 = arith.constant 1 : i32
        scf.for %scan3A_79 = %scan3A_51 to %scan3A_53 step %scan3A_54  : i32 {
          %mul3A_80 = arith.constant 2 : i32
          %mul3A_81 = arith.muli %mul3A_80, %scan3A_79 : i32
          %dma_wait3A_82 = arith.constant 0 : i32
          %dma_wait3A_83 = arith.constant 0 : i32
          %dma_wait3A_84 = tpu.memref_slice %arg9[%dma_wait3A_82, %dma_wait3A_83] : memref<256x128xf32, #tpu.memory_space<vmem>> -> memref<128x128xf32, #tpu.memory_space<vmem>>
          %dma_wait3A_85 = arith.constant 0 : i32
          %dma_wait3A_86 = arith.constant 0 : i32
          %dma_wait3A_87 = tpu.memref_slice %arg2[%dma_wait3A_85, %dma_wait3A_86] : memref<40960x128xf32, #tpu.memory_space<hbm>> -> memref<128x128xf32, #tpu.memory_space<hbm>>
          %dma_wait3A_88 = arith.constant 0 : i32
          %dma_wait3A_89 = arith.constant 0 : i32
          %dma_wait3A_90 = tpu.memref_slice %arg9[%dma_wait3A_88, %dma_wait3A_89] : memref<256x128xf32, #tpu.memory_space<vmem>> -> memref<128x128xf32, #tpu.memory_space<vmem>>
          %dma_wait3A_91 = arith.constant 0 : i32
          %dma_wait3A_92 = arith.constant 0 : i32
          %dma_wait3A_93 = tpu.memref_slice %arg2[%dma_wait3A_91, %dma_wait3A_92] : memref<40960x128xf32, #tpu.memory_space<hbm>> -> memref<128x128xf32, #tpu.memory_space<hbm>>
          tpu.wait_dma2 semaphore(%arg10 : memref<!tpu.dma_semaphore, #tpu.memory_space<semaphore_mem>>) src(%dma_wait3A_93 : memref<128x128xf32, #tpu.memory_space<hbm>>) dst(%dma_wait3A_90 : memref<128x128xf32, #tpu.memory_space<vmem>>)
          "tpu.region"() ({
            %run_scoped3A = tpu.sem_alloc : memref<!tpu.dma_semaphore, #tpu.memory_space<semaphore_mem>>
            %dma_start3A_133 = arith.constant 0 : i32
            %dma_start3A_134 = arith.constant 0 : i32
            %dma_start3A_135 = tpu.memref_slice %arg9[%dma_start3A_133, %dma_start3A_134] : memref<256x128xf32, #tpu.memory_space<vmem>> -> memref<128x128xf32, #tpu.memory_space<vmem>>
            %dma_start3A_136 = arith.constant 0 : i32
            %dma_start3A_137 = tpu.memref_slice %arg8[%mul3A_81, %dma_start3A_136] : memref<40x128xi32, #tpu.memory_space<vmem>> -> memref<1x128xi32, #tpu.memory_space<vmem>>
            %dma_start3A_138 = tpu.memref_squeeze %dma_start3A_137 : memref<1x128xi32, #tpu.memory_space<vmem>> -> memref<128xi32, #tpu.memory_space<vmem>>
            %dma_start3A_139 = arith.constant 0 : i32
            %dma_start3A_140 = arith.constant 0 : i32
            %dma_start3A_141 = tpu.memref_slice %arg6[%dma_start3A_139, %dma_start3A_140] : memref<10240x128xf32, #tpu.memory_space<vmem_shared>> -> memref<10240x128xf32, #tpu.memory_space<vmem_shared>>
            tpu.enqueue_indirect_dma source(%dma_start3A_135 : memref<128x128xf32, #tpu.memory_space<vmem>>) target(%dma_start3A_141 : memref<10240x128xf32, #tpu.memory_space<vmem_shared>>) offsets(%dma_start3A_138 : memref<128xi32, #tpu.memory_space<vmem>>) semaphore(%run_scoped3A : memref<!tpu.dma_semaphore, #tpu.memory_space<semaphore_mem>>) {add = true}
            %dma_wait3A_142 = arith.constant 0 : i32
            %dma_wait3A_143 = arith.constant 0 : i32
            %dma_wait3A_144 = tpu.memref_slice %arg9[%dma_wait3A_142, %dma_wait3A_143] : memref<256x128xf32, #tpu.memory_space<vmem>> -> memref<128x128xf32, #tpu.memory_space<vmem>>
            %dma_wait3A_145 = arith.constant 0 : i32
            %dma_wait3A_146 = tpu.memref_slice %arg8[%mul3A_81, %dma_wait3A_145] : memref<40x128xi32, #tpu.memory_space<vmem>> -> memref<1x128xi32, #tpu.memory_space<vmem>>
            %dma_wait3A_147 = tpu.memref_squeeze %dma_wait3A_146 : memref<1x128xi32, #tpu.memory_space<vmem>> -> memref<128xi32, #tpu.memory_space<vmem>>
            %dma_wait3A_148 = arith.constant 0 : i32
            %dma_wait3A_149 = arith.constant 0 : i32
            %dma_wait3A_150 = tpu.memref_slice %arg6[%dma_wait3A_148, %dma_wait3A_149] : memref<10240x128xf32, #tpu.memory_space<vmem_shared>> -> memref<10240x128xf32, #tpu.memory_space<vmem_shared>>
            tpu.wait_indirect_dma semaphore(%run_scoped3A : memref<!tpu.dma_semaphore, #tpu.memory_space<semaphore_mem>>) src(%dma_wait3A_144 : memref<128x128xf32, #tpu.memory_space<vmem>>) dst(%dma_wait3A_150 : memref<10240x128xf32, #tpu.memory_space<vmem_shared>>)
            tpu.yield
          }) : () -> ()
          %add3A_94 = arith.constant 2 : i32
          %add3A_95 = arith.addi %mul3A_81, %add3A_94 : i32
          %rem3A = arith.constant 40 : i32
          %rem3A_96 = arith.remsi %add3A_95, %rem3A : i32
          %dma_start3A_97 = arith.constant 0 : i32
          %dma_start3A_98 = arith.constant 0 : i32
          %dma_start3A_99 = tpu.memref_slice %arg9[%dma_start3A_97, %dma_start3A_98] : memref<256x128xf32, #tpu.memory_space<vmem>> -> memref<128x128xf32, #tpu.memory_space<vmem>>
          %dma_start3A_100 = arith.constant 0 : i32
          %dma_start3A_101 = tpu.memref_slice %arg7[%rem3A_96, %dma_start3A_100] : memref<40x128xi32, #tpu.memory_space<vmem>> -> memref<1x128xi32, #tpu.memory_space<vmem>>
          %dma_start3A_102 = tpu.memref_squeeze %dma_start3A_101 : memref<1x128xi32, #tpu.memory_space<vmem>> -> memref<128xi32, #tpu.memory_space<vmem>>
          %dma_start3A_103 = arith.constant 0 : i32
          %dma_start3A_104 = arith.constant 0 : i32
          %dma_start3A_105 = tpu.memref_slice %arg2[%dma_start3A_103, %dma_start3A_104] : memref<40960x128xf32, #tpu.memory_space<hbm>> -> memref<40960x128xf32, #tpu.memory_space<hbm>>
          tpu.enqueue_indirect_dma source(%dma_start3A_105 : memref<40960x128xf32, #tpu.memory_space<hbm>>) target(%dma_start3A_99 : memref<128x128xf32, #tpu.memory_space<vmem>>) offsets(%dma_start3A_102 : memref<128xi32, #tpu.memory_space<vmem>>) semaphore(%arg10 : memref<!tpu.dma_semaphore, #tpu.memory_space<semaphore_mem>>)
          %dma_wait3A_106 = arith.constant 128 : i32
          %dma_wait3A_107 = arith.constant 0 : i32
          %dma_wait3A_108 = tpu.memref_slice %arg9[%dma_wait3A_106, %dma_wait3A_107] : memref<256x128xf32, #tpu.memory_space<vmem>> -> memref<128x128xf32, #tpu.memory_space<vmem>>
          %dma_wait3A_109 = arith.constant 0 : i32
          %dma_wait3A_110 = arith.constant 0 : i32
          %dma_wait3A_111 = tpu.memref_slice %arg2[%dma_wait3A_109, %dma_wait3A_110] : memref<40960x128xf32, #tpu.memory_space<hbm>> -> memref<128x128xf32, #tpu.memory_space<hbm>>
          %dma_wait3A_112 = arith.constant 128 : i32
          %dma_wait3A_113 = arith.constant 0 : i32
          %dma_wait3A_114 = tpu.memref_slice %arg9[%dma_wait3A_112, %dma_wait3A_113] : memref<256x128xf32, #tpu.memory_space<vmem>> -> memref<128x128xf32, #tpu.memory_space<vmem>>
          %dma_wait3A_115 = arith.constant 0 : i32
          %dma_wait3A_116 = arith.constant 0 : i32
          %dma_wait3A_117 = tpu.memref_slice %arg2[%dma_wait3A_115, %dma_wait3A_116] : memref<40960x128xf32, #tpu.memory_space<hbm>> -> memref<128x128xf32, #tpu.memory_space<hbm>>
          tpu.wait_dma2 semaphore(%arg11 : memref<!tpu.dma_semaphore, #tpu.memory_space<semaphore_mem>>) src(%dma_wait3A_117 : memref<128x128xf32, #tpu.memory_space<hbm>>) dst(%dma_wait3A_114 : memref<128x128xf32, #tpu.memory_space<vmem>>)
          %add3A_118 = arith.constant 1 : i32
          %add3A_119 = arith.addi %mul3A_81, %add3A_118 : i32
          "tpu.region"() ({
            %run_scoped3A = tpu.sem_alloc : memref<!tpu.dma_semaphore, #tpu.memory_space<semaphore_mem>>
            %dma_start3A_133 = arith.constant 128 : i32
            %dma_start3A_134 = arith.constant 0 : i32
            %dma_start3A_135 = tpu.memref_slice %arg9[%dma_start3A_133, %dma_start3A_134] : memref<256x128xf32, #tpu.memory_space<vmem>> -> memref<128x128xf32, #tpu.memory_space<vmem>>
            %dma_start3A_136 = arith.constant 0 : i32
            %dma_start3A_137 = tpu.memref_slice %arg8[%add3A_119, %dma_start3A_136] : memref<40x128xi32, #tpu.memory_space<vmem>> -> memref<1x128xi32, #tpu.memory_space<vmem>>
            %dma_start3A_138 = tpu.memref_squeeze %dma_start3A_137 : memref<1x128xi32, #tpu.memory_space<vmem>> -> memref<128xi32, #tpu.memory_space<vmem>>
            %dma_start3A_139 = arith.constant 0 : i32
            %dma_start3A_140 = arith.constant 0 : i32
            %dma_start3A_141 = tpu.memref_slice %arg6[%dma_start3A_139, %dma_start3A_140] : memref<10240x128xf32, #tpu.memory_space<vmem_shared>> -> memref<10240x128xf32, #tpu.memory_space<vmem_shared>>
            tpu.enqueue_indirect_dma source(%dma_start3A_135 : memref<128x128xf32, #tpu.memory_space<vmem>>) target(%dma_start3A_141 : memref<10240x128xf32, #tpu.memory_space<vmem_shared>>) offsets(%dma_start3A_138 : memref<128xi32, #tpu.memory_space<vmem>>) semaphore(%run_scoped3A : memref<!tpu.dma_semaphore, #tpu.memory_space<semaphore_mem>>) {add = true}
            %dma_wait3A_142 = arith.constant 128 : i32
            %dma_wait3A_143 = arith.constant 0 : i32
            %dma_wait3A_144 = tpu.memref_slice %arg9[%dma_wait3A_142, %dma_wait3A_143] : memref<256x128xf32, #tpu.memory_space<vmem>> -> memref<128x128xf32, #tpu.memory_space<vmem>>
            %dma_wait3A_145 = arith.constant 0 : i32
            %dma_wait3A_146 = tpu.memref_slice %arg8[%add3A_119, %dma_wait3A_145] : memref<40x128xi32, #tpu.memory_space<vmem>> -> memref<1x128xi32, #tpu.memory_space<vmem>>
            %dma_wait3A_147 = tpu.memref_squeeze %dma_wait3A_146 : memref<1x128xi32, #tpu.memory_space<vmem>> -> memref<128xi32, #tpu.memory_space<vmem>>
            %dma_wait3A_148 = arith.constant 0 : i32
            %dma_wait3A_149 = arith.constant 0 : i32
            %dma_wait3A_150 = tpu.memref_slice %arg6[%dma_wait3A_148, %dma_wait3A_149] : memref<10240x128xf32, #tpu.memory_space<vmem_shared>> -> memref<10240x128xf32, #tpu.memory_space<vmem_shared>>
            tpu.wait_indirect_dma semaphore(%run_scoped3A : memref<!tpu.dma_semaphore, #tpu.memory_space<semaphore_mem>>) src(%dma_wait3A_144 : memref<128x128xf32, #tpu.memory_space<vmem>>) dst(%dma_wait3A_150 : memref<10240x128xf32, #tpu.memory_space<vmem_shared>>)
            tpu.yield
          }) : () -> ()
          %add3A_120 = arith.constant 3 : i32
          %add3A_121 = arith.addi %mul3A_81, %add3A_120 : i32
          %rem3A_122 = arith.constant 40 : i32
          %rem3A_123 = arith.remsi %add3A_121, %rem3A_122 : i32
          %dma_start3A_124 = arith.constant 128 : i32
          %dma_start3A_125 = arith.constant 0 : i32
          %dma_start3A_126 = tpu.memref_slice %arg9[%dma_start3A_124, %dma_start3A_125] : memref<256x128xf32, #tpu.memory_space<vmem>> -> memref<128x128xf32, #tpu.memory_space<vmem>>
          %dma_start3A_127 = arith.constant 0 : i32
          %dma_start3A_128 = tpu.memref_slice %arg7[%rem3A_123, %dma_start3A_127] : memref<40x128xi32, #tpu.memory_space<vmem>> -> memref<1x128xi32, #tpu.memory_space<vmem>>
          %dma_start3A_129 = tpu.memref_squeeze %dma_start3A_128 : memref<1x128xi32, #tpu.memory_space<vmem>> -> memref<128xi32, #tpu.memory_space<vmem>>
          %dma_start3A_130 = arith.constant 0 : i32
          %dma_start3A_131 = arith.constant 0 : i32
          %dma_start3A_132 = tpu.memref_slice %arg2[%dma_start3A_130, %dma_start3A_131] : memref<40960x128xf32, #tpu.memory_space<hbm>> -> memref<40960x128xf32, #tpu.memory_space<hbm>>
          tpu.enqueue_indirect_dma source(%dma_start3A_132 : memref<40960x128xf32, #tpu.memory_space<hbm>>) target(%dma_start3A_126 : memref<128x128xf32, #tpu.memory_space<vmem>>) offsets(%dma_start3A_129 : memref<128xi32, #tpu.memory_space<vmem>>) semaphore(%arg11 : memref<!tpu.dma_semaphore, #tpu.memory_space<semaphore_mem>>)
        }
        %scan3A_55 = arith.constant 20 : i32
        %dma_wait3A = arith.constant 0 : i32
        %dma_wait3A_56 = arith.constant 0 : i32
        %dma_wait3A_57 = tpu.memref_slice %arg9[%dma_wait3A, %dma_wait3A_56] : memref<256x128xf32, #tpu.memory_space<vmem>> -> memref<128x128xf32, #tpu.memory_space<vmem>>
        %dma_wait3A_58 = arith.constant 0 : i32
        %dma_wait3A_59 = arith.constant 0 : i32
        %dma_wait3A_60 = tpu.memref_slice %arg2[%dma_wait3A_58, %dma_wait3A_59] : memref<40960x128xf32, #tpu.memory_space<hbm>> -> memref<128x128xf32, #tpu.memory_space<hbm>>
        %dma_wait3A_61 = arith.constant 0 : i32
        %dma_wait3A_62 = arith.constant 0 : i32
        %dma_wait3A_63 = tpu.memref_slice %arg9[%dma_wait3A_61, %dma_wait3A_62] : memref<256x128xf32, #tpu.memory_space<vmem>> -> memref<128x128xf32, #tpu.memory_space<vmem>>
        %dma_wait3A_64 = arith.constant 0 : i32
        %dma_wait3A_65 = arith.constant 0 : i32
        %dma_wait3A_66 = tpu.memref_slice %arg2[%dma_wait3A_64, %dma_wait3A_65] : memref<40960x128xf32, #tpu.memory_space<hbm>> -> memref<128x128xf32, #tpu.memory_space<hbm>>
        tpu.wait_dma2 semaphore(%arg10 : memref<!tpu.dma_semaphore, #tpu.memory_space<semaphore_mem>>) src(%dma_wait3A_66 : memref<128x128xf32, #tpu.memory_space<hbm>>) dst(%dma_wait3A_63 : memref<128x128xf32, #tpu.memory_space<vmem>>)
        %dma_wait3A_67 = arith.constant 128 : i32
        %dma_wait3A_68 = arith.constant 0 : i32
        %dma_wait3A_69 = tpu.memref_slice %arg9[%dma_wait3A_67, %dma_wait3A_68] : memref<256x128xf32, #tpu.memory_space<vmem>> -> memref<128x128xf32, #tpu.memory_space<vmem>>
        %dma_wait3A_70 = arith.constant 0 : i32
        %dma_wait3A_71 = arith.constant 0 : i32
        %dma_wait3A_72 = tpu.memref_slice %arg2[%dma_wait3A_70, %dma_wait3A_71] : memref<40960x128xf32, #tpu.memory_space<hbm>> -> memref<128x128xf32, #tpu.memory_space<hbm>>
        %dma_wait3A_73 = arith.constant 128 : i32
        %dma_wait3A_74 = arith.constant 0 : i32
        %dma_wait3A_75 = tpu.memref_slice %arg9[%dma_wait3A_73, %dma_wait3A_74] : memref<256x128xf32, #tpu.memory_space<vmem>> -> memref<128x128xf32, #tpu.memory_space<vmem>>
        %dma_wait3A_76 = arith.constant 0 : i32
        %dma_wait3A_77 = arith.constant 0 : i32
        %dma_wait3A_78 = tpu.memref_slice %arg2[%dma_wait3A_76, %dma_wait3A_77] : memref<40960x128xf32, #tpu.memory_space<hbm>> -> memref<128x128xf32, #tpu.memory_space<hbm>>
        tpu.wait_dma2 semaphore(%arg11 : memref<!tpu.dma_semaphore, #tpu.memory_space<semaphore_mem>>) src(%dma_wait3A_78 : memref<128x128xf32, #tpu.memory_space<hbm>>) dst(%dma_wait3A_75 : memref<128x128xf32, #tpu.memory_space<vmem>>)
      }
      %scan3A_19 = arith.constant 2 : i32
      %barrier3A_20 = arith.constant 0 : index
      tpu.barrier barrier_id(%barrier3A_20)
      %mul3A_21 = arith.constant 640 : i32
      %mul3A_22 = arith.muli %arg1, %mul3A_21 : i32
      %mul3A_23 = arith.constant 640 : i32
      %mul3A_24 = arith.muli %arg1, %mul3A_23 : i32
      "tpu.region"() ({
        %run_scoped3A = tpu.sem_alloc : memref<!tpu.dma_semaphore, #tpu.memory_space<semaphore_mem>>
        %dma_start3A = arith.constant 0 : i32
        %dma_start3A_26 = tpu.memref_slice %arg5[%add3A, %mul3A_24, %dma_start3A] : memref<4x10240x128xf32, #tpu.memory_space<hbm>> -> memref<1x640x128xf32, #tpu.memory_space<hbm>>
        %dma_start3A_27 = tpu.memref_squeeze %dma_start3A_26 : memref<1x640x128xf32, #tpu.memory_space<hbm>> -> memref<640x128xf32, #tpu.memory_space<hbm>>
        %dma_start3A_28 = arith.constant 0 : i32
        %dma_start3A_29 = tpu.memref_slice %arg6[%mul3A_22, %dma_start3A_28] : memref<10240x128xf32, #tpu.memory_space<vmem_shared>> -> memref<640x128xf32, #tpu.memory_space<vmem_shared>>
        tpu.enqueue_dma source(%dma_start3A_29 : memref<640x128xf32, #tpu.memory_space<vmem_shared>>) target(%dma_start3A_27 : memref<640x128xf32, #tpu.memory_space<hbm>>) target_semaphore(%run_scoped3A : memref<!tpu.dma_semaphore, #tpu.memory_space<semaphore_mem>>)
        %dma_wait3A = arith.constant 0 : i32
        %dma_wait3A_30 = tpu.memref_slice %arg5[%add3A, %mul3A_24, %dma_wait3A] : memref<4x10240x128xf32, #tpu.memory_space<hbm>> -> memref<1x640x128xf32, #tpu.memory_space<hbm>>
        %dma_wait3A_31 = tpu.memref_squeeze %dma_wait3A_30 : memref<1x640x128xf32, #tpu.memory_space<hbm>> -> memref<640x128xf32, #tpu.memory_space<hbm>>
        %dma_wait3A_32 = arith.constant 0 : i32
        %dma_wait3A_33 = tpu.memref_slice %arg6[%mul3A_22, %dma_wait3A_32] : memref<10240x128xf32, #tpu.memory_space<vmem_shared>> -> memref<640x128xf32, #tpu.memory_space<vmem_shared>>
        tpu.wait_dma2 semaphore(%run_scoped3A : memref<!tpu.dma_semaphore, #tpu.memory_space<semaphore_mem>>) src(%dma_wait3A_33 : memref<640x128xf32, #tpu.memory_space<vmem_shared>>) dst(%dma_wait3A_31 : memref<640x128xf32, #tpu.memory_space<hbm>>)
        tpu.yield
      }) : () -> ()
      %barrier3A_25 = arith.constant 0 : index
      tpu.barrier barrier_id(%barrier3A_25)
    }
    %scan3A_4 = arith.constant 2 : i32
    return
  }
}

#map = affine_map<(d0, d1) -> (0, 0)>
#map1 = affine_map<(d0, d1) -> (0, 0, 0, 0)>
#map2 = affine_map<(d0, d1) -> (0, 0, 0)>
module attributes {stable_mosaic.version = 14 : i64} {
  func.func @_agg_kernel_body(%arg0: i32, %arg1: i32, %arg2: memref<40960x128xf32, #tpu.memory_space<hbm>>, %arg3: memref<4x16x80x128xi32, #tpu.memory_space<hbm>>, %arg4: memref<16x80x128xi32, #tpu.memory_space<hbm>>, %arg5: memref<4x10240x128xf32, #tpu.memory_space<hbm>>, %arg6: memref<10240x128xf32, #tpu.memory_space<vmem_shared>>, %arg7: memref<40x128xi32, #tpu.memory_space<vmem>>, %arg8: memref<40x128xi32, #tpu.memory_space<vmem>>, %arg9: memref<256x128xf32, #tpu.memory_space<vmem>>, %arg10: memref<!tpu.dma_semaphore, #tpu.memory_space<semaphore_mem>>, %arg11: memref<!tpu.dma_semaphore, #tpu.memory_space<semaphore_mem>>) attributes {dimension_semantics = [#tpu.dimension_semantics<core_parallel>, #tpu.dimension_semantics<subcore_parallel>], iteration_bounds = array<i64: 2, 16>, scalar_prefetch = 0 : i64, scratch_operands = 6 : i64, tpu.core_type = #tpu.core_type<sc_vector_subcore>, window_params = [{transform_indices = #map}, {transform_indices = #map1}, {transform_indices = #map2}, {transform_indices = #map2}]} {
    %scan3A = arith.constant 0 : i32
    %scan3A_0 = arith.constant 0 : i32
    %scan3A_1 = arith.constant 2 : i32
    %scan3A_2 = arith.addi %scan3A_0, %scan3A_1 : i32
    %scan3A_3 = arith.constant 1 : i32
    scf.for %scan3A_5 = %scan3A_0 to %scan3A_2 step %scan3A_3  : i32 {
      %mul3A = arith.constant 2 : i32
      %mul3A_6 = arith.muli %arg0, %mul3A : i32
      %add3A = arith.addi %mul3A_6, %scan3A_5 : i32
      %mul3A_7 = arith.constant 10240 : i32
      %mul3A_8 = arith.muli %add3A, %mul3A_7 : i32
      %mul3A_9 = arith.constant 640 : i32
      %mul3A_10 = arith.muli %arg1, %mul3A_9 : i32
      %add3A_11 = arith.addi %mul3A_8, %mul3A_10 : i32
      %mul3A_12 = arith.constant 640 : i32
      %mul3A_13 = arith.muli %arg1, %mul3A_12 : i32
      "tpu.region"() ({
        %run_scoped3A = tpu.sem_alloc : memref<!tpu.dma_semaphore, #tpu.memory_space<semaphore_mem>>
        %dma_start3A = arith.constant 0 : i32
        %dma_start3A_26 = tpu.memref_slice %arg6[%mul3A_13, %dma_start3A] : memref<10240x128xf32, #tpu.memory_space<vmem_shared>> -> memref<640x128xf32, #tpu.memory_space<vmem_shared>>
        %dma_start3A_27 = arith.constant 0 : i32
        %dma_start3A_28 = tpu.memref_slice %arg2[%add3A_11, %dma_start3A_27] : memref<40960x128xf32, #tpu.memory_space<hbm>> -> memref<640x128xf32, #tpu.memory_space<hbm>>
        tpu.enqueue_dma source(%dma_start3A_28 : memref<640x128xf32, #tpu.memory_space<hbm>>) target(%dma_start3A_26 : memref<640x128xf32, #tpu.memory_space<vmem_shared>>) target_semaphore(%run_scoped3A : memref<!tpu.dma_semaphore, #tpu.memory_space<semaphore_mem>>)
        %dma_wait3A = arith.constant 0 : i32
        %dma_wait3A_29 = tpu.memref_slice %arg6[%mul3A_13, %dma_wait3A] : memref<10240x128xf32, #tpu.memory_space<vmem_shared>> -> memref<640x128xf32, #tpu.memory_space<vmem_shared>>
        %dma_wait3A_30 = arith.constant 0 : i32
        %dma_wait3A_31 = tpu.memref_slice %arg2[%add3A_11, %dma_wait3A_30] : memref<40960x128xf32, #tpu.memory_space<hbm>> -> memref<640x128xf32, #tpu.memory_space<hbm>>
        tpu.wait_dma2 semaphore(%run_scoped3A : memref<!tpu.dma_semaphore, #tpu.memory_space<semaphore_mem>>) src(%dma_wait3A_31 : memref<640x128xf32, #tpu.memory_space<hbm>>) dst(%dma_wait3A_29 : memref<640x128xf32, #tpu.memory_space<vmem_shared>>)
        tpu.yield
      }) : () -> ()
      %barrier3A = arith.constant 0 : index
      tpu.barrier barrier_id(%barrier3A)
      %scan3A_14 = arith.constant 0 : i32
      %scan3A_15 = arith.constant 0 : i32
      %scan3A_16 = arith.constant 2 : i32
      %scan3A_17 = arith.addi %scan3A_15, %scan3A_16 : i32
      %scan3A_18 = arith.constant 1 : i32
      scf.for %scan3A_26 = %scan3A_15 to %scan3A_17 step %scan3A_18  : i32 {
        %mul3A_27 = arith.constant 40 : i32
        %mul3A_28 = arith.muli %scan3A_26, %mul3A_27 : i32
        "tpu.region"() ({
          %run_scoped3A = tpu.sem_alloc : memref<!tpu.dma_semaphore, #tpu.memory_space<semaphore_mem>>
          %dma_start3A_79 = arith.constant 0 : i32
          %dma_start3A_80 = tpu.memref_slice %arg3[%add3A, %arg1, %mul3A_28, %dma_start3A_79] : memref<4x16x80x128xi32, #tpu.memory_space<hbm>> -> memref<1x1x40x128xi32, #tpu.memory_space<hbm>>
          %dma_start3A_81 = tpu.memref_squeeze %dma_start3A_80 : memref<1x1x40x128xi32, #tpu.memory_space<hbm>> -> memref<40x128xi32, #tpu.memory_space<hbm>>
          %dma_start3A_82 = arith.constant 0 : i32
          %dma_start3A_83 = tpu.memref_slice %arg3[%add3A, %arg1, %mul3A_28, %dma_start3A_82] : memref<4x16x80x128xi32, #tpu.memory_space<hbm>> -> memref<1x1x40x128xi32, #tpu.memory_space<hbm>>
          %dma_start3A_84 = tpu.memref_squeeze %dma_start3A_83 : memref<1x1x40x128xi32, #tpu.memory_space<hbm>> -> memref<40x128xi32, #tpu.memory_space<hbm>>
          tpu.enqueue_dma source(%dma_start3A_84 : memref<40x128xi32, #tpu.memory_space<hbm>>) target(%arg7 : memref<40x128xi32, #tpu.memory_space<vmem>>) target_semaphore(%run_scoped3A : memref<!tpu.dma_semaphore, #tpu.memory_space<semaphore_mem>>)
          %dma_wait3A_85 = arith.constant 0 : i32
          %dma_wait3A_86 = tpu.memref_slice %arg3[%add3A, %arg1, %mul3A_28, %dma_wait3A_85] : memref<4x16x80x128xi32, #tpu.memory_space<hbm>> -> memref<1x1x40x128xi32, #tpu.memory_space<hbm>>
          %dma_wait3A_87 = tpu.memref_squeeze %dma_wait3A_86 : memref<1x1x40x128xi32, #tpu.memory_space<hbm>> -> memref<40x128xi32, #tpu.memory_space<hbm>>
          %dma_wait3A_88 = arith.constant 0 : i32
          %dma_wait3A_89 = tpu.memref_slice %arg3[%add3A, %arg1, %mul3A_28, %dma_wait3A_88] : memref<4x16x80x128xi32, #tpu.memory_space<hbm>> -> memref<1x1x40x128xi32, #tpu.memory_space<hbm>>
          %dma_wait3A_90 = tpu.memref_squeeze %dma_wait3A_89 : memref<1x1x40x128xi32, #tpu.memory_space<hbm>> -> memref<40x128xi32, #tpu.memory_space<hbm>>
          tpu.wait_dma2 semaphore(%run_scoped3A : memref<!tpu.dma_semaphore, #tpu.memory_space<semaphore_mem>>) src(%dma_wait3A_90 : memref<40x128xi32, #tpu.memory_space<hbm>>) dst(%arg7 : memref<40x128xi32, #tpu.memory_space<vmem>>)
          tpu.yield
        }) : () -> ()
        %mul3A_29 = arith.constant 40 : i32
        %mul3A_30 = arith.muli %scan3A_26, %mul3A_29 : i32
        "tpu.region"() ({
          %run_scoped3A = tpu.sem_alloc : memref<!tpu.dma_semaphore, #tpu.memory_space<semaphore_mem>>
          %dma_start3A_79 = arith.constant 0 : i32
          %dma_start3A_80 = tpu.memref_slice %arg4[%arg1, %mul3A_30, %dma_start3A_79] : memref<16x80x128xi32, #tpu.memory_space<hbm>> -> memref<1x40x128xi32, #tpu.memory_space<hbm>>
          %dma_start3A_81 = tpu.memref_squeeze %dma_start3A_80 : memref<1x40x128xi32, #tpu.memory_space<hbm>> -> memref<40x128xi32, #tpu.memory_space<hbm>>
          %dma_start3A_82 = arith.constant 0 : i32
          %dma_start3A_83 = tpu.memref_slice %arg4[%arg1, %mul3A_30, %dma_start3A_82] : memref<16x80x128xi32, #tpu.memory_space<hbm>> -> memref<1x40x128xi32, #tpu.memory_space<hbm>>
          %dma_start3A_84 = tpu.memref_squeeze %dma_start3A_83 : memref<1x40x128xi32, #tpu.memory_space<hbm>> -> memref<40x128xi32, #tpu.memory_space<hbm>>
          tpu.enqueue_dma source(%dma_start3A_84 : memref<40x128xi32, #tpu.memory_space<hbm>>) target(%arg8 : memref<40x128xi32, #tpu.memory_space<vmem>>) target_semaphore(%run_scoped3A : memref<!tpu.dma_semaphore, #tpu.memory_space<semaphore_mem>>)
          %dma_wait3A_85 = arith.constant 0 : i32
          %dma_wait3A_86 = tpu.memref_slice %arg4[%arg1, %mul3A_30, %dma_wait3A_85] : memref<16x80x128xi32, #tpu.memory_space<hbm>> -> memref<1x40x128xi32, #tpu.memory_space<hbm>>
          %dma_wait3A_87 = tpu.memref_squeeze %dma_wait3A_86 : memref<1x40x128xi32, #tpu.memory_space<hbm>> -> memref<40x128xi32, #tpu.memory_space<hbm>>
          %dma_wait3A_88 = arith.constant 0 : i32
          %dma_wait3A_89 = tpu.memref_slice %arg4[%arg1, %mul3A_30, %dma_wait3A_88] : memref<16x80x128xi32, #tpu.memory_space<hbm>> -> memref<1x40x128xi32, #tpu.memory_space<hbm>>
          %dma_wait3A_90 = tpu.memref_squeeze %dma_wait3A_89 : memref<1x40x128xi32, #tpu.memory_space<hbm>> -> memref<40x128xi32, #tpu.memory_space<hbm>>
          tpu.wait_dma2 semaphore(%run_scoped3A : memref<!tpu.dma_semaphore, #tpu.memory_space<semaphore_mem>>) src(%dma_wait3A_90 : memref<40x128xi32, #tpu.memory_space<hbm>>) dst(%arg8 : memref<40x128xi32, #tpu.memory_space<vmem>>)
          tpu.yield
        }) : () -> ()
        %dma_start3A = arith.constant 0 : i32
        %dma_start3A_31 = arith.constant 0 : i32
        %dma_start3A_32 = arith.constant 0 : i32
        %dma_start3A_33 = tpu.memref_slice %arg9[%dma_start3A_31, %dma_start3A_32] : memref<256x128xf32, #tpu.memory_space<vmem>> -> memref<128x128xf32, #tpu.memory_space<vmem>>
        %dma_start3A_34 = arith.constant 0 : i32
        %dma_start3A_35 = tpu.memref_slice %arg7[%dma_start3A, %dma_start3A_34] : memref<40x128xi32, #tpu.memory_space<vmem>> -> memref<1x128xi32, #tpu.memory_space<vmem>>
        %dma_start3A_36 = tpu.memref_squeeze %dma_start3A_35 : memref<1x128xi32, #tpu.memory_space<vmem>> -> memref<128xi32, #tpu.memory_space<vmem>>
        %dma_start3A_37 = arith.constant 0 : i32
        %dma_start3A_38 = arith.constant 0 : i32
        %dma_start3A_39 = tpu.memref_slice %arg2[%dma_start3A_37, %dma_start3A_38] : memref<40960x128xf32, #tpu.memory_space<hbm>> -> memref<40960x128xf32, #tpu.memory_space<hbm>>
        tpu.enqueue_indirect_dma source(%dma_start3A_39 : memref<40960x128xf32, #tpu.memory_space<hbm>>) target(%dma_start3A_33 : memref<128x128xf32, #tpu.memory_space<vmem>>) offsets(%dma_start3A_36 : memref<128xi32, #tpu.memory_space<vmem>>) semaphore(%arg10 : memref<!tpu.dma_semaphore, #tpu.memory_space<semaphore_mem>>)
        %dma_start3A_40 = arith.constant 1 : i32
        %dma_start3A_41 = arith.constant 128 : i32
        %dma_start3A_42 = arith.constant 0 : i32
        %dma_start3A_43 = tpu.memref_slice %arg9[%dma_start3A_41, %dma_start3A_42] : memref<256x128xf32, #tpu.memory_space<vmem>> -> memref<128x128xf32, #tpu.memory_space<vmem>>
        %dma_start3A_44 = arith.constant 0 : i32
        %dma_start3A_45 = tpu.memref_slice %arg7[%dma_start3A_40, %dma_start3A_44] : memref<40x128xi32, #tpu.memory_space<vmem>> -> memref<1x128xi32, #tpu.memory_space<vmem>>
        %dma_start3A_46 = tpu.memref_squeeze %dma_start3A_45 : memref<1x128xi32, #tpu.memory_space<vmem>> -> memref<128xi32, #tpu.memory_space<vmem>>
        %dma_start3A_47 = arith.constant 0 : i32
        %dma_start3A_48 = arith.constant 0 : i32
        %dma_start3A_49 = tpu.memref_slice %arg2[%dma_start3A_47, %dma_start3A_48] : memref<40960x128xf32, #tpu.memory_space<hbm>> -> memref<40960x128xf32, #tpu.memory_space<hbm>>
        tpu.enqueue_indirect_dma source(%dma_start3A_49 : memref<40960x128xf32, #tpu.memory_space<hbm>>) target(%dma_start3A_43 : memref<128x128xf32, #tpu.memory_space<vmem>>) offsets(%dma_start3A_46 : memref<128xi32, #tpu.memory_space<vmem>>) semaphore(%arg11 : memref<!tpu.dma_semaphore, #tpu.memory_space<semaphore_mem>>)
        %scan3A_50 = arith.constant 0 : i32
        %scan3A_51 = arith.constant 0 : i32
        %scan3A_52 = arith.constant 20 : i32
        %scan3A_53 = arith.addi %scan3A_51, %scan3A_52 : i32
        %scan3A_54 = arith.constant 1 : i32
        scf.for %scan3A_79 = %scan3A_51 to %scan3A_53 step %scan3A_54  : i32 {
          %mul3A_80 = arith.constant 2 : i32
          %mul3A_81 = arith.muli %mul3A_80, %scan3A_79 : i32
          %dma_wait3A_82 = arith.constant 0 : i32
          %dma_wait3A_83 = arith.constant 0 : i32
          %dma_wait3A_84 = tpu.memref_slice %arg9[%dma_wait3A_82, %dma_wait3A_83] : memref<256x128xf32, #tpu.memory_space<vmem>> -> memref<128x128xf32, #tpu.memory_space<vmem>>
          %dma_wait3A_85 = arith.constant 0 : i32
          %dma_wait3A_86 = arith.constant 0 : i32
          %dma_wait3A_87 = tpu.memref_slice %arg2[%dma_wait3A_85, %dma_wait3A_86] : memref<40960x128xf32, #tpu.memory_space<hbm>> -> memref<128x128xf32, #tpu.memory_space<hbm>>
          %dma_wait3A_88 = arith.constant 0 : i32
          %dma_wait3A_89 = arith.constant 0 : i32
          %dma_wait3A_90 = tpu.memref_slice %arg9[%dma_wait3A_88, %dma_wait3A_89] : memref<256x128xf32, #tpu.memory_space<vmem>> -> memref<128x128xf32, #tpu.memory_space<vmem>>
          %dma_wait3A_91 = arith.constant 0 : i32
          %dma_wait3A_92 = arith.constant 0 : i32
          %dma_wait3A_93 = tpu.memref_slice %arg2[%dma_wait3A_91, %dma_wait3A_92] : memref<40960x128xf32, #tpu.memory_space<hbm>> -> memref<128x128xf32, #tpu.memory_space<hbm>>
          tpu.wait_dma2 semaphore(%arg10 : memref<!tpu.dma_semaphore, #tpu.memory_space<semaphore_mem>>) src(%dma_wait3A_93 : memref<128x128xf32, #tpu.memory_space<hbm>>) dst(%dma_wait3A_90 : memref<128x128xf32, #tpu.memory_space<vmem>>)
          "tpu.region"() ({
            %run_scoped3A = tpu.sem_alloc : memref<!tpu.dma_semaphore, #tpu.memory_space<semaphore_mem>>
            %dma_start3A_133 = arith.constant 0 : i32
            %dma_start3A_134 = arith.constant 0 : i32
            %dma_start3A_135 = tpu.memref_slice %arg9[%dma_start3A_133, %dma_start3A_134] : memref<256x128xf32, #tpu.memory_space<vmem>> -> memref<128x128xf32, #tpu.memory_space<vmem>>
            %dma_start3A_136 = arith.constant 0 : i32
            %dma_start3A_137 = tpu.memref_slice %arg8[%mul3A_81, %dma_start3A_136] : memref<40x128xi32, #tpu.memory_space<vmem>> -> memref<1x128xi32, #tpu.memory_space<vmem>>
            %dma_start3A_138 = tpu.memref_squeeze %dma_start3A_137 : memref<1x128xi32, #tpu.memory_space<vmem>> -> memref<128xi32, #tpu.memory_space<vmem>>
            %dma_start3A_139 = arith.constant 0 : i32
            %dma_start3A_140 = arith.constant 0 : i32
            %dma_start3A_141 = tpu.memref_slice %arg6[%dma_start3A_139, %dma_start3A_140] : memref<10240x128xf32, #tpu.memory_space<vmem_shared>> -> memref<10240x128xf32, #tpu.memory_space<vmem_shared>>
            tpu.enqueue_indirect_dma source(%dma_start3A_135 : memref<128x128xf32, #tpu.memory_space<vmem>>) target(%dma_start3A_141 : memref<10240x128xf32, #tpu.memory_space<vmem_shared>>) offsets(%dma_start3A_138 : memref<128xi32, #tpu.memory_space<vmem>>) semaphore(%run_scoped3A : memref<!tpu.dma_semaphore, #tpu.memory_space<semaphore_mem>>) {add = true}
            %dma_wait3A_142 = arith.constant 0 : i32
            %dma_wait3A_143 = arith.constant 0 : i32
            %dma_wait3A_144 = tpu.memref_slice %arg9[%dma_wait3A_142, %dma_wait3A_143] : memref<256x128xf32, #tpu.memory_space<vmem>> -> memref<128x128xf32, #tpu.memory_space<vmem>>
            %dma_wait3A_145 = arith.constant 0 : i32
            %dma_wait3A_146 = tpu.memref_slice %arg8[%mul3A_81, %dma_wait3A_145] : memref<40x128xi32, #tpu.memory_space<vmem>> -> memref<1x128xi32, #tpu.memory_space<vmem>>
            %dma_wait3A_147 = tpu.memref_squeeze %dma_wait3A_146 : memref<1x128xi32, #tpu.memory_space<vmem>> -> memref<128xi32, #tpu.memory_space<vmem>>
            %dma_wait3A_148 = arith.constant 0 : i32
            %dma_wait3A_149 = arith.constant 0 : i32
            %dma_wait3A_150 = tpu.memref_slice %arg6[%dma_wait3A_148, %dma_wait3A_149] : memref<10240x128xf32, #tpu.memory_space<vmem_shared>> -> memref<10240x128xf32, #tpu.memory_space<vmem_shared>>
            tpu.wait_indirect_dma semaphore(%run_scoped3A : memref<!tpu.dma_semaphore, #tpu.memory_space<semaphore_mem>>) src(%dma_wait3A_144 : memref<128x128xf32, #tpu.memory_space<vmem>>) dst(%dma_wait3A_150 : memref<10240x128xf32, #tpu.memory_space<vmem_shared>>)
            tpu.yield
          }) : () -> ()
          %add3A_94 = arith.constant 2 : i32
          %add3A_95 = arith.addi %mul3A_81, %add3A_94 : i32
          %rem3A = arith.constant 40 : i32
          %rem3A_96 = arith.remsi %add3A_95, %rem3A : i32
          %dma_start3A_97 = arith.constant 0 : i32
          %dma_start3A_98 = arith.constant 0 : i32
          %dma_start3A_99 = tpu.memref_slice %arg9[%dma_start3A_97, %dma_start3A_98] : memref<256x128xf32, #tpu.memory_space<vmem>> -> memref<128x128xf32, #tpu.memory_space<vmem>>
          %dma_start3A_100 = arith.constant 0 : i32
          %dma_start3A_101 = tpu.memref_slice %arg7[%rem3A_96, %dma_start3A_100] : memref<40x128xi32, #tpu.memory_space<vmem>> -> memref<1x128xi32, #tpu.memory_space<vmem>>
          %dma_start3A_102 = tpu.memref_squeeze %dma_start3A_101 : memref<1x128xi32, #tpu.memory_space<vmem>> -> memref<128xi32, #tpu.memory_space<vmem>>
          %dma_start3A_103 = arith.constant 0 : i32
          %dma_start3A_104 = arith.constant 0 : i32
          %dma_start3A_105 = tpu.memref_slice %arg2[%dma_start3A_103, %dma_start3A_104] : memref<40960x128xf32, #tpu.memory_space<hbm>> -> memref<40960x128xf32, #tpu.memory_space<hbm>>
          tpu.enqueue_indirect_dma source(%dma_start3A_105 : memref<40960x128xf32, #tpu.memory_space<hbm>>) target(%dma_start3A_99 : memref<128x128xf32, #tpu.memory_space<vmem>>) offsets(%dma_start3A_102 : memref<128xi32, #tpu.memory_space<vmem>>) semaphore(%arg10 : memref<!tpu.dma_semaphore, #tpu.memory_space<semaphore_mem>>)
          %dma_wait3A_106 = arith.constant 128 : i32
          %dma_wait3A_107 = arith.constant 0 : i32
          %dma_wait3A_108 = tpu.memref_slice %arg9[%dma_wait3A_106, %dma_wait3A_107] : memref<256x128xf32, #tpu.memory_space<vmem>> -> memref<128x128xf32, #tpu.memory_space<vmem>>
          %dma_wait3A_109 = arith.constant 0 : i32
          %dma_wait3A_110 = arith.constant 0 : i32
          %dma_wait3A_111 = tpu.memref_slice %arg2[%dma_wait3A_109, %dma_wait3A_110] : memref<40960x128xf32, #tpu.memory_space<hbm>> -> memref<128x128xf32, #tpu.memory_space<hbm>>
          %dma_wait3A_112 = arith.constant 128 : i32
          %dma_wait3A_113 = arith.constant 0 : i32
          %dma_wait3A_114 = tpu.memref_slice %arg9[%dma_wait3A_112, %dma_wait3A_113] : memref<256x128xf32, #tpu.memory_space<vmem>> -> memref<128x128xf32, #tpu.memory_space<vmem>>
          %dma_wait3A_115 = arith.constant 0 : i32
          %dma_wait3A_116 = arith.constant 0 : i32
          %dma_wait3A_117 = tpu.memref_slice %arg2[%dma_wait3A_115, %dma_wait3A_116] : memref<40960x128xf32, #tpu.memory_space<hbm>> -> memref<128x128xf32, #tpu.memory_space<hbm>>
          tpu.wait_dma2 semaphore(%arg11 : memref<!tpu.dma_semaphore, #tpu.memory_space<semaphore_mem>>) src(%dma_wait3A_117 : memref<128x128xf32, #tpu.memory_space<hbm>>) dst(%dma_wait3A_114 : memref<128x128xf32, #tpu.memory_space<vmem>>)
          %add3A_118 = arith.constant 1 : i32
          %add3A_119 = arith.addi %mul3A_81, %add3A_118 : i32
          "tpu.region"() ({
            %run_scoped3A = tpu.sem_alloc : memref<!tpu.dma_semaphore, #tpu.memory_space<semaphore_mem>>
            %dma_start3A_133 = arith.constant 128 : i32
            %dma_start3A_134 = arith.constant 0 : i32
            %dma_start3A_135 = tpu.memref_slice %arg9[%dma_start3A_133, %dma_start3A_134] : memref<256x128xf32, #tpu.memory_space<vmem>> -> memref<128x128xf32, #tpu.memory_space<vmem>>
            %dma_start3A_136 = arith.constant 0 : i32
            %dma_start3A_137 = tpu.memref_slice %arg8[%add3A_119, %dma_start3A_136] : memref<40x128xi32, #tpu.memory_space<vmem>> -> memref<1x128xi32, #tpu.memory_space<vmem>>
            %dma_start3A_138 = tpu.memref_squeeze %dma_start3A_137 : memref<1x128xi32, #tpu.memory_space<vmem>> -> memref<128xi32, #tpu.memory_space<vmem>>
            %dma_start3A_139 = arith.constant 0 : i32
            %dma_start3A_140 = arith.constant 0 : i32
            %dma_start3A_141 = tpu.memref_slice %arg6[%dma_start3A_139, %dma_start3A_140] : memref<10240x128xf32, #tpu.memory_space<vmem_shared>> -> memref<10240x128xf32, #tpu.memory_space<vmem_shared>>
            tpu.enqueue_indirect_dma source(%dma_start3A_135 : memref<128x128xf32, #tpu.memory_space<vmem>>) target(%dma_start3A_141 : memref<10240x128xf32, #tpu.memory_space<vmem_shared>>) offsets(%dma_start3A_138 : memref<128xi32, #tpu.memory_space<vmem>>) semaphore(%run_scoped3A : memref<!tpu.dma_semaphore, #tpu.memory_space<semaphore_mem>>) {add = true}
            %dma_wait3A_142 = arith.constant 128 : i32
            %dma_wait3A_143 = arith.constant 0 : i32
            %dma_wait3A_144 = tpu.memref_slice %arg9[%dma_wait3A_142, %dma_wait3A_143] : memref<256x128xf32, #tpu.memory_space<vmem>> -> memref<128x128xf32, #tpu.memory_space<vmem>>
            %dma_wait3A_145 = arith.constant 0 : i32
            %dma_wait3A_146 = tpu.memref_slice %arg8[%add3A_119, %dma_wait3A_145] : memref<40x128xi32, #tpu.memory_space<vmem>> -> memref<1x128xi32, #tpu.memory_space<vmem>>
            %dma_wait3A_147 = tpu.memref_squeeze %dma_wait3A_146 : memref<1x128xi32, #tpu.memory_space<vmem>> -> memref<128xi32, #tpu.memory_space<vmem>>
            %dma_wait3A_148 = arith.constant 0 : i32
            %dma_wait3A_149 = arith.constant 0 : i32
            %dma_wait3A_150 = tpu.memref_slice %arg6[%dma_wait3A_148, %dma_wait3A_149] : memref<10240x128xf32, #tpu.memory_space<vmem_shared>> -> memref<10240x128xf32, #tpu.memory_space<vmem_shared>>
            tpu.wait_indirect_dma semaphore(%run_scoped3A : memref<!tpu.dma_semaphore, #tpu.memory_space<semaphore_mem>>) src(%dma_wait3A_144 : memref<128x128xf32, #tpu.memory_space<vmem>>) dst(%dma_wait3A_150 : memref<10240x128xf32, #tpu.memory_space<vmem_shared>>)
            tpu.yield
          }) : () -> ()
          %add3A_120 = arith.constant 3 : i32
          %add3A_121 = arith.addi %mul3A_81, %add3A_120 : i32
          %rem3A_122 = arith.constant 40 : i32
          %rem3A_123 = arith.remsi %add3A_121, %rem3A_122 : i32
          %dma_start3A_124 = arith.constant 128 : i32
          %dma_start3A_125 = arith.constant 0 : i32
          %dma_start3A_126 = tpu.memref_slice %arg9[%dma_start3A_124, %dma_start3A_125] : memref<256x128xf32, #tpu.memory_space<vmem>> -> memref<128x128xf32, #tpu.memory_space<vmem>>
          %dma_start3A_127 = arith.constant 0 : i32
          %dma_start3A_128 = tpu.memref_slice %arg7[%rem3A_123, %dma_start3A_127] : memref<40x128xi32, #tpu.memory_space<vmem>> -> memref<1x128xi32, #tpu.memory_space<vmem>>
          %dma_start3A_129 = tpu.memref_squeeze %dma_start3A_128 : memref<1x128xi32, #tpu.memory_space<vmem>> -> memref<128xi32, #tpu.memory_space<vmem>>
          %dma_start3A_130 = arith.constant 0 : i32
          %dma_start3A_131 = arith.constant 0 : i32
          %dma_start3A_132 = tpu.memref_slice %arg2[%dma_start3A_130, %dma_start3A_131] : memref<40960x128xf32, #tpu.memory_space<hbm>> -> memref<40960x128xf32, #tpu.memory_space<hbm>>
          tpu.enqueue_indirect_dma source(%dma_start3A_132 : memref<40960x128xf32, #tpu.memory_space<hbm>>) target(%dma_start3A_126 : memref<128x128xf32, #tpu.memory_space<vmem>>) offsets(%dma_start3A_129 : memref<128xi32, #tpu.memory_space<vmem>>) semaphore(%arg11 : memref<!tpu.dma_semaphore, #tpu.memory_space<semaphore_mem>>)
        }
        %scan3A_55 = arith.constant 20 : i32
        %dma_wait3A = arith.constant 0 : i32
        %dma_wait3A_56 = arith.constant 0 : i32
        %dma_wait3A_57 = tpu.memref_slice %arg9[%dma_wait3A, %dma_wait3A_56] : memref<256x128xf32, #tpu.memory_space<vmem>> -> memref<128x128xf32, #tpu.memory_space<vmem>>
        %dma_wait3A_58 = arith.constant 0 : i32
        %dma_wait3A_59 = arith.constant 0 : i32
        %dma_wait3A_60 = tpu.memref_slice %arg2[%dma_wait3A_58, %dma_wait3A_59] : memref<40960x128xf32, #tpu.memory_space<hbm>> -> memref<128x128xf32, #tpu.memory_space<hbm>>
        %dma_wait3A_61 = arith.constant 0 : i32
        %dma_wait3A_62 = arith.constant 0 : i32
        %dma_wait3A_63 = tpu.memref_slice %arg9[%dma_wait3A_61, %dma_wait3A_62] : memref<256x128xf32, #tpu.memory_space<vmem>> -> memref<128x128xf32, #tpu.memory_space<vmem>>
        %dma_wait3A_64 = arith.constant 0 : i32
        %dma_wait3A_65 = arith.constant 0 : i32
        %dma_wait3A_66 = tpu.memref_slice %arg2[%dma_wait3A_64, %dma_wait3A_65] : memref<40960x128xf32, #tpu.memory_space<hbm>> -> memref<128x128xf32, #tpu.memory_space<hbm>>
        tpu.wait_dma2 semaphore(%arg10 : memref<!tpu.dma_semaphore, #tpu.memory_space<semaphore_mem>>) src(%dma_wait3A_66 : memref<128x128xf32, #tpu.memory_space<hbm>>) dst(%dma_wait3A_63 : memref<128x128xf32, #tpu.memory_space<vmem>>)
        %dma_wait3A_67 = arith.constant 128 : i32
        %dma_wait3A_68 = arith.constant 0 : i32
        %dma_wait3A_69 = tpu.memref_slice %arg9[%dma_wait3A_67, %dma_wait3A_68] : memref<256x128xf32, #tpu.memory_space<vmem>> -> memref<128x128xf32, #tpu.memory_space<vmem>>
        %dma_wait3A_70 = arith.constant 0 : i32
        %dma_wait3A_71 = arith.constant 0 : i32
        %dma_wait3A_72 = tpu.memref_slice %arg2[%dma_wait3A_70, %dma_wait3A_71] : memref<40960x128xf32, #tpu.memory_space<hbm>> -> memref<128x128xf32, #tpu.memory_space<hbm>>
        %dma_wait3A_73 = arith.constant 128 : i32
        %dma_wait3A_74 = arith.constant 0 : i32
        %dma_wait3A_75 = tpu.memref_slice %arg9[%dma_wait3A_73, %dma_wait3A_74] : memref<256x128xf32, #tpu.memory_space<vmem>> -> memref<128x128xf32, #tpu.memory_space<vmem>>
        %dma_wait3A_76 = arith.constant 0 : i32
        %dma_wait3A_77 = arith.constant 0 : i32
        %dma_wait3A_78 = tpu.memref_slice %arg2[%dma_wait3A_76, %dma_wait3A_77] : memref<40960x128xf32, #tpu.memory_space<hbm>> -> memref<128x128xf32, #tpu.memory_space<hbm>>
        tpu.wait_dma2 semaphore(%arg11 : memref<!tpu.dma_semaphore, #tpu.memory_space<semaphore_mem>>) src(%dma_wait3A_78 : memref<128x128xf32, #tpu.memory_space<hbm>>) dst(%dma_wait3A_75 : memref<128x128xf32, #tpu.memory_space<vmem>>)
      }
      %scan3A_19 = arith.constant 2 : i32
      %barrier3A_20 = arith.constant 0 : index
      tpu.barrier barrier_id(%barrier3A_20)
      %mul3A_21 = arith.constant 640 : i32
      %mul3A_22 = arith.muli %arg1, %mul3A_21 : i32
      %mul3A_23 = arith.constant 640 : i32
      %mul3A_24 = arith.muli %arg1, %mul3A_23 : i32
      "tpu.region"() ({
        %run_scoped3A = tpu.sem_alloc : memref<!tpu.dma_semaphore, #tpu.memory_space<semaphore_mem>>
        %dma_start3A = arith.constant 0 : i32
        %dma_start3A_26 = tpu.memref_slice %arg5[%add3A, %mul3A_24, %dma_start3A] : memref<4x10240x128xf32, #tpu.memory_space<hbm>> -> memref<1x640x128xf32, #tpu.memory_space<hbm>>
        %dma_start3A_27 = tpu.memref_squeeze %dma_start3A_26 : memref<1x640x128xf32, #tpu.memory_space<hbm>> -> memref<640x128xf32, #tpu.memory_space<hbm>>
        %dma_start3A_28 = arith.constant 0 : i32
        %dma_start3A_29 = tpu.memref_slice %arg6[%mul3A_22, %dma_start3A_28] : memref<10240x128xf32, #tpu.memory_space<vmem_shared>> -> memref<640x128xf32, #tpu.memory_space<vmem_shared>>
        tpu.enqueue_dma source(%dma_start3A_29 : memref<640x128xf32, #tpu.memory_space<vmem_shared>>) target(%dma_start3A_27 : memref<640x128xf32, #tpu.memory_space<hbm>>) target_semaphore(%run_scoped3A : memref<!tpu.dma_semaphore, #tpu.memory_space<semaphore_mem>>)
        %dma_wait3A = arith.constant 0 : i32
        %dma_wait3A_30 = tpu.memref_slice %arg5[%add3A, %mul3A_24, %dma_wait3A] : memref<4x10240x128xf32, #tpu.memory_space<hbm>> -> memref<1x640x128xf32, #tpu.memory_space<hbm>>
        %dma_wait3A_31 = tpu.memref_squeeze %dma_wait3A_30 : memref<1x640x128xf32, #tpu.memory_space<hbm>> -> memref<640x128xf32, #tpu.memory_space<hbm>>
        %dma_wait3A_32 = arith.constant 0 : i32
        %dma_wait3A_33 = tpu.memref_slice %arg6[%mul3A_22, %dma_wait3A_32] : memref<10240x128xf32, #tpu.memory_space<vmem_shared>> -> memref<640x128xf32, #tpu.memory_space<vmem_shared>>
        tpu.wait_dma2 semaphore(%run_scoped3A : memref<!tpu.dma_semaphore, #tpu.memory_space<semaphore_mem>>) src(%dma_wait3A_33 : memref<640x128xf32, #tpu.memory_space<vmem_shared>>) dst(%dma_wait3A_31 : memref<640x128xf32, #tpu.memory_space<hbm>>)
        tpu.yield
      }) : () -> ()
      %barrier3A_25 = arith.constant 0 : index
      tpu.barrier barrier_id(%barrier3A_25)
    }
    %scan3A_4 = arith.constant 2 : i32
    return
  }
}

#map = affine_map<(d0, d1) -> (0, 0)>
#map1 = affine_map<(d0, d1) -> (0, 0, 0, 0)>
#map2 = affine_map<(d0, d1) -> (0, 0, 0)>
module attributes {stable_mosaic.version = 14 : i64} {
  func.func @_agg_kernel_body(%arg0: i32, %arg1: i32, %arg2: memref<40960x128xf32, #tpu.memory_space<hbm>>, %arg3: memref<4x16x80x128xi32, #tpu.memory_space<hbm>>, %arg4: memref<16x80x128xi32, #tpu.memory_space<hbm>>, %arg5: memref<4x10240x128xf32, #tpu.memory_space<hbm>>, %arg6: memref<10240x128xf32, #tpu.memory_space<vmem_shared>>, %arg7: memref<40x128xi32, #tpu.memory_space<vmem>>, %arg8: memref<40x128xi32, #tpu.memory_space<vmem>>, %arg9: memref<256x128xf32, #tpu.memory_space<vmem>>, %arg10: memref<!tpu.dma_semaphore, #tpu.memory_space<semaphore_mem>>, %arg11: memref<!tpu.dma_semaphore, #tpu.memory_space<semaphore_mem>>) attributes {dimension_semantics = [#tpu.dimension_semantics<core_parallel>, #tpu.dimension_semantics<subcore_parallel>], iteration_bounds = array<i64: 2, 16>, scalar_prefetch = 0 : i64, scratch_operands = 6 : i64, tpu.core_type = #tpu.core_type<sc_vector_subcore>, window_params = [{transform_indices = #map}, {transform_indices = #map1}, {transform_indices = #map2}, {transform_indices = #map2}]} {
    %scan3A = arith.constant 0 : i32
    %scan3A_0 = arith.constant 0 : i32
    %scan3A_1 = arith.constant 2 : i32
    %scan3A_2 = arith.addi %scan3A_0, %scan3A_1 : i32
    %scan3A_3 = arith.constant 1 : i32
    scf.for %scan3A_5 = %scan3A_0 to %scan3A_2 step %scan3A_3  : i32 {
      %mul3A = arith.constant 2 : i32
      %mul3A_6 = arith.muli %arg0, %mul3A : i32
      %add3A = arith.addi %mul3A_6, %scan3A_5 : i32
      %mul3A_7 = arith.constant 10240 : i32
      %mul3A_8 = arith.muli %add3A, %mul3A_7 : i32
      %mul3A_9 = arith.constant 640 : i32
      %mul3A_10 = arith.muli %arg1, %mul3A_9 : i32
      %add3A_11 = arith.addi %mul3A_8, %mul3A_10 : i32
      %mul3A_12 = arith.constant 640 : i32
      %mul3A_13 = arith.muli %arg1, %mul3A_12 : i32
      "tpu.region"() ({
        %run_scoped3A = tpu.sem_alloc : memref<!tpu.dma_semaphore, #tpu.memory_space<semaphore_mem>>
        %dma_start3A = arith.constant 0 : i32
        %dma_start3A_26 = tpu.memref_slice %arg6[%mul3A_13, %dma_start3A] : memref<10240x128xf32, #tpu.memory_space<vmem_shared>> -> memref<640x128xf32, #tpu.memory_space<vmem_shared>>
        %dma_start3A_27 = arith.constant 0 : i32
        %dma_start3A_28 = tpu.memref_slice %arg2[%add3A_11, %dma_start3A_27] : memref<40960x128xf32, #tpu.memory_space<hbm>> -> memref<640x128xf32, #tpu.memory_space<hbm>>
        tpu.enqueue_dma source(%dma_start3A_28 : memref<640x128xf32, #tpu.memory_space<hbm>>) target(%dma_start3A_26 : memref<640x128xf32, #tpu.memory_space<vmem_shared>>) target_semaphore(%run_scoped3A : memref<!tpu.dma_semaphore, #tpu.memory_space<semaphore_mem>>)
        %dma_wait3A = arith.constant 0 : i32
        %dma_wait3A_29 = tpu.memref_slice %arg6[%mul3A_13, %dma_wait3A] : memref<10240x128xf32, #tpu.memory_space<vmem_shared>> -> memref<640x128xf32, #tpu.memory_space<vmem_shared>>
        %dma_wait3A_30 = arith.constant 0 : i32
        %dma_wait3A_31 = tpu.memref_slice %arg2[%add3A_11, %dma_wait3A_30] : memref<40960x128xf32, #tpu.memory_space<hbm>> -> memref<640x128xf32, #tpu.memory_space<hbm>>
        tpu.wait_dma2 semaphore(%run_scoped3A : memref<!tpu.dma_semaphore, #tpu.memory_space<semaphore_mem>>) src(%dma_wait3A_31 : memref<640x128xf32, #tpu.memory_space<hbm>>) dst(%dma_wait3A_29 : memref<640x128xf32, #tpu.memory_space<vmem_shared>>)
        tpu.yield
      }) : () -> ()
      %barrier3A = arith.constant 0 : index
      tpu.barrier barrier_id(%barrier3A)
      %scan3A_14 = arith.constant 0 : i32
      %scan3A_15 = arith.constant 0 : i32
      %scan3A_16 = arith.constant 2 : i32
      %scan3A_17 = arith.addi %scan3A_15, %scan3A_16 : i32
      %scan3A_18 = arith.constant 1 : i32
      scf.for %scan3A_26 = %scan3A_15 to %scan3A_17 step %scan3A_18  : i32 {
        %mul3A_27 = arith.constant 40 : i32
        %mul3A_28 = arith.muli %scan3A_26, %mul3A_27 : i32
        "tpu.region"() ({
          %run_scoped3A = tpu.sem_alloc : memref<!tpu.dma_semaphore, #tpu.memory_space<semaphore_mem>>
          %dma_start3A_79 = arith.constant 0 : i32
          %dma_start3A_80 = tpu.memref_slice %arg3[%add3A, %arg1, %mul3A_28, %dma_start3A_79] : memref<4x16x80x128xi32, #tpu.memory_space<hbm>> -> memref<1x1x40x128xi32, #tpu.memory_space<hbm>>
          %dma_start3A_81 = tpu.memref_squeeze %dma_start3A_80 : memref<1x1x40x128xi32, #tpu.memory_space<hbm>> -> memref<40x128xi32, #tpu.memory_space<hbm>>
          %dma_start3A_82 = arith.constant 0 : i32
          %dma_start3A_83 = tpu.memref_slice %arg3[%add3A, %arg1, %mul3A_28, %dma_start3A_82] : memref<4x16x80x128xi32, #tpu.memory_space<hbm>> -> memref<1x1x40x128xi32, #tpu.memory_space<hbm>>
          %dma_start3A_84 = tpu.memref_squeeze %dma_start3A_83 : memref<1x1x40x128xi32, #tpu.memory_space<hbm>> -> memref<40x128xi32, #tpu.memory_space<hbm>>
          tpu.enqueue_dma source(%dma_start3A_84 : memref<40x128xi32, #tpu.memory_space<hbm>>) target(%arg7 : memref<40x128xi32, #tpu.memory_space<vmem>>) target_semaphore(%run_scoped3A : memref<!tpu.dma_semaphore, #tpu.memory_space<semaphore_mem>>)
          %dma_wait3A_85 = arith.constant 0 : i32
          %dma_wait3A_86 = tpu.memref_slice %arg3[%add3A, %arg1, %mul3A_28, %dma_wait3A_85] : memref<4x16x80x128xi32, #tpu.memory_space<hbm>> -> memref<1x1x40x128xi32, #tpu.memory_space<hbm>>
          %dma_wait3A_87 = tpu.memref_squeeze %dma_wait3A_86 : memref<1x1x40x128xi32, #tpu.memory_space<hbm>> -> memref<40x128xi32, #tpu.memory_space<hbm>>
          %dma_wait3A_88 = arith.constant 0 : i32
          %dma_wait3A_89 = tpu.memref_slice %arg3[%add3A, %arg1, %mul3A_28, %dma_wait3A_88] : memref<4x16x80x128xi32, #tpu.memory_space<hbm>> -> memref<1x1x40x128xi32, #tpu.memory_space<hbm>>
          %dma_wait3A_90 = tpu.memref_squeeze %dma_wait3A_89 : memref<1x1x40x128xi32, #tpu.memory_space<hbm>> -> memref<40x128xi32, #tpu.memory_space<hbm>>
          tpu.wait_dma2 semaphore(%run_scoped3A : memref<!tpu.dma_semaphore, #tpu.memory_space<semaphore_mem>>) src(%dma_wait3A_90 : memref<40x128xi32, #tpu.memory_space<hbm>>) dst(%arg7 : memref<40x128xi32, #tpu.memory_space<vmem>>)
          tpu.yield
        }) : () -> ()
        %mul3A_29 = arith.constant 40 : i32
        %mul3A_30 = arith.muli %scan3A_26, %mul3A_29 : i32
        "tpu.region"() ({
          %run_scoped3A = tpu.sem_alloc : memref<!tpu.dma_semaphore, #tpu.memory_space<semaphore_mem>>
          %dma_start3A_79 = arith.constant 0 : i32
          %dma_start3A_80 = tpu.memref_slice %arg4[%arg1, %mul3A_30, %dma_start3A_79] : memref<16x80x128xi32, #tpu.memory_space<hbm>> -> memref<1x40x128xi32, #tpu.memory_space<hbm>>
          %dma_start3A_81 = tpu.memref_squeeze %dma_start3A_80 : memref<1x40x128xi32, #tpu.memory_space<hbm>> -> memref<40x128xi32, #tpu.memory_space<hbm>>
          %dma_start3A_82 = arith.constant 0 : i32
          %dma_start3A_83 = tpu.memref_slice %arg4[%arg1, %mul3A_30, %dma_start3A_82] : memref<16x80x128xi32, #tpu.memory_space<hbm>> -> memref<1x40x128xi32, #tpu.memory_space<hbm>>
          %dma_start3A_84 = tpu.memref_squeeze %dma_start3A_83 : memref<1x40x128xi32, #tpu.memory_space<hbm>> -> memref<40x128xi32, #tpu.memory_space<hbm>>
          tpu.enqueue_dma source(%dma_start3A_84 : memref<40x128xi32, #tpu.memory_space<hbm>>) target(%arg8 : memref<40x128xi32, #tpu.memory_space<vmem>>) target_semaphore(%run_scoped3A : memref<!tpu.dma_semaphore, #tpu.memory_space<semaphore_mem>>)
          %dma_wait3A_85 = arith.constant 0 : i32
          %dma_wait3A_86 = tpu.memref_slice %arg4[%arg1, %mul3A_30, %dma_wait3A_85] : memref<16x80x128xi32, #tpu.memory_space<hbm>> -> memref<1x40x128xi32, #tpu.memory_space<hbm>>
          %dma_wait3A_87 = tpu.memref_squeeze %dma_wait3A_86 : memref<1x40x128xi32, #tpu.memory_space<hbm>> -> memref<40x128xi32, #tpu.memory_space<hbm>>
          %dma_wait3A_88 = arith.constant 0 : i32
          %dma_wait3A_89 = tpu.memref_slice %arg4[%arg1, %mul3A_30, %dma_wait3A_88] : memref<16x80x128xi32, #tpu.memory_space<hbm>> -> memref<1x40x128xi32, #tpu.memory_space<hbm>>
          %dma_wait3A_90 = tpu.memref_squeeze %dma_wait3A_89 : memref<1x40x128xi32, #tpu.memory_space<hbm>> -> memref<40x128xi32, #tpu.memory_space<hbm>>
          tpu.wait_dma2 semaphore(%run_scoped3A : memref<!tpu.dma_semaphore, #tpu.memory_space<semaphore_mem>>) src(%dma_wait3A_90 : memref<40x128xi32, #tpu.memory_space<hbm>>) dst(%arg8 : memref<40x128xi32, #tpu.memory_space<vmem>>)
          tpu.yield
        }) : () -> ()
        %dma_start3A = arith.constant 0 : i32
        %dma_start3A_31 = arith.constant 0 : i32
        %dma_start3A_32 = arith.constant 0 : i32
        %dma_start3A_33 = tpu.memref_slice %arg9[%dma_start3A_31, %dma_start3A_32] : memref<256x128xf32, #tpu.memory_space<vmem>> -> memref<128x128xf32, #tpu.memory_space<vmem>>
        %dma_start3A_34 = arith.constant 0 : i32
        %dma_start3A_35 = tpu.memref_slice %arg7[%dma_start3A, %dma_start3A_34] : memref<40x128xi32, #tpu.memory_space<vmem>> -> memref<1x128xi32, #tpu.memory_space<vmem>>
        %dma_start3A_36 = tpu.memref_squeeze %dma_start3A_35 : memref<1x128xi32, #tpu.memory_space<vmem>> -> memref<128xi32, #tpu.memory_space<vmem>>
        %dma_start3A_37 = arith.constant 0 : i32
        %dma_start3A_38 = arith.constant 0 : i32
        %dma_start3A_39 = tpu.memref_slice %arg2[%dma_start3A_37, %dma_start3A_38] : memref<40960x128xf32, #tpu.memory_space<hbm>> -> memref<40960x128xf32, #tpu.memory_space<hbm>>
        tpu.enqueue_indirect_dma source(%dma_start3A_39 : memref<40960x128xf32, #tpu.memory_space<hbm>>) target(%dma_start3A_33 : memref<128x128xf32, #tpu.memory_space<vmem>>) offsets(%dma_start3A_36 : memref<128xi32, #tpu.memory_space<vmem>>) semaphore(%arg10 : memref<!tpu.dma_semaphore, #tpu.memory_space<semaphore_mem>>)
        %dma_start3A_40 = arith.constant 1 : i32
        %dma_start3A_41 = arith.constant 128 : i32
        %dma_start3A_42 = arith.constant 0 : i32
        %dma_start3A_43 = tpu.memref_slice %arg9[%dma_start3A_41, %dma_start3A_42] : memref<256x128xf32, #tpu.memory_space<vmem>> -> memref<128x128xf32, #tpu.memory_space<vmem>>
        %dma_start3A_44 = arith.constant 0 : i32
        %dma_start3A_45 = tpu.memref_slice %arg7[%dma_start3A_40, %dma_start3A_44] : memref<40x128xi32, #tpu.memory_space<vmem>> -> memref<1x128xi32, #tpu.memory_space<vmem>>
        %dma_start3A_46 = tpu.memref_squeeze %dma_start3A_45 : memref<1x128xi32, #tpu.memory_space<vmem>> -> memref<128xi32, #tpu.memory_space<vmem>>
        %dma_start3A_47 = arith.constant 0 : i32
        %dma_start3A_48 = arith.constant 0 : i32
        %dma_start3A_49 = tpu.memref_slice %arg2[%dma_start3A_47, %dma_start3A_48] : memref<40960x128xf32, #tpu.memory_space<hbm>> -> memref<40960x128xf32, #tpu.memory_space<hbm>>
        tpu.enqueue_indirect_dma source(%dma_start3A_49 : memref<40960x128xf32, #tpu.memory_space<hbm>>) target(%dma_start3A_43 : memref<128x128xf32, #tpu.memory_space<vmem>>) offsets(%dma_start3A_46 : memref<128xi32, #tpu.memory_space<vmem>>) semaphore(%arg11 : memref<!tpu.dma_semaphore, #tpu.memory_space<semaphore_mem>>)
        %scan3A_50 = arith.constant 0 : i32
        %scan3A_51 = arith.constant 0 : i32
        %scan3A_52 = arith.constant 20 : i32
        %scan3A_53 = arith.addi %scan3A_51, %scan3A_52 : i32
        %scan3A_54 = arith.constant 1 : i32
        scf.for %scan3A_79 = %scan3A_51 to %scan3A_53 step %scan3A_54  : i32 {
          %mul3A_80 = arith.constant 2 : i32
          %mul3A_81 = arith.muli %mul3A_80, %scan3A_79 : i32
          %dma_wait3A_82 = arith.constant 0 : i32
          %dma_wait3A_83 = arith.constant 0 : i32
          %dma_wait3A_84 = tpu.memref_slice %arg9[%dma_wait3A_82, %dma_wait3A_83] : memref<256x128xf32, #tpu.memory_space<vmem>> -> memref<128x128xf32, #tpu.memory_space<vmem>>
          %dma_wait3A_85 = arith.constant 0 : i32
          %dma_wait3A_86 = arith.constant 0 : i32
          %dma_wait3A_87 = tpu.memref_slice %arg2[%dma_wait3A_85, %dma_wait3A_86] : memref<40960x128xf32, #tpu.memory_space<hbm>> -> memref<128x128xf32, #tpu.memory_space<hbm>>
          %dma_wait3A_88 = arith.constant 0 : i32
          %dma_wait3A_89 = arith.constant 0 : i32
          %dma_wait3A_90 = tpu.memref_slice %arg9[%dma_wait3A_88, %dma_wait3A_89] : memref<256x128xf32, #tpu.memory_space<vmem>> -> memref<128x128xf32, #tpu.memory_space<vmem>>
          %dma_wait3A_91 = arith.constant 0 : i32
          %dma_wait3A_92 = arith.constant 0 : i32
          %dma_wait3A_93 = tpu.memref_slice %arg2[%dma_wait3A_91, %dma_wait3A_92] : memref<40960x128xf32, #tpu.memory_space<hbm>> -> memref<128x128xf32, #tpu.memory_space<hbm>>
          tpu.wait_dma2 semaphore(%arg10 : memref<!tpu.dma_semaphore, #tpu.memory_space<semaphore_mem>>) src(%dma_wait3A_93 : memref<128x128xf32, #tpu.memory_space<hbm>>) dst(%dma_wait3A_90 : memref<128x128xf32, #tpu.memory_space<vmem>>)
          "tpu.region"() ({
            %run_scoped3A = tpu.sem_alloc : memref<!tpu.dma_semaphore, #tpu.memory_space<semaphore_mem>>
            %dma_start3A_133 = arith.constant 0 : i32
            %dma_start3A_134 = arith.constant 0 : i32
            %dma_start3A_135 = tpu.memref_slice %arg9[%dma_start3A_133, %dma_start3A_134] : memref<256x128xf32, #tpu.memory_space<vmem>> -> memref<128x128xf32, #tpu.memory_space<vmem>>
            %dma_start3A_136 = arith.constant 0 : i32
            %dma_start3A_137 = tpu.memref_slice %arg8[%mul3A_81, %dma_start3A_136] : memref<40x128xi32, #tpu.memory_space<vmem>> -> memref<1x128xi32, #tpu.memory_space<vmem>>
            %dma_start3A_138 = tpu.memref_squeeze %dma_start3A_137 : memref<1x128xi32, #tpu.memory_space<vmem>> -> memref<128xi32, #tpu.memory_space<vmem>>
            %dma_start3A_139 = arith.constant 0 : i32
            %dma_start3A_140 = arith.constant 0 : i32
            %dma_start3A_141 = tpu.memref_slice %arg6[%dma_start3A_139, %dma_start3A_140] : memref<10240x128xf32, #tpu.memory_space<vmem_shared>> -> memref<10240x128xf32, #tpu.memory_space<vmem_shared>>
            tpu.enqueue_indirect_dma source(%dma_start3A_135 : memref<128x128xf32, #tpu.memory_space<vmem>>) target(%dma_start3A_141 : memref<10240x128xf32, #tpu.memory_space<vmem_shared>>) offsets(%dma_start3A_138 : memref<128xi32, #tpu.memory_space<vmem>>) semaphore(%run_scoped3A : memref<!tpu.dma_semaphore, #tpu.memory_space<semaphore_mem>>) {add = true}
            %dma_wait3A_142 = arith.constant 0 : i32
            %dma_wait3A_143 = arith.constant 0 : i32
            %dma_wait3A_144 = tpu.memref_slice %arg9[%dma_wait3A_142, %dma_wait3A_143] : memref<256x128xf32, #tpu.memory_space<vmem>> -> memref<128x128xf32, #tpu.memory_space<vmem>>
            %dma_wait3A_145 = arith.constant 0 : i32
            %dma_wait3A_146 = tpu.memref_slice %arg8[%mul3A_81, %dma_wait3A_145] : memref<40x128xi32, #tpu.memory_space<vmem>> -> memref<1x128xi32, #tpu.memory_space<vmem>>
            %dma_wait3A_147 = tpu.memref_squeeze %dma_wait3A_146 : memref<1x128xi32, #tpu.memory_space<vmem>> -> memref<128xi32, #tpu.memory_space<vmem>>
            %dma_wait3A_148 = arith.constant 0 : i32
            %dma_wait3A_149 = arith.constant 0 : i32
            %dma_wait3A_150 = tpu.memref_slice %arg6[%dma_wait3A_148, %dma_wait3A_149] : memref<10240x128xf32, #tpu.memory_space<vmem_shared>> -> memref<10240x128xf32, #tpu.memory_space<vmem_shared>>
            tpu.wait_indirect_dma semaphore(%run_scoped3A : memref<!tpu.dma_semaphore, #tpu.memory_space<semaphore_mem>>) src(%dma_wait3A_144 : memref<128x128xf32, #tpu.memory_space<vmem>>) dst(%dma_wait3A_150 : memref<10240x128xf32, #tpu.memory_space<vmem_shared>>)
            tpu.yield
          }) : () -> ()
          %add3A_94 = arith.constant 2 : i32
          %add3A_95 = arith.addi %mul3A_81, %add3A_94 : i32
          %rem3A = arith.constant 40 : i32
          %rem3A_96 = arith.remsi %add3A_95, %rem3A : i32
          %dma_start3A_97 = arith.constant 0 : i32
          %dma_start3A_98 = arith.constant 0 : i32
          %dma_start3A_99 = tpu.memref_slice %arg9[%dma_start3A_97, %dma_start3A_98] : memref<256x128xf32, #tpu.memory_space<vmem>> -> memref<128x128xf32, #tpu.memory_space<vmem>>
          %dma_start3A_100 = arith.constant 0 : i32
          %dma_start3A_101 = tpu.memref_slice %arg7[%rem3A_96, %dma_start3A_100] : memref<40x128xi32, #tpu.memory_space<vmem>> -> memref<1x128xi32, #tpu.memory_space<vmem>>
          %dma_start3A_102 = tpu.memref_squeeze %dma_start3A_101 : memref<1x128xi32, #tpu.memory_space<vmem>> -> memref<128xi32, #tpu.memory_space<vmem>>
          %dma_start3A_103 = arith.constant 0 : i32
          %dma_start3A_104 = arith.constant 0 : i32
          %dma_start3A_105 = tpu.memref_slice %arg2[%dma_start3A_103, %dma_start3A_104] : memref<40960x128xf32, #tpu.memory_space<hbm>> -> memref<40960x128xf32, #tpu.memory_space<hbm>>
          tpu.enqueue_indirect_dma source(%dma_start3A_105 : memref<40960x128xf32, #tpu.memory_space<hbm>>) target(%dma_start3A_99 : memref<128x128xf32, #tpu.memory_space<vmem>>) offsets(%dma_start3A_102 : memref<128xi32, #tpu.memory_space<vmem>>) semaphore(%arg10 : memref<!tpu.dma_semaphore, #tpu.memory_space<semaphore_mem>>)
          %dma_wait3A_106 = arith.constant 128 : i32
          %dma_wait3A_107 = arith.constant 0 : i32
          %dma_wait3A_108 = tpu.memref_slice %arg9[%dma_wait3A_106, %dma_wait3A_107] : memref<256x128xf32, #tpu.memory_space<vmem>> -> memref<128x128xf32, #tpu.memory_space<vmem>>
          %dma_wait3A_109 = arith.constant 0 : i32
          %dma_wait3A_110 = arith.constant 0 : i32
          %dma_wait3A_111 = tpu.memref_slice %arg2[%dma_wait3A_109, %dma_wait3A_110] : memref<40960x128xf32, #tpu.memory_space<hbm>> -> memref<128x128xf32, #tpu.memory_space<hbm>>
          %dma_wait3A_112 = arith.constant 128 : i32
          %dma_wait3A_113 = arith.constant 0 : i32
          %dma_wait3A_114 = tpu.memref_slice %arg9[%dma_wait3A_112, %dma_wait3A_113] : memref<256x128xf32, #tpu.memory_space<vmem>> -> memref<128x128xf32, #tpu.memory_space<vmem>>
          %dma_wait3A_115 = arith.constant 0 : i32
          %dma_wait3A_116 = arith.constant 0 : i32
          %dma_wait3A_117 = tpu.memref_slice %arg2[%dma_wait3A_115, %dma_wait3A_116] : memref<40960x128xf32, #tpu.memory_space<hbm>> -> memref<128x128xf32, #tpu.memory_space<hbm>>
          tpu.wait_dma2 semaphore(%arg11 : memref<!tpu.dma_semaphore, #tpu.memory_space<semaphore_mem>>) src(%dma_wait3A_117 : memref<128x128xf32, #tpu.memory_space<hbm>>) dst(%dma_wait3A_114 : memref<128x128xf32, #tpu.memory_space<vmem>>)
          %add3A_118 = arith.constant 1 : i32
          %add3A_119 = arith.addi %mul3A_81, %add3A_118 : i32
          "tpu.region"() ({
            %run_scoped3A = tpu.sem_alloc : memref<!tpu.dma_semaphore, #tpu.memory_space<semaphore_mem>>
            %dma_start3A_133 = arith.constant 128 : i32
            %dma_start3A_134 = arith.constant 0 : i32
            %dma_start3A_135 = tpu.memref_slice %arg9[%dma_start3A_133, %dma_start3A_134] : memref<256x128xf32, #tpu.memory_space<vmem>> -> memref<128x128xf32, #tpu.memory_space<vmem>>
            %dma_start3A_136 = arith.constant 0 : i32
            %dma_start3A_137 = tpu.memref_slice %arg8[%add3A_119, %dma_start3A_136] : memref<40x128xi32, #tpu.memory_space<vmem>> -> memref<1x128xi32, #tpu.memory_space<vmem>>
            %dma_start3A_138 = tpu.memref_squeeze %dma_start3A_137 : memref<1x128xi32, #tpu.memory_space<vmem>> -> memref<128xi32, #tpu.memory_space<vmem>>
            %dma_start3A_139 = arith.constant 0 : i32
            %dma_start3A_140 = arith.constant 0 : i32
            %dma_start3A_141 = tpu.memref_slice %arg6[%dma_start3A_139, %dma_start3A_140] : memref<10240x128xf32, #tpu.memory_space<vmem_shared>> -> memref<10240x128xf32, #tpu.memory_space<vmem_shared>>
            tpu.enqueue_indirect_dma source(%dma_start3A_135 : memref<128x128xf32, #tpu.memory_space<vmem>>) target(%dma_start3A_141 : memref<10240x128xf32, #tpu.memory_space<vmem_shared>>) offsets(%dma_start3A_138 : memref<128xi32, #tpu.memory_space<vmem>>) semaphore(%run_scoped3A : memref<!tpu.dma_semaphore, #tpu.memory_space<semaphore_mem>>) {add = true}
            %dma_wait3A_142 = arith.constant 128 : i32
            %dma_wait3A_143 = arith.constant 0 : i32
            %dma_wait3A_144 = tpu.memref_slice %arg9[%dma_wait3A_142, %dma_wait3A_143] : memref<256x128xf32, #tpu.memory_space<vmem>> -> memref<128x128xf32, #tpu.memory_space<vmem>>
            %dma_wait3A_145 = arith.constant 0 : i32
            %dma_wait3A_146 = tpu.memref_slice %arg8[%add3A_119, %dma_wait3A_145] : memref<40x128xi32, #tpu.memory_space<vmem>> -> memref<1x128xi32, #tpu.memory_space<vmem>>
            %dma_wait3A_147 = tpu.memref_squeeze %dma_wait3A_146 : memref<1x128xi32, #tpu.memory_space<vmem>> -> memref<128xi32, #tpu.memory_space<vmem>>
            %dma_wait3A_148 = arith.constant 0 : i32
            %dma_wait3A_149 = arith.constant 0 : i32
            %dma_wait3A_150 = tpu.memref_slice %arg6[%dma_wait3A_148, %dma_wait3A_149] : memref<10240x128xf32, #tpu.memory_space<vmem_shared>> -> memref<10240x128xf32, #tpu.memory_space<vmem_shared>>
            tpu.wait_indirect_dma semaphore(%run_scoped3A : memref<!tpu.dma_semaphore, #tpu.memory_space<semaphore_mem>>) src(%dma_wait3A_144 : memref<128x128xf32, #tpu.memory_space<vmem>>) dst(%dma_wait3A_150 : memref<10240x128xf32, #tpu.memory_space<vmem_shared>>)
            tpu.yield
          }) : () -> ()
          %add3A_120 = arith.constant 3 : i32
          %add3A_121 = arith.addi %mul3A_81, %add3A_120 : i32
          %rem3A_122 = arith.constant 40 : i32
          %rem3A_123 = arith.remsi %add3A_121, %rem3A_122 : i32
          %dma_start3A_124 = arith.constant 128 : i32
          %dma_start3A_125 = arith.constant 0 : i32
          %dma_start3A_126 = tpu.memref_slice %arg9[%dma_start3A_124, %dma_start3A_125] : memref<256x128xf32, #tpu.memory_space<vmem>> -> memref<128x128xf32, #tpu.memory_space<vmem>>
          %dma_start3A_127 = arith.constant 0 : i32
          %dma_start3A_128 = tpu.memref_slice %arg7[%rem3A_123, %dma_start3A_127] : memref<40x128xi32, #tpu.memory_space<vmem>> -> memref<1x128xi32, #tpu.memory_space<vmem>>
          %dma_start3A_129 = tpu.memref_squeeze %dma_start3A_128 : memref<1x128xi32, #tpu.memory_space<vmem>> -> memref<128xi32, #tpu.memory_space<vmem>>
          %dma_start3A_130 = arith.constant 0 : i32
          %dma_start3A_131 = arith.constant 0 : i32
          %dma_start3A_132 = tpu.memref_slice %arg2[%dma_start3A_130, %dma_start3A_131] : memref<40960x128xf32, #tpu.memory_space<hbm>> -> memref<40960x128xf32, #tpu.memory_space<hbm>>
          tpu.enqueue_indirect_dma source(%dma_start3A_132 : memref<40960x128xf32, #tpu.memory_space<hbm>>) target(%dma_start3A_126 : memref<128x128xf32, #tpu.memory_space<vmem>>) offsets(%dma_start3A_129 : memref<128xi32, #tpu.memory_space<vmem>>) semaphore(%arg11 : memref<!tpu.dma_semaphore, #tpu.memory_space<semaphore_mem>>)
        }
        %scan3A_55 = arith.constant 20 : i32
        %dma_wait3A = arith.constant 0 : i32
        %dma_wait3A_56 = arith.constant 0 : i32
        %dma_wait3A_57 = tpu.memref_slice %arg9[%dma_wait3A, %dma_wait3A_56] : memref<256x128xf32, #tpu.memory_space<vmem>> -> memref<128x128xf32, #tpu.memory_space<vmem>>
        %dma_wait3A_58 = arith.constant 0 : i32
        %dma_wait3A_59 = arith.constant 0 : i32
        %dma_wait3A_60 = tpu.memref_slice %arg2[%dma_wait3A_58, %dma_wait3A_59] : memref<40960x128xf32, #tpu.memory_space<hbm>> -> memref<128x128xf32, #tpu.memory_space<hbm>>
        %dma_wait3A_61 = arith.constant 0 : i32
        %dma_wait3A_62 = arith.constant 0 : i32
        %dma_wait3A_63 = tpu.memref_slice %arg9[%dma_wait3A_61, %dma_wait3A_62] : memref<256x128xf32, #tpu.memory_space<vmem>> -> memref<128x128xf32, #tpu.memory_space<vmem>>
        %dma_wait3A_64 = arith.constant 0 : i32
        %dma_wait3A_65 = arith.constant 0 : i32
        %dma_wait3A_66 = tpu.memref_slice %arg2[%dma_wait3A_64, %dma_wait3A_65] : memref<40960x128xf32, #tpu.memory_space<hbm>> -> memref<128x128xf32, #tpu.memory_space<hbm>>
        tpu.wait_dma2 semaphore(%arg10 : memref<!tpu.dma_semaphore, #tpu.memory_space<semaphore_mem>>) src(%dma_wait3A_66 : memref<128x128xf32, #tpu.memory_space<hbm>>) dst(%dma_wait3A_63 : memref<128x128xf32, #tpu.memory_space<vmem>>)
        %dma_wait3A_67 = arith.constant 128 : i32
        %dma_wait3A_68 = arith.constant 0 : i32
        %dma_wait3A_69 = tpu.memref_slice %arg9[%dma_wait3A_67, %dma_wait3A_68] : memref<256x128xf32, #tpu.memory_space<vmem>> -> memref<128x128xf32, #tpu.memory_space<vmem>>
        %dma_wait3A_70 = arith.constant 0 : i32
        %dma_wait3A_71 = arith.constant 0 : i32
        %dma_wait3A_72 = tpu.memref_slice %arg2[%dma_wait3A_70, %dma_wait3A_71] : memref<40960x128xf32, #tpu.memory_space<hbm>> -> memref<128x128xf32, #tpu.memory_space<hbm>>
        %dma_wait3A_73 = arith.constant 128 : i32
        %dma_wait3A_74 = arith.constant 0 : i32
        %dma_wait3A_75 = tpu.memref_slice %arg9[%dma_wait3A_73, %dma_wait3A_74] : memref<256x128xf32, #tpu.memory_space<vmem>> -> memref<128x128xf32, #tpu.memory_space<vmem>>
        %dma_wait3A_76 = arith.constant 0 : i32
        %dma_wait3A_77 = arith.constant 0 : i32
        %dma_wait3A_78 = tpu.memref_slice %arg2[%dma_wait3A_76, %dma_wait3A_77] : memref<40960x128xf32, #tpu.memory_space<hbm>> -> memref<128x128xf32, #tpu.memory_space<hbm>>
        tpu.wait_dma2 semaphore(%arg11 : memref<!tpu.dma_semaphore, #tpu.memory_space<semaphore_mem>>) src(%dma_wait3A_78 : memref<128x128xf32, #tpu.memory_space<hbm>>) dst(%dma_wait3A_75 : memref<128x128xf32, #tpu.memory_space<vmem>>)
      }
      %scan3A_19 = arith.constant 2 : i32
      %barrier3A_20 = arith.constant 0 : index
      tpu.barrier barrier_id(%barrier3A_20)
      %mul3A_21 = arith.constant 640 : i32
      %mul3A_22 = arith.muli %arg1, %mul3A_21 : i32
      %mul3A_23 = arith.constant 640 : i32
      %mul3A_24 = arith.muli %arg1, %mul3A_23 : i32
      "tpu.region"() ({
        %run_scoped3A = tpu.sem_alloc : memref<!tpu.dma_semaphore, #tpu.memory_space<semaphore_mem>>
        %dma_start3A = arith.constant 0 : i32
        %dma_start3A_26 = tpu.memref_slice %arg5[%add3A, %mul3A_24, %dma_start3A] : memref<4x10240x128xf32, #tpu.memory_space<hbm>> -> memref<1x640x128xf32, #tpu.memory_space<hbm>>
        %dma_start3A_27 = tpu.memref_squeeze %dma_start3A_26 : memref<1x640x128xf32, #tpu.memory_space<hbm>> -> memref<640x128xf32, #tpu.memory_space<hbm>>
        %dma_start3A_28 = arith.constant 0 : i32
        %dma_start3A_29 = tpu.memref_slice %arg6[%mul3A_22, %dma_start3A_28] : memref<10240x128xf32, #tpu.memory_space<vmem_shared>> -> memref<640x128xf32, #tpu.memory_space<vmem_shared>>
        tpu.enqueue_dma source(%dma_start3A_29 : memref<640x128xf32, #tpu.memory_space<vmem_shared>>) target(%dma_start3A_27 : memref<640x128xf32, #tpu.memory_space<hbm>>) target_semaphore(%run_scoped3A : memref<!tpu.dma_semaphore, #tpu.memory_space<semaphore_mem>>)
        %dma_wait3A = arith.constant 0 : i32
        %dma_wait3A_30 = tpu.memref_slice %arg5[%add3A, %mul3A_24, %dma_wait3A] : memref<4x10240x128xf32, #tpu.memory_space<hbm>> -> memref<1x640x128xf32, #tpu.memory_space<hbm>>
        %dma_wait3A_31 = tpu.memref_squeeze %dma_wait3A_30 : memref<1x640x128xf32, #tpu.memory_space<hbm>> -> memref<640x128xf32, #tpu.memory_space<hbm>>
        %dma_wait3A_32 = arith.constant 0 : i32
        %dma_wait3A_33 = tpu.memref_slice %arg6[%mul3A_22, %dma_wait3A_32] : memref<10240x128xf32, #tpu.memory_space<vmem_shared>> -> memref<640x128xf32, #tpu.memory_space<vmem_shared>>
        tpu.wait_dma2 semaphore(%run_scoped3A : memref<!tpu.dma_semaphore, #tpu.memory_space<semaphore_mem>>) src(%dma_wait3A_33 : memref<640x128xf32, #tpu.memory_space<vmem_shared>>) dst(%dma_wait3A_31 : memref<640x128xf32, #tpu.memory_space<hbm>>)
        tpu.yield
      }) : () -> ()
      %barrier3A_25 = arith.constant 0 : index
      tpu.barrier barrier_id(%barrier3A_25)
    }
    %scan3A_4 = arith.constant 2 : i32
    return
  }
}

module attributes {stable_mosaic.version = 14 : i64} {
  func.func @_a0_body(%arg0: i32, %arg1: memref<2048x256xf32, #tpu.memory_space<vmem>>, %arg2: memref<2x2048xf32, #tpu.memory_space<vmem>>, %arg3: memref<256x512xf32, #tpu.memory_space<vmem>>, %arg4: memref<4x2048x128xf32, #tpu.memory_space<vmem>>, %arg5: memref<1x2048xf32, #tpu.memory_space<vmem>>) attributes {dimension_semantics = [#tpu.dimension_semantics<arbitrary>], iteration_bounds = array<i64: 5>, scalar_prefetch = 0 : i64, scratch_operands = 0 : i64, tpu.core_type = #tpu.core_type<tc>, window_params = [{transform_indices = @transform_0, window_bounds = array<i64: 2048, 256>}, {transform_indices = @transform_1, window_bounds = array<i64: 2, 2048>}, {pipeline_mode = #tpu.pipeline_mode<synchronous>, transform_indices = @transform_2, window_bounds = array<i64: 256, 512>}, {transform_indices = @transform_3, window_bounds = array<i64: 4, 2048, 128>}, {transform_indices = @transform_4, window_bounds = array<i64: 1, 2048>}]} {
    %get3A = arith.constant 0 : index
    %get3A_0 = arith.constant 0 : index
    %get3A_1 = vector.load %arg2[%get3A, %get3A_0] : memref<2x2048xf32, #tpu.memory_space<vmem>>, vector<2x2048xf32>
    %slice3A = vector.extract_strided_slice %get3A_1 {offsets = [0, 0], sizes = [1, 2048], strides = [1, 1]} : vector<2x2048xf32> to vector<1x2048xf32>
    %squeeze3A = vector.shape_cast %slice3A : vector<1x2048xf32> to vector<2048xf32>
    %add3A = arith.constant 1.000000e+00 : f32
    %add3A_2 = vector.broadcast %add3A : f32 to vector<2048xf32>
    %add3A_3 = arith.addf %add3A_2, %squeeze3A : vector<2048xf32>
    %slice3A_4 = vector.extract_strided_slice %get3A_1 {offsets = [1, 0], sizes = [1, 2048], strides = [1, 1]} : vector<2x2048xf32> to vector<1x2048xf32>
    %squeeze3A_5 = vector.shape_cast %slice3A_4 : vector<1x2048xf32> to vector<2048xf32>
    %add3A_6 = arith.addf %add3A_3, %squeeze3A_5 : vector<2048xf32>
    %rsqrt3A = math.rsqrt %add3A_6 : vector<2048xf32>
    %get3A_7 = arith.constant 0 : index
    %get3A_8 = arith.constant 0 : index
    %get3A_9 = vector.load %arg1[%get3A_7, %get3A_8] : memref<2048x256xf32, #tpu.memory_space<vmem>>, vector<2048x256xf32>
    %get3A_10 = arith.constant 0 : index
    %get3A_11 = arith.constant 0 : index
    %get3A_12 = vector.load %arg3[%get3A_10, %get3A_11] : memref<256x512xf32, #tpu.memory_space<vmem>>, vector<256x512xf32>
    %dot_general3A = arith.constant dense<0.000000e+00> : vector<2048x512xf32>
    %dot_general3A_13 = tpu.matmul %get3A_9, %get3A_12, %dot_general3A {dimension_numbers = #tpu.dot_dimension_numbers<[1], [0], [0], [1], [0, 0, 1, 1], [], []>, transpose_lhs_hint = false} : vector<2048x256xf32>, vector<256x512xf32>, vector<2048x512xf32> -> vector<2048x512xf32>
    %broadcast_in_dim3A = vector.shape_cast %rsqrt3A : vector<2048xf32> to vector<2048x1xf32>
    %mul3A = vector.broadcast %broadcast_in_dim3A : vector<2048x1xf32> to vector<2048x512xf32>
    %mul3A_14 = arith.mulf %dot_general3A_13, %mul3A : vector<2048x512xf32>
    %slice3A_15 = vector.extract_strided_slice %mul3A_14 {offsets = [0, 0], sizes = [2048, 128], strides = [1, 1]} : vector<2048x512xf32> to vector<2048x128xf32>
    %swap3A = arith.constant 0 : index
    %swap3A_16 = arith.constant 0 : index
    %swap3A_17 = arith.constant 0 : index
    %swap3A_18 = vector.load %arg4[%swap3A, %swap3A_16, %swap3A_17] : memref<4x2048x128xf32, #tpu.memory_space<vmem>>, vector<1x2048x128xf32>
    %swap3A_19 = vector.shape_cast %swap3A_18 : vector<1x2048x128xf32> to vector<2048x128xf32>
    %swap3A_20 = vector.shape_cast %slice3A_15 : vector<2048x128xf32> to vector<1x2048x128xf32>
    tpu.vector_store %arg4[%swap3A, %swap3A_16, %swap3A_17], %swap3A_20 {strides = array<i32>} : memref<4x2048x128xf32, #tpu.memory_space<vmem>>, vector<1x2048x128xf32>,
    %slice3A_21 = vector.extract_strided_slice %mul3A_14 {offsets = [0, 128], sizes = [2048, 128], strides = [1, 1]} : vector<2048x512xf32> to vector<2048x128xf32>
    %swap3A_22 = arith.constant 1 : index
    %swap3A_23 = arith.constant 0 : index
    %swap3A_24 = arith.constant 0 : index
    %swap3A_25 = vector.load %arg4[%swap3A_22, %swap3A_23, %swap3A_24] : memref<4x2048x128xf32, #tpu.memory_space<vmem>>, vector<1x2048x128xf32>
    %swap3A_26 = vector.shape_cast %swap3A_25 : vector<1x2048x128xf32> to vector<2048x128xf32>
    %swap3A_27 = vector.shape_cast %slice3A_21 : vector<2048x128xf32> to vector<1x2048x128xf32>
    tpu.vector_store %arg4[%swap3A_22, %swap3A_23, %swap3A_24], %swap3A_27 {strides = array<i32>} : memref<4x2048x128xf32, #tpu.memory_space<vmem>>, vector<1x2048x128xf32>,
    %slice3A_28 = vector.extract_strided_slice %mul3A_14 {offsets = [0, 256], sizes = [2048, 128], strides = [1, 1]} : vector<2048x512xf32> to vector<2048x128xf32>
    %swap3A_29 = arith.constant 2 : index
    %swap3A_30 = arith.constant 0 : index
    %swap3A_31 = arith.constant 0 : index
    %swap3A_32 = vector.load %arg4[%swap3A_29, %swap3A_30, %swap3A_31] : memref<4x2048x128xf32, #tpu.memory_space<vmem>>, vector<1x2048x128xf32>
    %swap3A_33 = vector.shape_cast %swap3A_32 : vector<1x2048x128xf32> to vector<2048x128xf32>
    %swap3A_34 = vector.shape_cast %slice3A_28 : vector<2048x128xf32> to vector<1x2048x128xf32>
    tpu.vector_store %arg4[%swap3A_29, %swap3A_30, %swap3A_31], %swap3A_34 {strides = array<i32>} : memref<4x2048x128xf32, #tpu.memory_space<vmem>>, vector<1x2048x128xf32>,
    %slice3A_35 = vector.extract_strided_slice %mul3A_14 {offsets = [0, 384], sizes = [2048, 128], strides = [1, 1]} : vector<2048x512xf32> to vector<2048x128xf32>
    %swap3A_36 = arith.constant 3 : index
    %swap3A_37 = arith.constant 0 : index
    %swap3A_38 = arith.constant 0 : index
    %swap3A_39 = vector.load %arg4[%swap3A_36, %swap3A_37, %swap3A_38] : memref<4x2048x128xf32, #tpu.memory_space<vmem>>, vector<1x2048x128xf32>
    %swap3A_40 = vector.shape_cast %swap3A_39 : vector<1x2048x128xf32> to vector<2048x128xf32>
    %swap3A_41 = vector.shape_cast %slice3A_35 : vector<2048x128xf32> to vector<1x2048x128xf32>
    tpu.vector_store %arg4[%swap3A_36, %swap3A_37, %swap3A_38], %swap3A_41 {strides = array<i32>} : memref<4x2048x128xf32, #tpu.memory_space<vmem>>, vector<1x2048x128xf32>,
    %broadcast_in_dim3A_42 = vector.shape_cast %rsqrt3A : vector<2048xf32> to vector<1x2048xf32>
    %swap3A_43 = arith.constant 0 : index
    %swap3A_44 = arith.constant 0 : index
    %swap3A_45 = vector.load %arg5[%swap3A_43, %swap3A_44] : memref<1x2048xf32, #tpu.memory_space<vmem>>, vector<1x2048xf32>
    tpu.vector_store %arg5[%swap3A_43, %swap3A_44], %broadcast_in_dim3A_42 {strides = array<i32>} : memref<1x2048xf32, #tpu.memory_space<vmem>>, vector<1x2048xf32>,
    return
  }
  func.func @transform_0(%arg0: i32) -> (i32, i32) {
    %c0_i32 = arith.constant 0 : i32
    %c0_i32_0 = arith.constant 0 : i32
    return %arg0, %c0_i32 : i32, i32
  }
  func.func @transform_1(%arg0: i32) -> (i32, i32) {
    %c0_i32 = arith.constant 0 : i32
    %c0_i32_0 = arith.constant 0 : i32
    return %c0_i32, %arg0 : i32, i32
  }
  func.func @transform_2(%arg0: i32) -> (i32, i32) {
    %c0_i32 = arith.constant 0 : i32
    %c0_i32_0 = arith.constant 0 : i32
    %c0_i32_1 = arith.constant 0 : i32
    return %c0_i32, %c0_i32_0 : i32, i32
  }
  func.func @transform_3(%arg0: i32) -> (i32, i32, i32) {
    %c0_i32 = arith.constant 0 : i32
    %c0_i32_0 = arith.constant 0 : i32
    %c0_i32_1 = arith.constant 0 : i32
    return %c0_i32, %arg0, %c0_i32_0 : i32, i32, i32
  }
  func.func @transform_4(%arg0: i32) -> (i32, i32) {
    %c0_i32 = arith.constant 0 : i32
    %c0_i32_0 = arith.constant 0 : i32
    return %c0_i32, %arg0 : i32, i32
  }
}

module attributes {stable_mosaic.version = 14 : i64} {
  func.func @body(%arg0: i32, %arg1: memref<4x2048x128xf32, #tpu.memory_space<vmem>>, %arg2: memref<1x2048xf32, #tpu.memory_space<vmem>>, %arg3: memref<1x512xf32, #tpu.memory_space<vmem>>, %arg4: memref<1x512xf32, #tpu.memory_space<vmem>>, %arg5: memref<1x512xf32, #tpu.memory_space<vmem>>, %arg6: memref<512x512xf32, #tpu.memory_space<vmem>>, %arg7: memref<2048x512xf32, #tpu.memory_space<vmem>>, %arg8: memref<4x2048x128xf32, #tpu.memory_space<vmem>>) attributes {dimension_semantics = [#tpu.dimension_semantics<arbitrary>], iteration_bounds = array<i64: 5>, scalar_prefetch = 0 : i64, scratch_operands = 0 : i64, tpu.core_type = #tpu.core_type<tc>, window_params = [{transform_indices = @transform_0, window_bounds = array<i64: 4, 2048, 128>}, {transform_indices = @transform_1, window_bounds = array<i64: 1, 2048>}, {pipeline_mode = #tpu.pipeline_mode<synchronous>, transform_indices = @transform_2, window_bounds = array<i64: 1, 512>}, {pipeline_mode = #tpu.pipeline_mode<synchronous>, transform_indices = @transform_3, window_bounds = array<i64: 1, 512>}, {pipeline_mode = #tpu.pipeline_mode<synchronous>, transform_indices = @transform_4, window_bounds = array<i64: 1, 512>}, {pipeline_mode = #tpu.pipeline_mode<synchronous>, transform_indices = @transform_5, window_bounds = array<i64: 512, 512>}, {transform_indices = @transform_6, window_bounds = array<i64: 2048, 512>}, {transform_indices = @transform_7, window_bounds = array<i64: 4, 2048, 128>}]} {
    %get3A = arith.constant 0 : index
    %get3A_0 = arith.constant 0 : index
    %get3A_1 = vector.load %arg2[%get3A, %get3A_0] : memref<1x2048xf32, #tpu.memory_space<vmem>>, vector<1x2048xf32>
    %get3A_2 = vector.shape_cast %get3A_1 : vector<1x2048xf32> to vector<2048xf32>
    %get3A_3 = arith.constant 0 : index
    %get3A_4 = arith.constant 0 : index
    %get3A_5 = arith.constant 0 : index
    %get3A_6 = vector.load %arg1[%get3A_3, %get3A_4, %get3A_5] : memref<4x2048x128xf32, #tpu.memory_space<vmem>>, vector<1x2048x128xf32>
    %get3A_7 = vector.shape_cast %get3A_6 : vector<1x2048x128xf32> to vector<2048x128xf32>
    %broadcast_in_dim3A = vector.shape_cast %get3A_2 : vector<2048xf32> to vector<2048x1xf32>
    %mul3A = vector.broadcast %broadcast_in_dim3A : vector<2048x1xf32> to vector<2048x128xf32>
    %mul3A_8 = arith.mulf %get3A_7, %mul3A : vector<2048x128xf32>
    %get3A_9 = arith.constant 0 : index
    %get3A_10 = arith.constant 0 : index
    %get3A_11 = vector.load %arg3[%get3A_9, %get3A_10] : memref<1x512xf32, #tpu.memory_space<vmem>>, vector<1x128xf32>
    %get3A_12 = vector.shape_cast %get3A_11 : vector<1x128xf32> to vector<128xf32>
    %broadcast_in_dim3A_13 = vector.shape_cast %get3A_12 : vector<128xf32> to vector<1x128xf32>
    %add3A = vector.broadcast %broadcast_in_dim3A_13 : vector<1x128xf32> to vector<2048x128xf32>
    %add3A_14 = arith.addf %mul3A_8, %add3A : vector<2048x128xf32>
    %max3A = arith.constant 0.000000e+00 : f32
    %max3A_15 = vector.broadcast %max3A : f32 to vector<2048x128xf32>
    %max3A_16 = arith.maximumf %add3A_14, %max3A_15 : vector<2048x128xf32>
    %get3A_17 = arith.constant 0 : index
    %get3A_18 = arith.constant 0 : index
    %get3A_19 = vector.load %arg4[%get3A_17, %get3A_18] : memref<1x512xf32, #tpu.memory_space<vmem>>, vector<1x128xf32>
    %get3A_20 = vector.shape_cast %get3A_19 : vector<1x128xf32> to vector<128xf32>
    %mul3A_21 = arith.constant 0.999994993 : f32
    %mul3A_22 = vector.broadcast %mul3A_21 : f32 to vector<2048x128xf32>
    %mul3A_23 = arith.mulf %max3A_16, %mul3A_22 : vector<2048x128xf32>
    %broadcast_in_dim3A_24 = vector.shape_cast %get3A_20 : vector<128xf32> to vector<1x128xf32>
    %mul3A_25 = vector.broadcast %broadcast_in_dim3A_24 : vector<1x128xf32> to vector<2048x128xf32>
    %mul3A_26 = arith.mulf %mul3A_25, %mul3A_23 : vector<2048x128xf32>
    %get3A_27 = arith.constant 0 : index
    %get3A_28 = arith.constant 0 : index
    %get3A_29 = vector.load %arg5[%get3A_27, %get3A_28] : memref<1x512xf32, #tpu.memory_space<vmem>>, vector<1x128xf32>
    %get3A_30 = vector.shape_cast %get3A_29 : vector<1x128xf32> to vector<128xf32>
    %broadcast_in_dim3A_31 = vector.shape_cast %get3A_30 : vector<128xf32> to vector<1x128xf32>
    %add3A_32 = vector.broadcast %broadcast_in_dim3A_31 : vector<1x128xf32> to vector<2048x128xf32>
    %add3A_33 = arith.addf %mul3A_26, %add3A_32 : vector<2048x128xf32>
    %get3A_34 = arith.constant 1 : index
    %get3A_35 = arith.constant 0 : index
    %get3A_36 = arith.constant 0 : index
    %get3A_37 = vector.load %arg1[%get3A_34, %get3A_35, %get3A_36] : memref<4x2048x128xf32, #tpu.memory_space<vmem>>, vector<1x2048x128xf32>
    %get3A_38 = vector.shape_cast %get3A_37 : vector<1x2048x128xf32> to vector<2048x128xf32>
    %broadcast_in_dim3A_39 = vector.shape_cast %get3A_2 : vector<2048xf32> to vector<2048x1xf32>
    %mul3A_40 = vector.broadcast %broadcast_in_dim3A_39 : vector<2048x1xf32> to vector<2048x128xf32>
    %mul3A_41 = arith.mulf %get3A_38, %mul3A_40 : vector<2048x128xf32>
    %get3A_42 = arith.constant 0 : index
    %get3A_43 = arith.constant 128 : index
    %get3A_44 = vector.load %arg3[%get3A_42, %get3A_43] : memref<1x512xf32, #tpu.memory_space<vmem>>, vector<1x128xf32>
    %get3A_45 = vector.shape_cast %get3A_44 : vector<1x128xf32> to vector<128xf32>
    %broadcast_in_dim3A_46 = vector.shape_cast %get3A_45 : vector<128xf32> to vector<1x128xf32>
    %add3A_47 = vector.broadcast %broadcast_in_dim3A_46 : vector<1x128xf32> to vector<2048x128xf32>
    %add3A_48 = arith.addf %mul3A_41, %add3A_47 : vector<2048x128xf32>
    %max3A_49 = arith.constant 0.000000e+00 : f32
    %max3A_50 = vector.broadcast %max3A_49 : f32 to vector<2048x128xf32>
    %max3A_51 = arith.maximumf %add3A_48, %max3A_50 : vector<2048x128xf32>
    %get3A_52 = arith.constant 0 : index
    %get3A_53 = arith.constant 128 : index
    %get3A_54 = vector.load %arg4[%get3A_52, %get3A_53] : memref<1x512xf32, #tpu.memory_space<vmem>>, vector<1x128xf32>
    %get3A_55 = vector.shape_cast %get3A_54 : vector<1x128xf32> to vector<128xf32>
    %mul3A_56 = arith.constant 0.999994993 : f32
    %mul3A_57 = vector.broadcast %mul3A_56 : f32 to vector<2048x128xf32>
    %mul3A_58 = arith.mulf %max3A_51, %mul3A_57 : vector<2048x128xf32>
    %broadcast_in_dim3A_59 = vector.shape_cast %get3A_55 : vector<128xf32> to vector<1x128xf32>
    %mul3A_60 = vector.broadcast %broadcast_in_dim3A_59 : vector<1x128xf32> to vector<2048x128xf32>
    %mul3A_61 = arith.mulf %mul3A_60, %mul3A_58 : vector<2048x128xf32>
    %get3A_62 = arith.constant 0 : index
    %get3A_63 = arith.constant 128 : index
    %get3A_64 = vector.load %arg5[%get3A_62, %get3A_63] : memref<1x512xf32, #tpu.memory_space<vmem>>, vector<1x128xf32>
    %get3A_65 = vector.shape_cast %get3A_64 : vector<1x128xf32> to vector<128xf32>
    %broadcast_in_dim3A_66 = vector.shape_cast %get3A_65 : vector<128xf32> to vector<1x128xf32>
    %add3A_67 = vector.broadcast %broadcast_in_dim3A_66 : vector<1x128xf32> to vector<2048x128xf32>
    %add3A_68 = arith.addf %mul3A_61, %add3A_67 : vector<2048x128xf32>
    %get3A_69 = arith.constant 2 : index
    %get3A_70 = arith.constant 0 : index
    %get3A_71 = arith.constant 0 : index
    %get3A_72 = vector.load %arg1[%get3A_69, %get3A_70, %get3A_71] : memref<4x2048x128xf32, #tpu.memory_space<vmem>>, vector<1x2048x128xf32>
    %get3A_73 = vector.shape_cast %get3A_72 : vector<1x2048x128xf32> to vector<2048x128xf32>
    %broadcast_in_dim3A_74 = vector.shape_cast %get3A_2 : vector<2048xf32> to vector<2048x1xf32>
    %mul3A_75 = vector.broadcast %broadcast_in_dim3A_74 : vector<2048x1xf32> to vector<2048x128xf32>
    %mul3A_76 = arith.mulf %get3A_73, %mul3A_75 : vector<2048x128xf32>
    %get3A_77 = arith.constant 0 : index
    %get3A_78 = arith.constant 256 : index
    %get3A_79 = vector.load %arg3[%get3A_77, %get3A_78] : memref<1x512xf32, #tpu.memory_space<vmem>>, vector<1x128xf32>
    %get3A_80 = vector.shape_cast %get3A_79 : vector<1x128xf32> to vector<128xf32>
    %broadcast_in_dim3A_81 = vector.shape_cast %get3A_80 : vector<128xf32> to vector<1x128xf32>
    %add3A_82 = vector.broadcast %broadcast_in_dim3A_81 : vector<1x128xf32> to vector<2048x128xf32>
    %add3A_83 = arith.addf %mul3A_76, %add3A_82 : vector<2048x128xf32>
    %max3A_84 = arith.constant 0.000000e+00 : f32
    %max3A_85 = vector.broadcast %max3A_84 : f32 to vector<2048x128xf32>
    %max3A_86 = arith.maximumf %add3A_83, %max3A_85 : vector<2048x128xf32>
    %get3A_87 = arith.constant 0 : index
    %get3A_88 = arith.constant 256 : index
    %get3A_89 = vector.load %arg4[%get3A_87, %get3A_88] : memref<1x512xf32, #tpu.memory_space<vmem>>, vector<1x128xf32>
    %get3A_90 = vector.shape_cast %get3A_89 : vector<1x128xf32> to vector<128xf32>
    %mul3A_91 = arith.constant 0.999994993 : f32
    %mul3A_92 = vector.broadcast %mul3A_91 : f32 to vector<2048x128xf32>
    %mul3A_93 = arith.mulf %max3A_86, %mul3A_92 : vector<2048x128xf32>
    %broadcast_in_dim3A_94 = vector.shape_cast %get3A_90 : vector<128xf32> to vector<1x128xf32>
    %mul3A_95 = vector.broadcast %broadcast_in_dim3A_94 : vector<1x128xf32> to vector<2048x128xf32>
    %mul3A_96 = arith.mulf %mul3A_95, %mul3A_93 : vector<2048x128xf32>
    %get3A_97 = arith.constant 0 : index
    %get3A_98 = arith.constant 256 : index
    %get3A_99 = vector.load %arg5[%get3A_97, %get3A_98] : memref<1x512xf32, #tpu.memory_space<vmem>>, vector<1x128xf32>
    %get3A_100 = vector.shape_cast %get3A_99 : vector<1x128xf32> to vector<128xf32>
    %broadcast_in_dim3A_101 = vector.shape_cast %get3A_100 : vector<128xf32> to vector<1x128xf32>
    %add3A_102 = vector.broadcast %broadcast_in_dim3A_101 : vector<1x128xf32> to vector<2048x128xf32>
    %add3A_103 = arith.addf %mul3A_96, %add3A_102 : vector<2048x128xf32>
    %get3A_104 = arith.constant 3 : index
    %get3A_105 = arith.constant 0 : index
    %get3A_106 = arith.constant 0 : index
    %get3A_107 = vector.load %arg1[%get3A_104, %get3A_105, %get3A_106] : memref<4x2048x128xf32, #tpu.memory_space<vmem>>, vector<1x2048x128xf32>
    %get3A_108 = vector.shape_cast %get3A_107 : vector<1x2048x128xf32> to vector<2048x128xf32>
    %broadcast_in_dim3A_109 = vector.shape_cast %get3A_2 : vector<2048xf32> to vector<2048x1xf32>
    %mul3A_110 = vector.broadcast %broadcast_in_dim3A_109 : vector<2048x1xf32> to vector<2048x128xf32>
    %mul3A_111 = arith.mulf %get3A_108, %mul3A_110 : vector<2048x128xf32>
    %get3A_112 = arith.constant 0 : index
    %get3A_113 = arith.constant 384 : index
    %get3A_114 = vector.load %arg3[%get3A_112, %get3A_113] : memref<1x512xf32, #tpu.memory_space<vmem>>, vector<1x128xf32>
    %get3A_115 = vector.shape_cast %get3A_114 : vector<1x128xf32> to vector<128xf32>
    %broadcast_in_dim3A_116 = vector.shape_cast %get3A_115 : vector<128xf32> to vector<1x128xf32>
    %add3A_117 = vector.broadcast %broadcast_in_dim3A_116 : vector<1x128xf32> to vector<2048x128xf32>
    %add3A_118 = arith.addf %mul3A_111, %add3A_117 : vector<2048x128xf32>
    %max3A_119 = arith.constant 0.000000e+00 : f32
    %max3A_120 = vector.broadcast %max3A_119 : f32 to vector<2048x128xf32>
    %max3A_121 = arith.maximumf %add3A_118, %max3A_120 : vector<2048x128xf32>
    %get3A_122 = arith.constant 0 : index
    %get3A_123 = arith.constant 384 : index
    %get3A_124 = vector.load %arg4[%get3A_122, %get3A_123] : memref<1x512xf32, #tpu.memory_space<vmem>>, vector<1x128xf32>
    %get3A_125 = vector.shape_cast %get3A_124 : vector<1x128xf32> to vector<128xf32>
    %mul3A_126 = arith.constant 0.999994993 : f32
    %mul3A_127 = vector.broadcast %mul3A_126 : f32 to vector<2048x128xf32>
    %mul3A_128 = arith.mulf %max3A_121, %mul3A_127 : vector<2048x128xf32>
    %broadcast_in_dim3A_129 = vector.shape_cast %get3A_125 : vector<128xf32> to vector<1x128xf32>
    %mul3A_130 = vector.broadcast %broadcast_in_dim3A_129 : vector<1x128xf32> to vector<2048x128xf32>
    %mul3A_131 = arith.mulf %mul3A_130, %mul3A_128 : vector<2048x128xf32>
    %get3A_132 = arith.constant 0 : index
    %get3A_133 = arith.constant 384 : index
    %get3A_134 = vector.load %arg5[%get3A_132, %get3A_133] : memref<1x512xf32, #tpu.memory_space<vmem>>, vector<1x128xf32>
    %get3A_135 = vector.shape_cast %get3A_134 : vector<1x128xf32> to vector<128xf32>
    %broadcast_in_dim3A_136 = vector.shape_cast %get3A_135 : vector<128xf32> to vector<1x128xf32>
    %add3A_137 = vector.broadcast %broadcast_in_dim3A_136 : vector<1x128xf32> to vector<2048x128xf32>
    %add3A_138 = arith.addf %mul3A_131, %add3A_137 : vector<2048x128xf32>
    %concatenate3A = tpu.concatenate %add3A_33, %add3A_68, %add3A_103, %add3A_138 in 1 : vector<2048x128xf32>, vector<2048x128xf32>, vector<2048x128xf32>, vector<2048x128xf32> -> vector<2048x512xf32>
    %swap3A = arith.constant 0 : index
    %swap3A_139 = arith.constant 0 : index
    %swap3A_140 = vector.load %arg7[%swap3A, %swap3A_139] : memref<2048x512xf32, #tpu.memory_space<vmem>>, vector<2048x512xf32>
    tpu.vector_store %arg7[%swap3A, %swap3A_139], %concatenate3A {strides = array<i32>} : memref<2048x512xf32, #tpu.memory_space<vmem>>, vector<2048x512xf32>,
    %get3A_141 = arith.constant 0 : index
    %get3A_142 = arith.constant 0 : index
    %get3A_143 = vector.load %arg6[%get3A_141, %get3A_142] : memref<512x512xf32, #tpu.memory_space<vmem>>, vector<512x512xf32>
    %dot_general3A = arith.constant dense<0.000000e+00> : vector<2048x512xf32>
    %dot_general3A_144 = tpu.matmul %concatenate3A, %get3A_143, %dot_general3A {dimension_numbers = #tpu.dot_dimension_numbers<[1], [0], [0], [1], [0, 0, 1, 1], [], []>, transpose_lhs_hint = false} : vector<2048x512xf32>, vector<512x512xf32>, vector<2048x512xf32> -> vector<2048x512xf32>
    %broadcast_in_dim3A_145 = vector.shape_cast %get3A_2 : vector<2048xf32> to vector<2048x1xf32>
    %mul3A_146 = vector.broadcast %broadcast_in_dim3A_145 : vector<2048x1xf32> to vector<2048x512xf32>
    %mul3A_147 = arith.mulf %dot_general3A_144, %mul3A_146 : vector<2048x512xf32>
    %slice3A = vector.extract_strided_slice %mul3A_147 {offsets = [0, 0], sizes = [2048, 128], strides = [1, 1]} : vector<2048x512xf32> to vector<2048x128xf32>
    %swap3A_148 = arith.constant 0 : index
    %swap3A_149 = arith.constant 0 : index
    %swap3A_150 = arith.constant 0 : index
    %swap3A_151 = vector.load %arg8[%swap3A_148, %swap3A_149, %swap3A_150] : memref<4x2048x128xf32, #tpu.memory_space<vmem>>, vector<1x2048x128xf32>
    %swap3A_152 = vector.shape_cast %swap3A_151 : vector<1x2048x128xf32> to vector<2048x128xf32>
    %swap3A_153 = vector.shape_cast %slice3A : vector<2048x128xf32> to vector<1x2048x128xf32>
    tpu.vector_store %arg8[%swap3A_148, %swap3A_149, %swap3A_150], %swap3A_153 {strides = array<i32>} : memref<4x2048x128xf32, #tpu.memory_space<vmem>>, vector<1x2048x128xf32>,
    %slice3A_154 = vector.extract_strided_slice %mul3A_147 {offsets = [0, 128], sizes = [2048, 128], strides = [1, 1]} : vector<2048x512xf32> to vector<2048x128xf32>
    %swap3A_155 = arith.constant 1 : index
    %swap3A_156 = arith.constant 0 : index
    %swap3A_157 = arith.constant 0 : index
    %swap3A_158 = vector.load %arg8[%swap3A_155, %swap3A_156, %swap3A_157] : memref<4x2048x128xf32, #tpu.memory_space<vmem>>, vector<1x2048x128xf32>
    %swap3A_159 = vector.shape_cast %swap3A_158 : vector<1x2048x128xf32> to vector<2048x128xf32>
    %swap3A_160 = vector.shape_cast %slice3A_154 : vector<2048x128xf32> to vector<1x2048x128xf32>
    tpu.vector_store %arg8[%swap3A_155, %swap3A_156, %swap3A_157], %swap3A_160 {strides = array<i32>} : memref<4x2048x128xf32, #tpu.memory_space<vmem>>, vector<1x2048x128xf32>,
    %slice3A_161 = vector.extract_strided_slice %mul3A_147 {offsets = [0, 256], sizes = [2048, 128], strides = [1, 1]} : vector<2048x512xf32> to vector<2048x128xf32>
    %swap3A_162 = arith.constant 2 : index
    %swap3A_163 = arith.constant 0 : index
    %swap3A_164 = arith.constant 0 : index
    %swap3A_165 = vector.load %arg8[%swap3A_162, %swap3A_163, %swap3A_164] : memref<4x2048x128xf32, #tpu.memory_space<vmem>>, vector<1x2048x128xf32>
    %swap3A_166 = vector.shape_cast %swap3A_165 : vector<1x2048x128xf32> to vector<2048x128xf32>
    %swap3A_167 = vector.shape_cast %slice3A_161 : vector<2048x128xf32> to vector<1x2048x128xf32>
    tpu.vector_store %arg8[%swap3A_162, %swap3A_163, %swap3A_164], %swap3A_167 {strides = array<i32>} : memref<4x2048x128xf32, #tpu.memory_space<vmem>>, vector<1x2048x128xf32>,
    %slice3A_168 = vector.extract_strided_slice %mul3A_147 {offsets = [0, 384], sizes = [2048, 128], strides = [1, 1]} : vector<2048x512xf32> to vector<2048x128xf32>
    %swap3A_169 = arith.constant 3 : index
    %swap3A_170 = arith.constant 0 : index
    %swap3A_171 = arith.constant 0 : index
    %swap3A_172 = vector.load %arg8[%swap3A_169, %swap3A_170, %swap3A_171] : memref<4x2048x128xf32, #tpu.memory_space<vmem>>, vector<1x2048x128xf32>
    %swap3A_173 = vector.shape_cast %swap3A_172 : vector<1x2048x128xf32> to vector<2048x128xf32>
    %swap3A_174 = vector.shape_cast %slice3A_168 : vector<2048x128xf32> to vector<1x2048x128xf32>
    tpu.vector_store %arg8[%swap3A_169, %swap3A_170, %swap3A_171], %swap3A_174 {strides = array<i32>} : memref<4x2048x128xf32, #tpu.memory_space<vmem>>, vector<1x2048x128xf32>,
    return
  }
  func.func @transform_0(%arg0: i32) -> (i32, i32, i32) {
    %c0_i32 = arith.constant 0 : i32
    %c0_i32_0 = arith.constant 0 : i32
    %c0_i32_1 = arith.constant 0 : i32
    return %c0_i32, %arg0, %c0_i32_0 : i32, i32, i32
  }
  func.func @transform_1(%arg0: i32) -> (i32, i32) {
    %c0_i32 = arith.constant 0 : i32
    %c0_i32_0 = arith.constant 0 : i32
    return %c0_i32, %arg0 : i32, i32
  }
  func.func @transform_2(%arg0: i32) -> (i32, i32) {
    %c0_i32 = arith.constant 0 : i32
    %c0_i32_0 = arith.constant 0 : i32
    %c0_i32_1 = arith.constant 0 : i32
    return %c0_i32, %c0_i32_0 : i32, i32
  }
  func.func @transform_3(%arg0: i32) -> (i32, i32) {
    %c0_i32 = arith.constant 0 : i32
    %c0_i32_0 = arith.constant 0 : i32
    %c0_i32_1 = arith.constant 0 : i32
    return %c0_i32, %c0_i32_0 : i32, i32
  }
  func.func @transform_4(%arg0: i32) -> (i32, i32) {
    %c0_i32 = arith.constant 0 : i32
    %c0_i32_0 = arith.constant 0 : i32
    %c0_i32_1 = arith.constant 0 : i32
    return %c0_i32, %c0_i32_0 : i32, i32
  }
  func.func @transform_5(%arg0: i32) -> (i32, i32) {
    %c0_i32 = arith.constant 0 : i32
    %c0_i32_0 = arith.constant 0 : i32
    %c0_i32_1 = arith.constant 0 : i32
    return %c0_i32, %c0_i32_0 : i32, i32
  }
  func.func @transform_6(%arg0: i32) -> (i32, i32) {
    %c0_i32 = arith.constant 0 : i32
    %c0_i32_0 = arith.constant 0 : i32
    return %arg0, %c0_i32 : i32, i32
  }
  func.func @transform_7(%arg0: i32) -> (i32, i32, i32) {
    %c0_i32 = arith.constant 0 : i32
    %c0_i32_0 = arith.constant 0 : i32
    %c0_i32_1 = arith.constant 0 : i32
    return %c0_i32, %arg0, %c0_i32_0 : i32, i32, i32
  }
}

module attributes {stable_mosaic.version = 14 : i64} {
  func.func @body(%arg0: i32, %arg1: memref<4x2048x128xf32, #tpu.memory_space<vmem>>, %arg2: memref<1x2048xf32, #tpu.memory_space<vmem>>, %arg3: memref<1x512xf32, #tpu.memory_space<vmem>>, %arg4: memref<1x512xf32, #tpu.memory_space<vmem>>, %arg5: memref<1x512xf32, #tpu.memory_space<vmem>>, %arg6: memref<2048x512xf32, #tpu.memory_space<vmem>>, %arg7: memref<512x512xf32, #tpu.memory_space<vmem>>, %arg8: memref<2048x512xf32, #tpu.memory_space<vmem>>, %arg9: memref<4x2048x128xf32, #tpu.memory_space<vmem>>) attributes {dimension_semantics = [#tpu.dimension_semantics<arbitrary>], iteration_bounds = array<i64: 5>, scalar_prefetch = 0 : i64, scratch_operands = 0 : i64, tpu.core_type = #tpu.core_type<tc>, window_params = [{transform_indices = @transform_0, window_bounds = array<i64: 4, 2048, 128>}, {transform_indices = @transform_1, window_bounds = array<i64: 1, 2048>}, {pipeline_mode = #tpu.pipeline_mode<synchronous>, transform_indices = @transform_2, window_bounds = array<i64: 1, 512>}, {pipeline_mode = #tpu.pipeline_mode<synchronous>, transform_indices = @transform_3, window_bounds = array<i64: 1, 512>}, {pipeline_mode = #tpu.pipeline_mode<synchronous>, transform_indices = @transform_4, window_bounds = array<i64: 1, 512>}, {transform_indices = @transform_5, window_bounds = array<i64: 2048, 512>}, {pipeline_mode = #tpu.pipeline_mode<synchronous>, transform_indices = @transform_6, window_bounds = array<i64: 512, 512>}, {transform_indices = @transform_7, window_bounds = array<i64: 2048, 512>}, {transform_indices = @transform_8, window_bounds = array<i64: 4, 2048, 128>}]} {
    %get3A = arith.constant 0 : index
    %get3A_0 = arith.constant 0 : index
    %get3A_1 = vector.load %arg2[%get3A, %get3A_0] : memref<1x2048xf32, #tpu.memory_space<vmem>>, vector<1x2048xf32>
    %get3A_2 = vector.shape_cast %get3A_1 : vector<1x2048xf32> to vector<2048xf32>
    %get3A_3 = arith.constant 0 : index
    %get3A_4 = arith.constant 0 : index
    %get3A_5 = arith.constant 0 : index
    %get3A_6 = vector.load %arg1[%get3A_3, %get3A_4, %get3A_5] : memref<4x2048x128xf32, #tpu.memory_space<vmem>>, vector<1x2048x128xf32>
    %get3A_7 = vector.shape_cast %get3A_6 : vector<1x2048x128xf32> to vector<2048x128xf32>
    %broadcast_in_dim3A = vector.shape_cast %get3A_2 : vector<2048xf32> to vector<2048x1xf32>
    %mul3A = vector.broadcast %broadcast_in_dim3A : vector<2048x1xf32> to vector<2048x128xf32>
    %mul3A_8 = arith.mulf %get3A_7, %mul3A : vector<2048x128xf32>
    %get3A_9 = arith.constant 0 : index
    %get3A_10 = arith.constant 0 : index
    %get3A_11 = vector.load %arg3[%get3A_9, %get3A_10] : memref<1x512xf32, #tpu.memory_space<vmem>>, vector<1x128xf32>
    %get3A_12 = vector.shape_cast %get3A_11 : vector<1x128xf32> to vector<128xf32>
    %broadcast_in_dim3A_13 = vector.shape_cast %get3A_12 : vector<128xf32> to vector<1x128xf32>
    %add3A = vector.broadcast %broadcast_in_dim3A_13 : vector<1x128xf32> to vector<2048x128xf32>
    %add3A_14 = arith.addf %mul3A_8, %add3A : vector<2048x128xf32>
    %max3A = arith.constant 0.000000e+00 : f32
    %max3A_15 = vector.broadcast %max3A : f32 to vector<2048x128xf32>
    %max3A_16 = arith.maximumf %add3A_14, %max3A_15 : vector<2048x128xf32>
    %get3A_17 = arith.constant 0 : index
    %get3A_18 = arith.constant 0 : index
    %get3A_19 = vector.load %arg4[%get3A_17, %get3A_18] : memref<1x512xf32, #tpu.memory_space<vmem>>, vector<1x128xf32>
    %get3A_20 = vector.shape_cast %get3A_19 : vector<1x128xf32> to vector<128xf32>
    %mul3A_21 = arith.constant 0.999994993 : f32
    %mul3A_22 = vector.broadcast %mul3A_21 : f32 to vector<2048x128xf32>
    %mul3A_23 = arith.mulf %max3A_16, %mul3A_22 : vector<2048x128xf32>
    %broadcast_in_dim3A_24 = vector.shape_cast %get3A_20 : vector<128xf32> to vector<1x128xf32>
    %mul3A_25 = vector.broadcast %broadcast_in_dim3A_24 : vector<1x128xf32> to vector<2048x128xf32>
    %mul3A_26 = arith.mulf %mul3A_25, %mul3A_23 : vector<2048x128xf32>
    %get3A_27 = arith.constant 0 : index
    %get3A_28 = arith.constant 0 : index
    %get3A_29 = vector.load %arg5[%get3A_27, %get3A_28] : memref<1x512xf32, #tpu.memory_space<vmem>>, vector<1x128xf32>
    %get3A_30 = vector.shape_cast %get3A_29 : vector<1x128xf32> to vector<128xf32>
    %broadcast_in_dim3A_31 = vector.shape_cast %get3A_30 : vector<128xf32> to vector<1x128xf32>
    %add3A_32 = vector.broadcast %broadcast_in_dim3A_31 : vector<1x128xf32> to vector<2048x128xf32>
    %add3A_33 = arith.addf %mul3A_26, %add3A_32 : vector<2048x128xf32>
    %get3A_34 = arith.constant 0 : index
    %get3A_35 = arith.constant 0 : index
    %get3A_36 = vector.load %arg6[%get3A_34, %get3A_35] : memref<2048x512xf32, #tpu.memory_space<vmem>>, vector<2048x128xf32>
    %add3A_37 = arith.addf %add3A_33, %get3A_36 : vector<2048x128xf32>
    %get3A_38 = arith.constant 1 : index
    %get3A_39 = arith.constant 0 : index
    %get3A_40 = arith.constant 0 : index
    %get3A_41 = vector.load %arg1[%get3A_38, %get3A_39, %get3A_40] : memref<4x2048x128xf32, #tpu.memory_space<vmem>>, vector<1x2048x128xf32>
    %get3A_42 = vector.shape_cast %get3A_41 : vector<1x2048x128xf32> to vector<2048x128xf32>
    %broadcast_in_dim3A_43 = vector.shape_cast %get3A_2 : vector<2048xf32> to vector<2048x1xf32>
    %mul3A_44 = vector.broadcast %broadcast_in_dim3A_43 : vector<2048x1xf32> to vector<2048x128xf32>
    %mul3A_45 = arith.mulf %get3A_42, %mul3A_44 : vector<2048x128xf32>
    %get3A_46 = arith.constant 0 : index
    %get3A_47 = arith.constant 128 : index
    %get3A_48 = vector.load %arg3[%get3A_46, %get3A_47] : memref<1x512xf32, #tpu.memory_space<vmem>>, vector<1x128xf32>
    %get3A_49 = vector.shape_cast %get3A_48 : vector<1x128xf32> to vector<128xf32>
    %broadcast_in_dim3A_50 = vector.shape_cast %get3A_49 : vector<128xf32> to vector<1x128xf32>
    %add3A_51 = vector.broadcast %broadcast_in_dim3A_50 : vector<1x128xf32> to vector<2048x128xf32>
    %add3A_52 = arith.addf %mul3A_45, %add3A_51 : vector<2048x128xf32>
    %max3A_53 = arith.constant 0.000000e+00 : f32
    %max3A_54 = vector.broadcast %max3A_53 : f32 to vector<2048x128xf32>
    %max3A_55 = arith.maximumf %add3A_52, %max3A_54 : vector<2048x128xf32>
    %get3A_56 = arith.constant 0 : index
    %get3A_57 = arith.constant 128 : index
    %get3A_58 = vector.load %arg4[%get3A_56, %get3A_57] : memref<1x512xf32, #tpu.memory_space<vmem>>, vector<1x128xf32>
    %get3A_59 = vector.shape_cast %get3A_58 : vector<1x128xf32> to vector<128xf32>
    %mul3A_60 = arith.constant 0.999994993 : f32
    %mul3A_61 = vector.broadcast %mul3A_60 : f32 to vector<2048x128xf32>
    %mul3A_62 = arith.mulf %max3A_55, %mul3A_61 : vector<2048x128xf32>
    %broadcast_in_dim3A_63 = vector.shape_cast %get3A_59 : vector<128xf32> to vector<1x128xf32>
    %mul3A_64 = vector.broadcast %broadcast_in_dim3A_63 : vector<1x128xf32> to vector<2048x128xf32>
    %mul3A_65 = arith.mulf %mul3A_64, %mul3A_62 : vector<2048x128xf32>
    %get3A_66 = arith.constant 0 : index
    %get3A_67 = arith.constant 128 : index
    %get3A_68 = vector.load %arg5[%get3A_66, %get3A_67] : memref<1x512xf32, #tpu.memory_space<vmem>>, vector<1x128xf32>
    %get3A_69 = vector.shape_cast %get3A_68 : vector<1x128xf32> to vector<128xf32>
    %broadcast_in_dim3A_70 = vector.shape_cast %get3A_69 : vector<128xf32> to vector<1x128xf32>
    %add3A_71 = vector.broadcast %broadcast_in_dim3A_70 : vector<1x128xf32> to vector<2048x128xf32>
    %add3A_72 = arith.addf %mul3A_65, %add3A_71 : vector<2048x128xf32>
    %get3A_73 = arith.constant 0 : index
    %get3A_74 = arith.constant 128 : index
    %get3A_75 = vector.load %arg6[%get3A_73, %get3A_74] : memref<2048x512xf32, #tpu.memory_space<vmem>>, vector<2048x128xf32>
    %add3A_76 = arith.addf %add3A_72, %get3A_75 : vector<2048x128xf32>
    %get3A_77 = arith.constant 2 : index
    %get3A_78 = arith.constant 0 : index
    %get3A_79 = arith.constant 0 : index
    %get3A_80 = vector.load %arg1[%get3A_77, %get3A_78, %get3A_79] : memref<4x2048x128xf32, #tpu.memory_space<vmem>>, vector<1x2048x128xf32>
    %get3A_81 = vector.shape_cast %get3A_80 : vector<1x2048x128xf32> to vector<2048x128xf32>
    %broadcast_in_dim3A_82 = vector.shape_cast %get3A_2 : vector<2048xf32> to vector<2048x1xf32>
    %mul3A_83 = vector.broadcast %broadcast_in_dim3A_82 : vector<2048x1xf32> to vector<2048x128xf32>
    %mul3A_84 = arith.mulf %get3A_81, %mul3A_83 : vector<2048x128xf32>
    %get3A_85 = arith.constant 0 : index
    %get3A_86 = arith.constant 256 : index
    %get3A_87 = vector.load %arg3[%get3A_85, %get3A_86] : memref<1x512xf32, #tpu.memory_space<vmem>>, vector<1x128xf32>
    %get3A_88 = vector.shape_cast %get3A_87 : vector<1x128xf32> to vector<128xf32>
    %broadcast_in_dim3A_89 = vector.shape_cast %get3A_88 : vector<128xf32> to vector<1x128xf32>
    %add3A_90 = vector.broadcast %broadcast_in_dim3A_89 : vector<1x128xf32> to vector<2048x128xf32>
    %add3A_91 = arith.addf %mul3A_84, %add3A_90 : vector<2048x128xf32>
    %max3A_92 = arith.constant 0.000000e+00 : f32
    %max3A_93 = vector.broadcast %max3A_92 : f32 to vector<2048x128xf32>
    %max3A_94 = arith.maximumf %add3A_91, %max3A_93 : vector<2048x128xf32>
    %get3A_95 = arith.constant 0 : index
    %get3A_96 = arith.constant 256 : index
    %get3A_97 = vector.load %arg4[%get3A_95, %get3A_96] : memref<1x512xf32, #tpu.memory_space<vmem>>, vector<1x128xf32>
    %get3A_98 = vector.shape_cast %get3A_97 : vector<1x128xf32> to vector<128xf32>
    %mul3A_99 = arith.constant 0.999994993 : f32
    %mul3A_100 = vector.broadcast %mul3A_99 : f32 to vector<2048x128xf32>
    %mul3A_101 = arith.mulf %max3A_94, %mul3A_100 : vector<2048x128xf32>
    %broadcast_in_dim3A_102 = vector.shape_cast %get3A_98 : vector<128xf32> to vector<1x128xf32>
    %mul3A_103 = vector.broadcast %broadcast_in_dim3A_102 : vector<1x128xf32> to vector<2048x128xf32>
    %mul3A_104 = arith.mulf %mul3A_103, %mul3A_101 : vector<2048x128xf32>
    %get3A_105 = arith.constant 0 : index
    %get3A_106 = arith.constant 256 : index
    %get3A_107 = vector.load %arg5[%get3A_105, %get3A_106] : memref<1x512xf32, #tpu.memory_space<vmem>>, vector<1x128xf32>
    %get3A_108 = vector.shape_cast %get3A_107 : vector<1x128xf32> to vector<128xf32>
    %broadcast_in_dim3A_109 = vector.shape_cast %get3A_108 : vector<128xf32> to vector<1x128xf32>
    %add3A_110 = vector.broadcast %broadcast_in_dim3A_109 : vector<1x128xf32> to vector<2048x128xf32>
    %add3A_111 = arith.addf %mul3A_104, %add3A_110 : vector<2048x128xf32>
    %get3A_112 = arith.constant 0 : index
    %get3A_113 = arith.constant 256 : index
    %get3A_114 = vector.load %arg6[%get3A_112, %get3A_113] : memref<2048x512xf32, #tpu.memory_space<vmem>>, vector<2048x128xf32>
    %add3A_115 = arith.addf %add3A_111, %get3A_114 : vector<2048x128xf32>
    %get3A_116 = arith.constant 3 : index
    %get3A_117 = arith.constant 0 : index
    %get3A_118 = arith.constant 0 : index
    %get3A_119 = vector.load %arg1[%get3A_116, %get3A_117, %get3A_118] : memref<4x2048x128xf32, #tpu.memory_space<vmem>>, vector<1x2048x128xf32>
    %get3A_120 = vector.shape_cast %get3A_119 : vector<1x2048x128xf32> to vector<2048x128xf32>
    %broadcast_in_dim3A_121 = vector.shape_cast %get3A_2 : vector<2048xf32> to vector<2048x1xf32>
    %mul3A_122 = vector.broadcast %broadcast_in_dim3A_121 : vector<2048x1xf32> to vector<2048x128xf32>
    %mul3A_123 = arith.mulf %get3A_120, %mul3A_122 : vector<2048x128xf32>
    %get3A_124 = arith.constant 0 : index
    %get3A_125 = arith.constant 384 : index
    %get3A_126 = vector.load %arg3[%get3A_124, %get3A_125] : memref<1x512xf32, #tpu.memory_space<vmem>>, vector<1x128xf32>
    %get3A_127 = vector.shape_cast %get3A_126 : vector<1x128xf32> to vector<128xf32>
    %broadcast_in_dim3A_128 = vector.shape_cast %get3A_127 : vector<128xf32> to vector<1x128xf32>
    %add3A_129 = vector.broadcast %broadcast_in_dim3A_128 : vector<1x128xf32> to vector<2048x128xf32>
    %add3A_130 = arith.addf %mul3A_123, %add3A_129 : vector<2048x128xf32>
    %max3A_131 = arith.constant 0.000000e+00 : f32
    %max3A_132 = vector.broadcast %max3A_131 : f32 to vector<2048x128xf32>
    %max3A_133 = arith.maximumf %add3A_130, %max3A_132 : vector<2048x128xf32>
    %get3A_134 = arith.constant 0 : index
    %get3A_135 = arith.constant 384 : index
    %get3A_136 = vector.load %arg4[%get3A_134, %get3A_135] : memref<1x512xf32, #tpu.memory_space<vmem>>, vector<1x128xf32>
    %get3A_137 = vector.shape_cast %get3A_136 : vector<1x128xf32> to vector<128xf32>
    %mul3A_138 = arith.constant 0.999994993 : f32
    %mul3A_139 = vector.broadcast %mul3A_138 : f32 to vector<2048x128xf32>
    %mul3A_140 = arith.mulf %max3A_133, %mul3A_139 : vector<2048x128xf32>
    %broadcast_in_dim3A_141 = vector.shape_cast %get3A_137 : vector<128xf32> to vector<1x128xf32>
    %mul3A_142 = vector.broadcast %broadcast_in_dim3A_141 : vector<1x128xf32> to vector<2048x128xf32>
    %mul3A_143 = arith.mulf %mul3A_142, %mul3A_140 : vector<2048x128xf32>
    %get3A_144 = arith.constant 0 : index
    %get3A_145 = arith.constant 384 : index
    %get3A_146 = vector.load %arg5[%get3A_144, %get3A_145] : memref<1x512xf32, #tpu.memory_space<vmem>>, vector<1x128xf32>
    %get3A_147 = vector.shape_cast %get3A_146 : vector<1x128xf32> to vector<128xf32>
    %broadcast_in_dim3A_148 = vector.shape_cast %get3A_147 : vector<128xf32> to vector<1x128xf32>
    %add3A_149 = vector.broadcast %broadcast_in_dim3A_148 : vector<1x128xf32> to vector<2048x128xf32>
    %add3A_150 = arith.addf %mul3A_143, %add3A_149 : vector<2048x128xf32>
    %get3A_151 = arith.constant 0 : index
    %get3A_152 = arith.constant 384 : index
    %get3A_153 = vector.load %arg6[%get3A_151, %get3A_152] : memref<2048x512xf32, #tpu.memory_space<vmem>>, vector<2048x128xf32>
    %add3A_154 = arith.addf %add3A_150, %get3A_153 : vector<2048x128xf32>
    %concatenate3A = tpu.concatenate %add3A_37, %add3A_76, %add3A_115, %add3A_154 in 1 : vector<2048x128xf32>, vector<2048x128xf32>, vector<2048x128xf32>, vector<2048x128xf32> -> vector<2048x512xf32>
    %swap3A = arith.constant 0 : index
    %swap3A_155 = arith.constant 0 : index
    %swap3A_156 = vector.load %arg8[%swap3A, %swap3A_155] : memref<2048x512xf32, #tpu.memory_space<vmem>>, vector<2048x512xf32>
    tpu.vector_store %arg8[%swap3A, %swap3A_155], %concatenate3A {strides = array<i32>} : memref<2048x512xf32, #tpu.memory_space<vmem>>, vector<2048x512xf32>,
    %get3A_157 = arith.constant 0 : index
    %get3A_158 = arith.constant 0 : index
    %get3A_159 = vector.load %arg7[%get3A_157, %get3A_158] : memref<512x512xf32, #tpu.memory_space<vmem>>, vector<512x512xf32>
    %dot_general3A = arith.constant dense<0.000000e+00> : vector<2048x512xf32>
    %dot_general3A_160 = tpu.matmul %concatenate3A, %get3A_159, %dot_general3A {dimension_numbers = #tpu.dot_dimension_numbers<[1], [0], [0], [1], [0, 0, 1, 1], [], []>, transpose_lhs_hint = false} : vector<2048x512xf32>, vector<512x512xf32>, vector<2048x512xf32> -> vector<2048x512xf32>
    %broadcast_in_dim3A_161 = vector.shape_cast %get3A_2 : vector<2048xf32> to vector<2048x1xf32>
    %mul3A_162 = vector.broadcast %broadcast_in_dim3A_161 : vector<2048x1xf32> to vector<2048x512xf32>
    %mul3A_163 = arith.mulf %dot_general3A_160, %mul3A_162 : vector<2048x512xf32>
    %slice3A = vector.extract_strided_slice %mul3A_163 {offsets = [0, 0], sizes = [2048, 128], strides = [1, 1]} : vector<2048x512xf32> to vector<2048x128xf32>
    %swap3A_164 = arith.constant 0 : index
    %swap3A_165 = arith.constant 0 : index
    %swap3A_166 = arith.constant 0 : index
    %swap3A_167 = vector.load %arg9[%swap3A_164, %swap3A_165, %swap3A_166] : memref<4x2048x128xf32, #tpu.memory_space<vmem>>, vector<1x2048x128xf32>
    %swap3A_168 = vector.shape_cast %swap3A_167 : vector<1x2048x128xf32> to vector<2048x128xf32>
    %swap3A_169 = vector.shape_cast %slice3A : vector<2048x128xf32> to vector<1x2048x128xf32>
    tpu.vector_store %arg9[%swap3A_164, %swap3A_165, %swap3A_166], %swap3A_169 {strides = array<i32>} : memref<4x2048x128xf32, #tpu.memory_space<vmem>>, vector<1x2048x128xf32>,
    %slice3A_170 = vector.extract_strided_slice %mul3A_163 {offsets = [0, 128], sizes = [2048, 128], strides = [1, 1]} : vector<2048x512xf32> to vector<2048x128xf32>
    %swap3A_171 = arith.constant 1 : index
    %swap3A_172 = arith.constant 0 : index
    %swap3A_173 = arith.constant 0 : index
    %swap3A_174 = vector.load %arg9[%swap3A_171, %swap3A_172, %swap3A_173] : memref<4x2048x128xf32, #tpu.memory_space<vmem>>, vector<1x2048x128xf32>
    %swap3A_175 = vector.shape_cast %swap3A_174 : vector<1x2048x128xf32> to vector<2048x128xf32>
    %swap3A_176 = vector.shape_cast %slice3A_170 : vector<2048x128xf32> to vector<1x2048x128xf32>
    tpu.vector_store %arg9[%swap3A_171, %swap3A_172, %swap3A_173], %swap3A_176 {strides = array<i32>} : memref<4x2048x128xf32, #tpu.memory_space<vmem>>, vector<1x2048x128xf32>,
    %slice3A_177 = vector.extract_strided_slice %mul3A_163 {offsets = [0, 256], sizes = [2048, 128], strides = [1, 1]} : vector<2048x512xf32> to vector<2048x128xf32>
    %swap3A_178 = arith.constant 2 : index
    %swap3A_179 = arith.constant 0 : index
    %swap3A_180 = arith.constant 0 : index
    %swap3A_181 = vector.load %arg9[%swap3A_178, %swap3A_179, %swap3A_180] : memref<4x2048x128xf32, #tpu.memory_space<vmem>>, vector<1x2048x128xf32>
    %swap3A_182 = vector.shape_cast %swap3A_181 : vector<1x2048x128xf32> to vector<2048x128xf32>
    %swap3A_183 = vector.shape_cast %slice3A_177 : vector<2048x128xf32> to vector<1x2048x128xf32>
    tpu.vector_store %arg9[%swap3A_178, %swap3A_179, %swap3A_180], %swap3A_183 {strides = array<i32>} : memref<4x2048x128xf32, #tpu.memory_space<vmem>>, vector<1x2048x128xf32>,
    %slice3A_184 = vector.extract_strided_slice %mul3A_163 {offsets = [0, 384], sizes = [2048, 128], strides = [1, 1]} : vector<2048x512xf32> to vector<2048x128xf32>
    %swap3A_185 = arith.constant 3 : index
    %swap3A_186 = arith.constant 0 : index
    %swap3A_187 = arith.constant 0 : index
    %swap3A_188 = vector.load %arg9[%swap3A_185, %swap3A_186, %swap3A_187] : memref<4x2048x128xf32, #tpu.memory_space<vmem>>, vector<1x2048x128xf32>
    %swap3A_189 = vector.shape_cast %swap3A_188 : vector<1x2048x128xf32> to vector<2048x128xf32>
    %swap3A_190 = vector.shape_cast %slice3A_184 : vector<2048x128xf32> to vector<1x2048x128xf32>
    tpu.vector_store %arg9[%swap3A_185, %swap3A_186, %swap3A_187], %swap3A_190 {strides = array<i32>} : memref<4x2048x128xf32, #tpu.memory_space<vmem>>, vector<1x2048x128xf32>,
    return
  }
  func.func @transform_0(%arg0: i32) -> (i32, i32, i32) {
    %c0_i32 = arith.constant 0 : i32
    %c0_i32_0 = arith.constant 0 : i32
    %c0_i32_1 = arith.constant 0 : i32
    return %c0_i32, %arg0, %c0_i32_0 : i32, i32, i32
  }
  func.func @transform_1(%arg0: i32) -> (i32, i32) {
    %c0_i32 = arith.constant 0 : i32
    %c0_i32_0 = arith.constant 0 : i32
    return %c0_i32, %arg0 : i32, i32
  }
  func.func @transform_2(%arg0: i32) -> (i32, i32) {
    %c0_i32 = arith.constant 0 : i32
    %c0_i32_0 = arith.constant 0 : i32
    %c0_i32_1 = arith.constant 0 : i32
    return %c0_i32, %c0_i32_0 : i32, i32
  }
  func.func @transform_3(%arg0: i32) -> (i32, i32) {
    %c0_i32 = arith.constant 0 : i32
    %c0_i32_0 = arith.constant 0 : i32
    %c0_i32_1 = arith.constant 0 : i32
    return %c0_i32, %c0_i32_0 : i32, i32
  }
  func.func @transform_4(%arg0: i32) -> (i32, i32) {
    %c0_i32 = arith.constant 0 : i32
    %c0_i32_0 = arith.constant 0 : i32
    %c0_i32_1 = arith.constant 0 : i32
    return %c0_i32, %c0_i32_0 : i32, i32
  }
  func.func @transform_5(%arg0: i32) -> (i32, i32) {
    %c0_i32 = arith.constant 0 : i32
    %c0_i32_0 = arith.constant 0 : i32
    return %arg0, %c0_i32 : i32, i32
  }
  func.func @transform_6(%arg0: i32) -> (i32, i32) {
    %c0_i32 = arith.constant 0 : i32
    %c0_i32_0 = arith.constant 0 : i32
    %c0_i32_1 = arith.constant 0 : i32
    return %c0_i32, %c0_i32_0 : i32, i32
  }
  func.func @transform_7(%arg0: i32) -> (i32, i32) {
    %c0_i32 = arith.constant 0 : i32
    %c0_i32_0 = arith.constant 0 : i32
    return %arg0, %c0_i32 : i32, i32
  }
  func.func @transform_8(%arg0: i32) -> (i32, i32, i32) {
    %c0_i32 = arith.constant 0 : i32
    %c0_i32_0 = arith.constant 0 : i32
    %c0_i32_1 = arith.constant 0 : i32
    return %c0_i32, %arg0, %c0_i32_0 : i32, i32, i32
  }
}

module attributes {stable_mosaic.version = 14 : i64} {
  func.func @_a3_body(%arg0: i32, %arg1: memref<4x2048x128xf32, #tpu.memory_space<vmem>>, %arg2: memref<1x2048xf32, #tpu.memory_space<vmem>>, %arg3: memref<1x512xf32, #tpu.memory_space<vmem>>, %arg4: memref<1x512xf32, #tpu.memory_space<vmem>>, %arg5: memref<1x512xf32, #tpu.memory_space<vmem>>, %arg6: memref<2048x512xf32, #tpu.memory_space<vmem>>, %arg7: memref<512x512xf32, #tpu.memory_space<vmem>>, %arg8: memref<1x512xf32, #tpu.memory_space<vmem>>, %arg9: memref<512x128xf32, #tpu.memory_space<vmem>>, %arg10: memref<1x128xf32, #tpu.memory_space<vmem>>, %arg11: memref<512x768xf32, #tpu.memory_space<vmem>>, %arg12: memref<1x768xf32, #tpu.memory_space<vmem>>, %arg13: memref<768x128xf32, #tpu.memory_space<vmem>>, %arg14: memref<1x128xf32, #tpu.memory_space<vmem>>, %arg15: memref<2048x128xf32, #tpu.memory_space<vmem>>, %arg16: memref<2048x128xf32, #tpu.memory_space<vmem>>) attributes {dimension_semantics = [#tpu.dimension_semantics<arbitrary>], iteration_bounds = array<i64: 5>, scalar_prefetch = 0 : i64, scratch_operands = 0 : i64, tpu.core_type = #tpu.core_type<tc>, window_params = [{transform_indices = @transform_0, window_bounds = array<i64: 4, 2048, 128>}, {transform_indices = @transform_1, window_bounds = array<i64: 1, 2048>}, {pipeline_mode = #tpu.pipeline_mode<synchronous>, transform_indices = @transform_2, window_bounds = array<i64: 1, 512>}, {pipeline_mode = #tpu.pipeline_mode<synchronous>, transform_indices = @transform_3, window_bounds = array<i64: 1, 512>}, {pipeline_mode = #tpu.pipeline_mode<synchronous>, transform_indices = @transform_4, window_bounds = array<i64: 1, 512>}, {transform_indices = @transform_5, window_bounds = array<i64: 2048, 512>}, {pipeline_mode = #tpu.pipeline_mode<synchronous>, transform_indices = @transform_6, window_bounds = array<i64: 512, 512>}, {pipeline_mode = #tpu.pipeline_mode<synchronous>, transform_indices = @transform_7, window_bounds = array<i64: 1, 512>}, {pipeline_mode = #tpu.pipeline_mode<synchronous>, transform_indices = @transform_8, window_bounds = array<i64: 512, 128>}, {pipeline_mode = #tpu.pipeline_mode<synchronous>, transform_indices = @transform_9, window_bounds = array<i64: 1, 128>}, {pipeline_mode = #tpu.pipeline_mode<synchronous>, transform_indices = @transform_10, window_bounds = array<i64: 512, 768>}, {pipeline_mode = #tpu.pipeline_mode<synchronous>, transform_indices = @transform_11, window_bounds = array<i64: 1, 768>}, {pipeline_mode = #tpu.pipeline_mode<synchronous>, transform_indices = @transform_12, window_bounds = array<i64: 768, 128>}, {pipeline_mode = #tpu.pipeline_mode<synchronous>, transform_indices = @transform_13, window_bounds = array<i64: 1, 128>}, {transform_indices = @transform_14, window_bounds = array<i64: 2048, 128>}, {transform_indices = @transform_15, window_bounds = array<i64: 2048, 128>}]} {
    %get3A = arith.constant 0 : index
    %get3A_0 = arith.constant 0 : index
    %get3A_1 = vector.load %arg2[%get3A, %get3A_0] : memref<1x2048xf32, #tpu.memory_space<vmem>>, vector<1x2048xf32>
    %get3A_2 = vector.shape_cast %get3A_1 : vector<1x2048xf32> to vector<2048xf32>
    %get3A_3 = arith.constant 0 : index
    %get3A_4 = arith.constant 0 : index
    %get3A_5 = arith.constant 0 : index
    %get3A_6 = vector.load %arg1[%get3A_3, %get3A_4, %get3A_5] : memref<4x2048x128xf32, #tpu.memory_space<vmem>>, vector<1x2048x128xf32>
    %get3A_7 = vector.shape_cast %get3A_6 : vector<1x2048x128xf32> to vector<2048x128xf32>
    %broadcast_in_dim3A = vector.shape_cast %get3A_2 : vector<2048xf32> to vector<2048x1xf32>
    %mul3A = vector.broadcast %broadcast_in_dim3A : vector<2048x1xf32> to vector<2048x128xf32>
    %mul3A_8 = arith.mulf %get3A_7, %mul3A : vector<2048x128xf32>
    %get3A_9 = arith.constant 0 : index
    %get3A_10 = arith.constant 0 : index
    %get3A_11 = vector.load %arg3[%get3A_9, %get3A_10] : memref<1x512xf32, #tpu.memory_space<vmem>>, vector<1x128xf32>
    %get3A_12 = vector.shape_cast %get3A_11 : vector<1x128xf32> to vector<128xf32>
    %broadcast_in_dim3A_13 = vector.shape_cast %get3A_12 : vector<128xf32> to vector<1x128xf32>
    %add3A = vector.broadcast %broadcast_in_dim3A_13 : vector<1x128xf32> to vector<2048x128xf32>
    %add3A_14 = arith.addf %mul3A_8, %add3A : vector<2048x128xf32>
    %max3A = arith.constant 0.000000e+00 : f32
    %max3A_15 = vector.broadcast %max3A : f32 to vector<2048x128xf32>
    %max3A_16 = arith.maximumf %add3A_14, %max3A_15 : vector<2048x128xf32>
    %get3A_17 = arith.constant 0 : index
    %get3A_18 = arith.constant 0 : index
    %get3A_19 = vector.load %arg4[%get3A_17, %get3A_18] : memref<1x512xf32, #tpu.memory_space<vmem>>, vector<1x128xf32>
    %get3A_20 = vector.shape_cast %get3A_19 : vector<1x128xf32> to vector<128xf32>
    %mul3A_21 = arith.constant 0.999994993 : f32
    %mul3A_22 = vector.broadcast %mul3A_21 : f32 to vector<2048x128xf32>
    %mul3A_23 = arith.mulf %max3A_16, %mul3A_22 : vector<2048x128xf32>
    %broadcast_in_dim3A_24 = vector.shape_cast %get3A_20 : vector<128xf32> to vector<1x128xf32>
    %mul3A_25 = vector.broadcast %broadcast_in_dim3A_24 : vector<1x128xf32> to vector<2048x128xf32>
    %mul3A_26 = arith.mulf %mul3A_25, %mul3A_23 : vector<2048x128xf32>
    %get3A_27 = arith.constant 0 : index
    %get3A_28 = arith.constant 0 : index
    %get3A_29 = vector.load %arg5[%get3A_27, %get3A_28] : memref<1x512xf32, #tpu.memory_space<vmem>>, vector<1x128xf32>
    %get3A_30 = vector.shape_cast %get3A_29 : vector<1x128xf32> to vector<128xf32>
    %broadcast_in_dim3A_31 = vector.shape_cast %get3A_30 : vector<128xf32> to vector<1x128xf32>
    %add3A_32 = vector.broadcast %broadcast_in_dim3A_31 : vector<1x128xf32> to vector<2048x128xf32>
    %add3A_33 = arith.addf %mul3A_26, %add3A_32 : vector<2048x128xf32>
    %get3A_34 = arith.constant 0 : index
    %get3A_35 = arith.constant 0 : index
    %get3A_36 = vector.load %arg6[%get3A_34, %get3A_35] : memref<2048x512xf32, #tpu.memory_space<vmem>>, vector<2048x128xf32>
    %add3A_37 = arith.addf %add3A_33, %get3A_36 : vector<2048x128xf32>
    %get3A_38 = arith.constant 1 : index
    %get3A_39 = arith.constant 0 : index
    %get3A_40 = arith.constant 0 : index
    %get3A_41 = vector.load %arg1[%get3A_38, %get3A_39, %get3A_40] : memref<4x2048x128xf32, #tpu.memory_space<vmem>>, vector<1x2048x128xf32>
    %get3A_42 = vector.shape_cast %get3A_41 : vector<1x2048x128xf32> to vector<2048x128xf32>
    %broadcast_in_dim3A_43 = vector.shape_cast %get3A_2 : vector<2048xf32> to vector<2048x1xf32>
    %mul3A_44 = vector.broadcast %broadcast_in_dim3A_43 : vector<2048x1xf32> to vector<2048x128xf32>
    %mul3A_45 = arith.mulf %get3A_42, %mul3A_44 : vector<2048x128xf32>
    %get3A_46 = arith.constant 0 : index
    %get3A_47 = arith.constant 128 : index
    %get3A_48 = vector.load %arg3[%get3A_46, %get3A_47] : memref<1x512xf32, #tpu.memory_space<vmem>>, vector<1x128xf32>
    %get3A_49 = vector.shape_cast %get3A_48 : vector<1x128xf32> to vector<128xf32>
    %broadcast_in_dim3A_50 = vector.shape_cast %get3A_49 : vector<128xf32> to vector<1x128xf32>
    %add3A_51 = vector.broadcast %broadcast_in_dim3A_50 : vector<1x128xf32> to vector<2048x128xf32>
    %add3A_52 = arith.addf %mul3A_45, %add3A_51 : vector<2048x128xf32>
    %max3A_53 = arith.constant 0.000000e+00 : f32
    %max3A_54 = vector.broadcast %max3A_53 : f32 to vector<2048x128xf32>
    %max3A_55 = arith.maximumf %add3A_52, %max3A_54 : vector<2048x128xf32>
    %get3A_56 = arith.constant 0 : index
    %get3A_57 = arith.constant 128 : index
    %get3A_58 = vector.load %arg4[%get3A_56, %get3A_57] : memref<1x512xf32, #tpu.memory_space<vmem>>, vector<1x128xf32>
    %get3A_59 = vector.shape_cast %get3A_58 : vector<1x128xf32> to vector<128xf32>
    %mul3A_60 = arith.constant 0.999994993 : f32
    %mul3A_61 = vector.broadcast %mul3A_60 : f32 to vector<2048x128xf32>
    %mul3A_62 = arith.mulf %max3A_55, %mul3A_61 : vector<2048x128xf32>
    %broadcast_in_dim3A_63 = vector.shape_cast %get3A_59 : vector<128xf32> to vector<1x128xf32>
    %mul3A_64 = vector.broadcast %broadcast_in_dim3A_63 : vector<1x128xf32> to vector<2048x128xf32>
    %mul3A_65 = arith.mulf %mul3A_64, %mul3A_62 : vector<2048x128xf32>
    %get3A_66 = arith.constant 0 : index
    %get3A_67 = arith.constant 128 : index
    %get3A_68 = vector.load %arg5[%get3A_66, %get3A_67] : memref<1x512xf32, #tpu.memory_space<vmem>>, vector<1x128xf32>
    %get3A_69 = vector.shape_cast %get3A_68 : vector<1x128xf32> to vector<128xf32>
    %broadcast_in_dim3A_70 = vector.shape_cast %get3A_69 : vector<128xf32> to vector<1x128xf32>
    %add3A_71 = vector.broadcast %broadcast_in_dim3A_70 : vector<1x128xf32> to vector<2048x128xf32>
    %add3A_72 = arith.addf %mul3A_65, %add3A_71 : vector<2048x128xf32>
    %get3A_73 = arith.constant 0 : index
    %get3A_74 = arith.constant 128 : index
    %get3A_75 = vector.load %arg6[%get3A_73, %get3A_74] : memref<2048x512xf32, #tpu.memory_space<vmem>>, vector<2048x128xf32>
    %add3A_76 = arith.addf %add3A_72, %get3A_75 : vector<2048x128xf32>
    %get3A_77 = arith.constant 2 : index
    %get3A_78 = arith.constant 0 : index
    %get3A_79 = arith.constant 0 : index
    %get3A_80 = vector.load %arg1[%get3A_77, %get3A_78, %get3A_79] : memref<4x2048x128xf32, #tpu.memory_space<vmem>>, vector<1x2048x128xf32>
    %get3A_81 = vector.shape_cast %get3A_80 : vector<1x2048x128xf32> to vector<2048x128xf32>
    %broadcast_in_dim3A_82 = vector.shape_cast %get3A_2 : vector<2048xf32> to vector<2048x1xf32>
    %mul3A_83 = vector.broadcast %broadcast_in_dim3A_82 : vector<2048x1xf32> to vector<2048x128xf32>
    %mul3A_84 = arith.mulf %get3A_81, %mul3A_83 : vector<2048x128xf32>
    %get3A_85 = arith.constant 0 : index
    %get3A_86 = arith.constant 256 : index
    %get3A_87 = vector.load %arg3[%get3A_85, %get3A_86] : memref<1x512xf32, #tpu.memory_space<vmem>>, vector<1x128xf32>
    %get3A_88 = vector.shape_cast %get3A_87 : vector<1x128xf32> to vector<128xf32>
    %broadcast_in_dim3A_89 = vector.shape_cast %get3A_88 : vector<128xf32> to vector<1x128xf32>
    %add3A_90 = vector.broadcast %broadcast_in_dim3A_89 : vector<1x128xf32> to vector<2048x128xf32>
    %add3A_91 = arith.addf %mul3A_84, %add3A_90 : vector<2048x128xf32>
    %max3A_92 = arith.constant 0.000000e+00 : f32
    %max3A_93 = vector.broadcast %max3A_92 : f32 to vector<2048x128xf32>
    %max3A_94 = arith.maximumf %add3A_91, %max3A_93 : vector<2048x128xf32>
    %get3A_95 = arith.constant 0 : index
    %get3A_96 = arith.constant 256 : index
    %get3A_97 = vector.load %arg4[%get3A_95, %get3A_96] : memref<1x512xf32, #tpu.memory_space<vmem>>, vector<1x128xf32>
    %get3A_98 = vector.shape_cast %get3A_97 : vector<1x128xf32> to vector<128xf32>
    %mul3A_99 = arith.constant 0.999994993 : f32
    %mul3A_100 = vector.broadcast %mul3A_99 : f32 to vector<2048x128xf32>
    %mul3A_101 = arith.mulf %max3A_94, %mul3A_100 : vector<2048x128xf32>
    %broadcast_in_dim3A_102 = vector.shape_cast %get3A_98 : vector<128xf32> to vector<1x128xf32>
    %mul3A_103 = vector.broadcast %broadcast_in_dim3A_102 : vector<1x128xf32> to vector<2048x128xf32>
    %mul3A_104 = arith.mulf %mul3A_103, %mul3A_101 : vector<2048x128xf32>
    %get3A_105 = arith.constant 0 : index
    %get3A_106 = arith.constant 256 : index
    %get3A_107 = vector.load %arg5[%get3A_105, %get3A_106] : memref<1x512xf32, #tpu.memory_space<vmem>>, vector<1x128xf32>
    %get3A_108 = vector.shape_cast %get3A_107 : vector<1x128xf32> to vector<128xf32>
    %broadcast_in_dim3A_109 = vector.shape_cast %get3A_108 : vector<128xf32> to vector<1x128xf32>
    %add3A_110 = vector.broadcast %broadcast_in_dim3A_109 : vector<1x128xf32> to vector<2048x128xf32>
    %add3A_111 = arith.addf %mul3A_104, %add3A_110 : vector<2048x128xf32>
    %get3A_112 = arith.constant 0 : index
    %get3A_113 = arith.constant 256 : index
    %get3A_114 = vector.load %arg6[%get3A_112, %get3A_113] : memref<2048x512xf32, #tpu.memory_space<vmem>>, vector<2048x128xf32>
    %add3A_115 = arith.addf %add3A_111, %get3A_114 : vector<2048x128xf32>
    %get3A_116 = arith.constant 3 : index
    %get3A_117 = arith.constant 0 : index
    %get3A_118 = arith.constant 0 : index
    %get3A_119 = vector.load %arg1[%get3A_116, %get3A_117, %get3A_118] : memref<4x2048x128xf32, #tpu.memory_space<vmem>>, vector<1x2048x128xf32>
    %get3A_120 = vector.shape_cast %get3A_119 : vector<1x2048x128xf32> to vector<2048x128xf32>
    %broadcast_in_dim3A_121 = vector.shape_cast %get3A_2 : vector<2048xf32> to vector<2048x1xf32>
    %mul3A_122 = vector.broadcast %broadcast_in_dim3A_121 : vector<2048x1xf32> to vector<2048x128xf32>
    %mul3A_123 = arith.mulf %get3A_120, %mul3A_122 : vector<2048x128xf32>
    %get3A_124 = arith.constant 0 : index
    %get3A_125 = arith.constant 384 : index
    %get3A_126 = vector.load %arg3[%get3A_124, %get3A_125] : memref<1x512xf32, #tpu.memory_space<vmem>>, vector<1x128xf32>
    %get3A_127 = vector.shape_cast %get3A_126 : vector<1x128xf32> to vector<128xf32>
    %broadcast_in_dim3A_128 = vector.shape_cast %get3A_127 : vector<128xf32> to vector<1x128xf32>
    %add3A_129 = vector.broadcast %broadcast_in_dim3A_128 : vector<1x128xf32> to vector<2048x128xf32>
    %add3A_130 = arith.addf %mul3A_123, %add3A_129 : vector<2048x128xf32>
    %max3A_131 = arith.constant 0.000000e+00 : f32
    %max3A_132 = vector.broadcast %max3A_131 : f32 to vector<2048x128xf32>
    %max3A_133 = arith.maximumf %add3A_130, %max3A_132 : vector<2048x128xf32>
    %get3A_134 = arith.constant 0 : index
    %get3A_135 = arith.constant 384 : index
    %get3A_136 = vector.load %arg4[%get3A_134, %get3A_135] : memref<1x512xf32, #tpu.memory_space<vmem>>, vector<1x128xf32>
    %get3A_137 = vector.shape_cast %get3A_136 : vector<1x128xf32> to vector<128xf32>
    %mul3A_138 = arith.constant 0.999994993 : f32
    %mul3A_139 = vector.broadcast %mul3A_138 : f32 to vector<2048x128xf32>
    %mul3A_140 = arith.mulf %max3A_133, %mul3A_139 : vector<2048x128xf32>
    %broadcast_in_dim3A_141 = vector.shape_cast %get3A_137 : vector<128xf32> to vector<1x128xf32>
    %mul3A_142 = vector.broadcast %broadcast_in_dim3A_141 : vector<1x128xf32> to vector<2048x128xf32>
    %mul3A_143 = arith.mulf %mul3A_142, %mul3A_140 : vector<2048x128xf32>
    %get3A_144 = arith.constant 0 : index
    %get3A_145 = arith.constant 384 : index
    %get3A_146 = vector.load %arg5[%get3A_144, %get3A_145] : memref<1x512xf32, #tpu.memory_space<vmem>>, vector<1x128xf32>
    %get3A_147 = vector.shape_cast %get3A_146 : vector<1x128xf32> to vector<128xf32>
    %broadcast_in_dim3A_148 = vector.shape_cast %get3A_147 : vector<128xf32> to vector<1x128xf32>
    %add3A_149 = vector.broadcast %broadcast_in_dim3A_148 : vector<1x128xf32> to vector<2048x128xf32>
    %add3A_150 = arith.addf %mul3A_143, %add3A_149 : vector<2048x128xf32>
    %get3A_151 = arith.constant 0 : index
    %get3A_152 = arith.constant 384 : index
    %get3A_153 = vector.load %arg6[%get3A_151, %get3A_152] : memref<2048x512xf32, #tpu.memory_space<vmem>>, vector<2048x128xf32>
    %add3A_154 = arith.addf %add3A_150, %get3A_153 : vector<2048x128xf32>
    %concatenate3A = tpu.concatenate %add3A_37, %add3A_76, %add3A_115, %add3A_154 in 1 : vector<2048x128xf32>, vector<2048x128xf32>, vector<2048x128xf32>, vector<2048x128xf32> -> vector<2048x512xf32>
    %get3A_155 = arith.constant 0 : index
    %get3A_156 = arith.constant 0 : index
    %get3A_157 = vector.load %arg7[%get3A_155, %get3A_156] : memref<512x512xf32, #tpu.memory_space<vmem>>, vector<512x512xf32>
    %dot_general3A = arith.constant dense<0.000000e+00> : vector<2048x512xf32>
    %dot_general3A_158 = tpu.matmul %concatenate3A, %get3A_157, %dot_general3A {dimension_numbers = #tpu.dot_dimension_numbers<[1], [0], [0], [1], [0, 0, 1, 1], [], []>, transpose_lhs_hint = false} : vector<2048x512xf32>, vector<512x512xf32>, vector<2048x512xf32> -> vector<2048x512xf32>
    %get3A_159 = arith.constant 0 : index
    %get3A_160 = arith.constant 0 : index
    %get3A_161 = vector.load %arg8[%get3A_159, %get3A_160] : memref<1x512xf32, #tpu.memory_space<vmem>>, vector<1x512xf32>
    %get3A_162 = vector.shape_cast %get3A_161 : vector<1x512xf32> to vector<512xf32>
    %broadcast_in_dim3A_163 = vector.shape_cast %get3A_162 : vector<512xf32> to vector<1x512xf32>
    %add3A_164 = vector.broadcast %broadcast_in_dim3A_163 : vector<1x512xf32> to vector<2048x512xf32>
    %add3A_165 = arith.addf %dot_general3A_158, %add3A_164 : vector<2048x512xf32>
    %max3A_166 = arith.constant 0.000000e+00 : f32
    %max3A_167 = vector.broadcast %max3A_166 : f32 to vector<2048x512xf32>
    %max3A_168 = arith.maximumf %add3A_165, %max3A_167 : vector<2048x512xf32>
    %get3A_169 = arith.constant 0 : index
    %get3A_170 = arith.constant 0 : index
    %get3A_171 = vector.load %arg9[%get3A_169, %get3A_170] : memref<512x128xf32, #tpu.memory_space<vmem>>, vector<512x128xf32>
    %dot_general3A_172 = arith.constant dense<0.000000e+00> : vector<2048x128xf32>
    %dot_general3A_173 = tpu.matmul %max3A_168, %get3A_171, %dot_general3A_172 {dimension_numbers = #tpu.dot_dimension_numbers<[1], [0], [0], [1], [0, 0, 1, 1], [], []>, transpose_lhs_hint = false} : vector<2048x512xf32>, vector<512x128xf32>, vector<2048x128xf32> -> vector<2048x128xf32>
    %get3A_174 = arith.constant 0 : index
    %get3A_175 = arith.constant 0 : index
    %get3A_176 = vector.load %arg10[%get3A_174, %get3A_175] : memref<1x128xf32, #tpu.memory_space<vmem>>, vector<1x128xf32>
    %get3A_177 = vector.shape_cast %get3A_176 : vector<1x128xf32> to vector<128xf32>
    %broadcast_in_dim3A_178 = vector.shape_cast %get3A_177 : vector<128xf32> to vector<1x128xf32>
    %add3A_179 = vector.broadcast %broadcast_in_dim3A_178 : vector<1x128xf32> to vector<2048x128xf32>
    %add3A_180 = arith.addf %dot_general3A_173, %add3A_179 : vector<2048x128xf32>
    %swap3A = arith.constant 0 : index
    %swap3A_181 = arith.constant 0 : index
    %swap3A_182 = vector.load %arg15[%swap3A, %swap3A_181] : memref<2048x128xf32, #tpu.memory_space<vmem>>, vector<2048x128xf32>
    tpu.vector_store %arg15[%swap3A, %swap3A_181], %add3A_180 {strides = array<i32>} : memref<2048x128xf32, #tpu.memory_space<vmem>>, vector<2048x128xf32>,
    %get3A_183 = arith.constant 0 : index
    %get3A_184 = arith.constant 0 : index
    %get3A_185 = vector.load %arg11[%get3A_183, %get3A_184] : memref<512x768xf32, #tpu.memory_space<vmem>>, vector<512x768xf32>
    %dot_general3A_186 = arith.constant dense<0.000000e+00> : vector<2048x768xf32>
    %dot_general3A_187 = tpu.matmul %concatenate3A, %get3A_185, %dot_general3A_186 {dimension_numbers = #tpu.dot_dimension_numbers<[1], [0], [0], [1], [0, 0, 1, 1], [], []>, transpose_lhs_hint = false} : vector<2048x512xf32>, vector<512x768xf32>, vector<2048x768xf32> -> vector<2048x768xf32>
    %get3A_188 = arith.constant 0 : index
    %get3A_189 = arith.constant 0 : index
    %get3A_190 = vector.load %arg12[%get3A_188, %get3A_189] : memref<1x768xf32, #tpu.memory_space<vmem>>, vector<1x768xf32>
    %get3A_191 = vector.shape_cast %get3A_190 : vector<1x768xf32> to vector<768xf32>
    %broadcast_in_dim3A_192 = vector.shape_cast %get3A_191 : vector<768xf32> to vector<1x768xf32>
    %add3A_193 = vector.broadcast %broadcast_in_dim3A_192 : vector<1x768xf32> to vector<2048x768xf32>
    %add3A_194 = arith.addf %dot_general3A_187, %add3A_193 : vector<2048x768xf32>
    %max3A_195 = arith.constant 0.000000e+00 : f32
    %max3A_196 = vector.broadcast %max3A_195 : f32 to vector<2048x768xf32>
    %max3A_197 = arith.maximumf %add3A_194, %max3A_196 : vector<2048x768xf32>
    %get3A_198 = arith.constant 0 : index
    %get3A_199 = arith.constant 0 : index
    %get3A_200 = vector.load %arg13[%get3A_198, %get3A_199] : memref<768x128xf32, #tpu.memory_space<vmem>>, vector<768x128xf32>
    %dot_general3A_201 = arith.constant dense<0.000000e+00> : vector<2048x128xf32>
    %dot_general3A_202 = tpu.matmul %max3A_197, %get3A_200, %dot_general3A_201 {dimension_numbers = #tpu.dot_dimension_numbers<[1], [0], [0], [1], [0, 0, 1, 1], [], []>, transpose_lhs_hint = false} : vector<2048x768xf32>, vector<768x128xf32>, vector<2048x128xf32> -> vector<2048x128xf32>
    %get3A_203 = arith.constant 0 : index
    %get3A_204 = arith.constant 0 : index
    %get3A_205 = vector.load %arg14[%get3A_203, %get3A_204] : memref<1x128xf32, #tpu.memory_space<vmem>>, vector<1x128xf32>
    %get3A_206 = vector.shape_cast %get3A_205 : vector<1x128xf32> to vector<128xf32>
    %broadcast_in_dim3A_207 = vector.shape_cast %get3A_206 : vector<128xf32> to vector<1x128xf32>
    %add3A_208 = vector.broadcast %broadcast_in_dim3A_207 : vector<1x128xf32> to vector<2048x128xf32>
    %add3A_209 = arith.addf %dot_general3A_202, %add3A_208 : vector<2048x128xf32>
    %logistic3A = arith.negf %add3A_209 : vector<2048x128xf32>
    %logistic3A_210 = math.exp %logistic3A : vector<2048x128xf32>
    %logistic3A_211 = arith.constant 1.000000e+00 : f32
    %logistic3A_212 = vector.broadcast %logistic3A_211 : f32 to vector<2048x128xf32>
    %logistic3A_213 = arith.addf %logistic3A_212, %logistic3A_210 : vector<2048x128xf32>
    %logistic3A_214 = arith.divf %logistic3A_212, %logistic3A_213 : vector<2048x128xf32>
    %swap3A_215 = arith.constant 0 : index
    %swap3A_216 = arith.constant 0 : index
    %swap3A_217 = vector.load %arg16[%swap3A_215, %swap3A_216] : memref<2048x128xf32, #tpu.memory_space<vmem>>, vector<2048x128xf32>
    tpu.vector_store %arg16[%swap3A_215, %swap3A_216], %logistic3A_214 {strides = array<i32>} : memref<2048x128xf32, #tpu.memory_space<vmem>>, vector<2048x128xf32>,
    return
  }
  func.func @transform_0(%arg0: i32) -> (i32, i32, i32) {
    %c0_i32 = arith.constant 0 : i32
    %c0_i32_0 = arith.constant 0 : i32
    %c0_i32_1 = arith.constant 0 : i32
    return %c0_i32, %arg0, %c0_i32_0 : i32, i32, i32
  }
  func.func @transform_1(%arg0: i32) -> (i32, i32) {
    %c0_i32 = arith.constant 0 : i32
    %c0_i32_0 = arith.constant 0 : i32
    return %c0_i32, %arg0 : i32, i32
  }
  func.func @transform_2(%arg0: i32) -> (i32, i32) {
    %c0_i32 = arith.constant 0 : i32
    %c0_i32_0 = arith.constant 0 : i32
    %c0_i32_1 = arith.constant 0 : i32
    return %c0_i32, %c0_i32_0 : i32, i32
  }
  func.func @transform_3(%arg0: i32) -> (i32, i32) {
    %c0_i32 = arith.constant 0 : i32
    %c0_i32_0 = arith.constant 0 : i32
    %c0_i32_1 = arith.constant 0 : i32
    return %c0_i32, %c0_i32_0 : i32, i32
  }
  func.func @transform_4(%arg0: i32) -> (i32, i32) {
    %c0_i32 = arith.constant 0 : i32
    %c0_i32_0 = arith.constant 0 : i32
    %c0_i32_1 = arith.constant 0 : i32
    return %c0_i32, %c0_i32_0 : i32, i32
  }
  func.func @transform_5(%arg0: i32) -> (i32, i32) {
    %c0_i32 = arith.constant 0 : i32
    %c0_i32_0 = arith.constant 0 : i32
    return %arg0, %c0_i32 : i32, i32
  }
  func.func @transform_6(%arg0: i32) -> (i32, i32) {
    %c0_i32 = arith.constant 0 : i32
    %c0_i32_0 = arith.constant 0 : i32
    %c0_i32_1 = arith.constant 0 : i32
    return %c0_i32, %c0_i32_0 : i32, i32
  }
  func.func @transform_7(%arg0: i32) -> (i32, i32) {
    %c0_i32 = arith.constant 0 : i32
    %c0_i32_0 = arith.constant 0 : i32
    %c0_i32_1 = arith.constant 0 : i32
    return %c0_i32, %c0_i32_0 : i32, i32
  }
  func.func @transform_8(%arg0: i32) -> (i32, i32) {
    %c0_i32 = arith.constant 0 : i32
    %c0_i32_0 = arith.constant 0 : i32
    %c0_i32_1 = arith.constant 0 : i32
    return %c0_i32, %c0_i32_0 : i32, i32
  }
  func.func @transform_9(%arg0: i32) -> (i32, i32) {
    %c0_i32 = arith.constant 0 : i32
    %c0_i32_0 = arith.constant 0 : i32
    %c0_i32_1 = arith.constant 0 : i32
    return %c0_i32, %c0_i32_0 : i32, i32
  }
  func.func @transform_10(%arg0: i32) -> (i32, i32) {
    %c0_i32 = arith.constant 0 : i32
    %c0_i32_0 = arith.constant 0 : i32
    %c0_i32_1 = arith.constant 0 : i32
    return %c0_i32, %c0_i32_0 : i32, i32
  }
  func.func @transform_11(%arg0: i32) -> (i32, i32) {
    %c0_i32 = arith.constant 0 : i32
    %c0_i32_0 = arith.constant 0 : i32
    %c0_i32_1 = arith.constant 0 : i32
    return %c0_i32, %c0_i32_0 : i32, i32
  }
  func.func @transform_12(%arg0: i32) -> (i32, i32) {
    %c0_i32 = arith.constant 0 : i32
    %c0_i32_0 = arith.constant 0 : i32
    %c0_i32_1 = arith.constant 0 : i32
    return %c0_i32, %c0_i32_0 : i32, i32
  }
  func.func @transform_13(%arg0: i32) -> (i32, i32) {
    %c0_i32 = arith.constant 0 : i32
    %c0_i32_0 = arith.constant 0 : i32
    %c0_i32_1 = arith.constant 0 : i32
    return %c0_i32, %c0_i32_0 : i32, i32
  }
  func.func @transform_14(%arg0: i32) -> (i32, i32) {
    %c0_i32 = arith.constant 0 : i32
    %c0_i32_0 = arith.constant 0 : i32
    return %arg0, %c0_i32 : i32, i32
  }
  func.func @transform_15(%arg0: i32) -> (i32, i32) {
    %c0_i32 = arith.constant 0 : i32
    %c0_i32_0 = arith.constant 0 : i32
    return %arg0, %c0_i32 : i32, i32
  }
}

</mosaic_0001>

<sc_bundles>
// kernel: kernel.10.cloned.1.call-start
scs
__scs_entry_jumppad:
0x0: {  	(pc) =	sbr.rel $0x88, $3  }
0x1: {  	(tag) =	ssettag $0x0;
	lr =	simm.s32 $0x1  }
0x2: {  	[smem:$0x3F83] =	sst lr;
	_ =	strace $0xD0000000  }
0x3: {  	_ = 	snop  }
0x4: {  	_ = 	snop  }
0x5: {  	_ = 	snop  }
0x6: {  	_ = 	snop  }
0x7: {  	_ = 	snop  }
__scs_overlays_trampoline_lowered:
0x8: {  	[smem:$0x3F92] =	sst s0  }
0x9: {  	[smem:$0x3F93] =	sst s1  }
0xa: {  	[smem:$0x3F94] =	sst s2  }
0xb: {  	[smem:$0x3F95] =	sst s3  }
0xc: {  	[smem:$0x3F96] =	sst s4  }
0xd: {  	[smem:$0x3F97] =	sst s5  }
0xe: {  	[smem:$0x3F98] =	sst s6  }
0xf: {  	[smem:$0x3F99] =	sst s7  }
0x10: {  	[smem:$0x3F9A] =	sst s8  }
0x11: {  	[smem:$0x3F9B] =	sst s9;
	s0 =	simm.s32 @!p0 $0x0  }
0x12: {  	s1 =	sld [smem:$0x3F81];
	s0 =	simm.s32 @p0 $0x1  }
0x13: {  	[smem:$0x3F9C] =	sst s0;
	s0 =	simm.s32 @!p1 $0x0  }
0x14: {  	s2 =	sld [smem:$0x3F80];
	s0 =	simm.s32 @p1 $0x1  }
0x15: {  	[smem:$0x3F9D] =	sst s0;
	s0 =	simm.s32 @!p2 $0x0  }
0x16: {  	s3 =	sld [smem:$0x3FDB];
	s0 =	simm.s32 @p2 $0x1  }
0x17: {  	s4 =	simm.s32 $0x1BF5;
	[smem:$0x3F9F] =	sst s0  }
0x18: {  	s0 =	sld [smem:$0x3F82];
	_ =	swait.ge [sflag:s4], $0x0  }
0x19: {  	s7 =	sld [smem:$0x3F83]  }
0x1a: {  	s8 =	sadd.s32 $0xFFFFE003, lr  }
0x1b: {  	s9 =	sadd.s32 $0xFFFFFEF7, lr;
	s5 =	simm.s32 $0xFFFFFFFF;
	p2 =	slt.u32 s8, $0xFFFFF086  }
0x1c: {  	p1 =	slt.u32 s9, $0xF7A;
	s5 =	simm.s32 @!p2 $0x0  }
0x1d: {  	s5 =	simm.s32 @p1 $0x1;
	p0 =	seq.s32 s7, s2  }
0x1e: {  	s7 =	smul.u32 @!p0 $0xF7A, s2;
	p2 =	seq.s32 @!p0 s5, $0x0  }
0x1f: {  	s9 =	smul.u32 $0xF7A, s1;
	s8 =	simm.s32 @!p0 $0x1BF5;
	p2 =	por !p2, p0  }
0x20: {  	[sflag:s8] =	ssyncset.s32 @!p0 $0xFFFFF086;
	s6 =	sadd.s32 @!p0 s3, s7;
	s7 =	simm.s32 @!p0 $0x108  }
0x21: {  	s3 =	sadd.s32 s3, s9;
	s6 =	sadd.s32 @!p0 $0x88, s6;
	s7 =	simm.s32 @p2 $0x1082  }
0x22: {  	[simem:s7], [sflag:s8] =	dma.local @!p0 [hbm:s6], $0xF7A  }
0x23: {  	s9 =	sor.u32 $0xD0000000, s2;
	s6 =	simm.s32 $0x108;
	_ =	swait.ge @!p0 [sflag:s8], $0x0  }
0x24: {  	s3 =	sadd.s32 $0x88, s3;
	s6 =	simm.s32 @!p1 $0x1082;
	[sflag:s4] =	ssyncset.s32 $0xFFFFF086  }
0x25: {  	[simem:s6], [sflag:s4] =	dma.local [hbm:s3], $0xF7A  }
0x26: {  	[smem:$0x3F83] =	sst s1;
	(tag) =	ssettag s2;
	_ =	strace s9  }
0x27: {  	s1 =	sld [smem:$0x3F93]  }
0x28: {  	s2 =	sld [smem:$0x3F94]  }
0x29: {  	s4 =	sld [smem:$0x3F96]  }
0x2a: {  	p0 =	seq.s32 s5, $0x0;
	s5 =	sld [smem:$0x3F97]  }
0x2b: {  	s6 =	sld [smem:$0x3F98]  }
0x2c: {  	s7 =	sld [smem:$0x3F99]  }
0x2d: {  	s3 =	simm.s32 $0x108;
	s8 =	sld [smem:$0x3F9A]  }
0x2e: {  	s3 =	simm.s32 @!p0 $0x1082;
	s9 =	sld [smem:$0x3F9B]  }
0x2f: {  	lr =	sadd.s32 s0, s3;
	s0 =	sld [smem:$0x3F92]  }
0x30: {  	s3 =	sld [smem:$0x3F95]  }
0x31: {  	[smem:$0x3F9E] =	sst s10  }
0x32: {  	s10 =	sld [smem:$0x3F9C];
	_ =	sdelay $0x3  }
0x33: {  	p0 =	seq.s32 s10, $0x1;
	s10 =	sld [smem:$0x3F9E];
	_ =	sdelay $0x3  }
0x34: {  	[smem:$0x3F9E] =	sst s10  }
0x35: {  	s10 =	sld [smem:$0x3F9D];
	_ =	sdelay $0x3  }
0x36: {  	p1 =	seq.s32 s10, $0x1;
	s10 =	sld [smem:$0x3F9E];
	_ =	sdelay $0x3  }
0x37: {  	[smem:$0x3F9E] =	sst s10  }
0x38: {  	s10 =	sld [smem:$0x3F9F]  }
0x39: {  	_ = 	snop;
	(pc) =	sbr.ind lr, $3  }
0x3a: {  	_ = 	snop  }
0x3b: {  	_ = 	snop  }
0x3c: {  	p2 =	seq.s32 s10, $0x1;
	s10 =	sld [smem:$0x3F9E]  }
0x3d: {  	_ =	shalt  }
0x3e: {  	_ =	shalt  }
0x3f: {  	_ =	shalt  }
0x40: {  	_ =	shalt  }
0x41: {  	_ =	shalt  }
0x42: {  	_ =	shalt  }
0x43: {  	_ =	shalt  }
0x44: {  	_ =	shalt  }
0x45: {  	_ =	shalt  }
0x46: {  	_ =	shalt  }
0x47: {  	_ =	shalt  }
0x48: {  	_ =	shalt  }
0x49: {  	_ =	shalt  }
0x4a: {  	_ =	shalt  }
0x4b: {  	_ =	shalt  }
0x4c: {  	_ =	shalt  }
0x4d: {  	_ =	shalt  }
0x4e: {  	_ =	shalt  }
0x4f: {  	_ =	shalt  }
0x50: {  	_ =	shalt  }
0x51: {  	_ =	shalt  }
0x52: {  	_ =	shalt  }
0x53: {  	_ =	shalt  }
0x54: {  	_ =	shalt  }
0x55: {  	_ =	shalt  }
0x56: {  	_ =	shalt  }
0x57: {  	_ =	shalt  }
0x58: {  	_ =	shalt  }
0x59: {  	_ =	shalt  }
0x5a: {  	_ =	shalt  }
0x5b: {  	_ =	shalt  }
0x5c: {  	_ =	shalt  }
0x5d: {  	_ =	shalt  }
0x5e: {  	_ =	shalt  }
0x5f: {  	_ =	shalt  }
0x60: {  	_ =	shalt  }
0x61: {  	_ =	shalt  }
0x62: {  	_ =	shalt  }
0x63: {  	_ =	shalt  }
0x64: {  	_ =	shalt  }
0x65: {  	_ =	shalt  }
0x66: {  	_ =	shalt  }
0x67: {  	_ =	shalt  }
0x68: {  	_ =	shalt  }
0x69: {  	_ =	shalt  }
0x6a: {  	_ =	shalt  }
0x6b: {  	_ =	shalt  }
0x6c: {  	_ =	shalt  }
0x6d: {  	_ =	shalt  }
0x6e: {  	_ =	shalt  }
0x6f: {  	_ =	shalt  }
0x70: {  	_ =	shalt  }
0x71: {  	_ =	shalt  }
0x72: {  	_ =	shalt  }
0x73: {  	_ =	shalt  }
0x74: {  	_ =	shalt  }
0x75: {  	_ =	shalt  }
0x76: {  	_ =	shalt  }
0x77: {  	_ =	shalt  }
0x78: {  	_ =	shalt  }
0x79: {  	_ =	shalt  }
0x7a: {  	_ =	shalt  }
0x7b: {  	_ =	shalt  }
0x7c: {  	_ =	shalt  }
0x7d: {  	_ =	shalt  }
0x7e: {  	_ =	shalt  }
0x7f: {  	_ =	shalt  }
0x80: {  	_ =	shalt  }
0x81: {  	_ =	shalt  }
0x82: {  	_ =	shalt  }
0x83: {  	_ =	shalt  }
0x84: {  	_ =	shalt  }
0x85: {  	_ =	shalt  }
0x86: {  	_ =	shalt  }
0x87: {  	_ =	shalt  }
.Lfunc_end0:
.L_simem_size_0:
called_computation_lowered:
.L_overlay_start_0:
0x88: {  	s2 =	sld [smem:$0x3FD9]  }
0x89: {  	s3 =	sld [smem:$0x3FFE];
	_ =	sdelay $0x1  }
0x8a: {  	s1 =	srdreg.scid  }
0x8b: {  	s0 =	sand.u32 $0x1, s1  }
0x8c: {  	s14 =	sshll.u32 s0, $0xA;
	s2 =	sadd.s32 s3, s2  }
0x8d: {  	s2 =	sadd.s32 s2, s14  }
0x8e: {  	[smem:$0x3FAA] =	sst s2  }
0x8f: {  	_ = 	snop  }
0x90: {  	s2 =	sld [smem:$0x3FD0];
	_ =	sdelay $0x2  }
0x91: {  	s15 =	simm.s32 $0xA;
	s4 =	simm.s32 $0x10  }
0x92: {  	[smem:s4], [sflag:s15] =	dma.local [hbm:s2], $0x1  }
0x93: {  	_ =	swait.eq [sflag:s15], $0x1  }
0x94: {  	[sflag:s15] =	ssyncset.done $0x0  }
0x95: {  	s16 =	sld [smem:$0x12];
	[sflag:s15] =	ssyncadd.s32 $0xFFFFFFFF  }
0x96: {  	s17 =	sld [smem:$0x13];
	(tm) =	ssettm $0x1  }
0x97: {  	s18 =	sld [smem:$0x3FFB];
	_ =	sdelay $0x3  }
0x98: {  	_ =	strace s18  }
0x99: {  	s4 =	sld [smem:$0x3FFC];
	_ =	sdelay $0x3  }
0x9a: {  	_ =	strace s4  }
0x9b: {  	s4 =	sld [smem:$0x3FFD];
	_ =	sdelay $0x3  }
0x9c: {  	_ =	strace s4  }
0x9d: {  	_ =	strace $0x8FFFFFFF  }
0x9e: {  	s19 =	sld [smem:$0x3FDB];
	_ =	sdelay $0x1  }
0x9f: {  	s5 =	simm.s32 $_scs_section_size  }
0xa0: {  	s6 =	simm.s32 $_size__tile_overlayer_lowered;
	s7 =	simm.s32 $_tile_overlayer_lowered  }
0xa1: {  	s22 =	simm.s32 $0x1BFF;
	s21 =	sshll.u32 s7, $0x1;
	s4 =	sadd.s32 s5, s19  }
0xa2: {  	s8 =	simm.s32 $0x0;
	s20 =	sshll.u32 s6, $0x1;
	s6 =	sadd.s32 s21, s4  }
0xa3: {  	[timem:s8], [sflag:s22] =	dma.local [hbm:s6], s20  }
0xa4: {  	_ =	swait.ge [sflag:s22], s20  }
0xa5: {  	s5 =	ssub.s32 $0x0, s20;
	[sflag:s22] =	ssyncset.done $0x0  }
0xa6: {  	[sflag:s22] =	ssyncadd.s32 s5;
	_ =	sdelay $0x1  }
0xa7: {  	s23 =	simm.s32 $0x1B8B  }
0xa8: {  	_ =	swait.ge [sflag:s23], $0x1  }
0xa9: {  	[sflag:s23] =	ssyncset.done $0x0  }
0xaa: {  	s25 =	simm.s32 $0x1B8E;
	s24 =	sld [smem:$0x3FFE];
	[sflag:s23] =	ssyncadd.s32 $0xFFFFFFFF  }
0xab: {  	s26 =	simm.s32 $execute0_lowered;
	[smem:$0x3FD2] =	sst s25  }
0xac: {  	s6 =	sshll.u32 s26, $0x1;
	_ =	strace $0x80000046;
	[dreg:$0x1] =	wrdreg $0xFFFFFFFF  }
0xad: {  	s28 =	simm.s32 $_size_execute0_lowered;
	s4 =	sadd.s32 s4, s6;
	[dreg:$0x0] =	wrdreg $0x0  }
0xae: {  	s6 =	sshll.u32 s28, $0x1;
	[dreg:$0x2] =	wrdreg s4  }
0xaf: {  	[dreg:$0x3] =	wrdreg s6  }
0xb0: {  	[dreg:$0x4] =	wrdreg $0xC0  }
0xb1: {  	_ =	task [dreg:s8], $0x5FFFF  }
0xb2: {  	[dreg:$0x1] =	wrdreg $0xFFFFFFFF  }
0xb3: {  	[dreg:$0x0] =	wrdreg $0x60  }
0xb4: {  	[dreg:$0x2] =	wrdreg s24  }
0xb5: {  	[dreg:$0x3] =	wrdreg s17  }
0xb6: {  	[dreg:$0x4] =	wrdreg s16  }
0xb7: {  	[dreg:$0x5] =	wrdreg $0x0  }
0xb8: {  	[dreg:$0x6] =	wrdreg $0x9  }
0xb9: {  	_ =	task.clear_ibuf [dreg:s8], $0x7FFFF;
	_ =	strace $0x90000046  }
0xba: {  	s29 =	simm.s32 $0x9;
	_ =	strace $0x80000048  }
0xbb: {  	_ =	swait.ge [sflag:s29], $0x1  }
0xbc: {  	[sflag:s29] =	ssyncadd.s32 $0xFFFFFFFF  }
0xbd: {  	_ =	strace $0x90000048  }
0xbe: {  	_ =	sfence  }
0xbf: {  	s30 =	sld [smem:$0x0];
	_ =	sdelay $0x2  }
0xc0: {  	s31 =	sshll.u32 s1, $0xD;
	s1 =	sshrl.u32 s1, $0x2  }
0xc1: {  	s3 =	sand.u32 $0x4000, s31;
	s1 =	sadd.s32 s1, s30  }
0xc2: {  	s0 =	sor.u32 s3, s0;
	s1 =	sshll.u32 s1, $0x11  }
0xc3: {  	s0 =	sor.u32 s1, s0  }
0xc4: {  	s0 =	sadd.s32 $0x8F2B, s0  }
0xc5: {  	[sflag:s0] =	ssyncadd.remote.s32 $0x1  }
0xc6: {  	_ =	sfence.sel $0xFFFF  }
0xc7: {  	[dreg:$0x0] =	wrdreg $0xFFFFFFFF;
	(pc) =	sbr.abs _section_cstart, $3  }
0xc8: {  	[dreg:$0x1] =	wrdreg $0xFFFFFFFF  }
0xc9: {  	_ =	task.clear_ibuf [dreg:s8], $0x2FFFF;
	_ =	strace $0x9FFFFFFF  }
0xca: {  	(tm) =	ssettm $0x7FFFFFFF  }
0xcb: {  	_ =	shalt  }
tec
execute0_lowered:
.L_overlay_start_1:
0x0: {  	(tag) =	ssettag $0x1  }
0x1: {  	s6 =	rddreg [dreg:$0x0]  }
0x2: {  	s1 =	rddreg [dreg:$0x1]  }
0x3: {  	s2 =	rddreg [dreg:$0x2]  }
0x4: {  	s3 =	rddreg [dreg:$0x3]  }
0x5: {  	s4 =	srdreg.scid;
	s0 =	rddreg [dreg:$0x4];
	s5 =	simm.s32 $0x0  }
0x6: {  	s12 =	simm.s32 $0x1900;
	s13 =	simm.s32 $0x280;
	s14 =	simm.s32 $0x80  }
0x7: {  	s17 =	simm.s32 $0x20;
	s18 =	simm.s32 $0x10;
	s19 =	simm.s32 $0x0  }
0x8: {  	s7 =	sand.u32 $0x1, s4;
	s4 =	stileid.u32;
	[smem:$0x7FF] =	sst s5  }
0x9: {  	s8 =	sshll.u32 s7, $0x4;
	s9 =	smul.u32 $0x500, s4;
	_ =	strace $0x80000047  }
0xa: {  	s10 =	sshll.u32 s7, $0x7;
	s7 =	ssub.s32 $0x2, s7;
	s30 =	smul.u32 $0xA00, s4  }
0xb: {  	s15 =	sshll.u32 s4, $0x6;
	s8 =	sor.u32 s4, s8;
	s11 =	sshrl.u32 s7, $0x1  }
0xc: {  	s15 =	sor.u32 $0x1C01, s15;
	s8 =	smul.u32 $0x280, s8;
	s9 =	sor.u32 s10, s9  }
0xd: {  	s11 =	ssub.s32 s7, s11;
	s31 =	sshrl.u32 s30, $0x2;
	s9 =	sshrl.u32 s9, $0x3  }
0xe: {  	s10 =	simm.s32 $0x1680;
	s8 =	sadd.s32 s8, s6;
	s9 =	sadd.s32 s9, s6  }
0xf: {  	s6 =	sadd.s32 s31, s3;
	s7 =	sadd.s32 $0x3C00, s8;
	s8 =	sadd.s32 $0x8C00, s9  }
0x10: {  	s9 =	smax.u32 s11, $0x1;
	s11 =	simm.s32 $0x1;
	s16 =	sshrl.u32 s6, $0x3  }
.LBB2_1:
0x11: {  	[tilespmem:s10], [sflag:$0x1] =	stream.linear.gather [hbm4b:s2+s5], $0x280, $0x38;
	[tilespmem:$0x1B80] =	vst v63  }
0x12: {  	_ =	swait.ge [sflag:s11], $0x280  }
0x13: {  	[sflag:s11] =	ssyncset.done $0x0  }
0x14: {  	[sflag:s11] =	ssyncadd.s32 $0xFFFFFD80  }
0x15: {  	[tilespmem:s12], [sflag:$0x1] =	stream.linear.gather [hbm4b:s1+s5], $0x280, $0x38;
	[tilespmem:$0x1B80] =	vst v63  }
0x16: {  	_ =	swait.ge [sflag:s11], $0x280  }
0x17: {  	[sflag:s11] =	ssyncset.done $0x0  }
0x18: {  	[sflag:s11] =	ssyncadd.s32 $0xFFFFFD80  }
0x19: {  	[spmem:s6] =	stream.linear.scatter [tilespmem:s12], [sflag:$0x1], $0x280, $0x38;
	[tilespmem:$0x1B80] =	vst v63  }
0x1a: {  	_ =	swait.ge [sflag:s11], $0x280  }
0x1b: {  	[sflag:s11] =	ssyncset.done $0x0  }
0x1c: {  	[sflag:s11] =	ssyncadd.s32 $0xFFFFFD80  }
0x1d: {  	[bflag:$0x0] =	sbarrier.arrive $0xFFFF  }
0x1e: {  	[tilespmem:s13], [sflag:$0x1] =	stream.linear.gather [hbm4b:s7+s5], $0x1400, $0x38;
	[tilespmem:$0x1B80] =	vst v63  }
0x1f: {  	_ =	swait.ge [sflag:s11], $0x1400  }
0x20: {  	[sflag:s11] =	ssyncset.done $0x0  }
0x21: {  	s20 =	simm.s32 $0x280;
	[sflag:s11] =	ssyncadd.s32 $0xFFFFEC00  }
0x22: {  	[spmem:s3] =	stream.indirect.scatter.add.f32 [tilespmem:s10], [sflag:$0x1], $0x1, s20, s14, $0xb8;
	[tilespmem:$0x1B80] =	vst v63  }
0x23: {  	s20 =	simm.s32 $0x200;
	_ =	swait.ge [sflag:s11], $0x80  }
.LBB2_2:
0x24: {  	s21 =	sshra.s32 s20, $0x2;
	[sflag:s11] =	ssyncset.done $0x0;
	p0 =	sne.s32 s20, $0x4E00  }
.Ltmp0:
0x25: {  	s21 =	sadd.s32 $0x280, s21;
	[sflag:s11] =	ssyncadd.s32 $0xFFFFFF80;
	(pc) =	sbr.rel @p0 .LBB2_2-.Ltmp0, $3  }
0x26: {  	[spmem:s3] =	stream.indirect.scatter.add.f32 [tilespmem:s10], [sflag:$0x1], $0x1, s21, s14, $0xb8;
	[tilespmem:$0x1B80] =	vst v63  }
0x27: {  	s20 =	sadd.s32 $0x200, s20;
	_ =	sdelay $0x1  }
0x28: {  	_ =	swait.ge [sflag:s11], $0x80  }
0x29: {  	[sflag:s11] =	ssyncset.done $0x0;
	s19 =	sadd.s32 $0x1, s19  }
0x2a: {  	[sflag:s11] =	ssyncadd.s32 $0xFFFFFF80;
	p0 =	sne.s32 s19, s9  }
.Ltmp1:
0x2b: {  	[bflag:$0x0] =	sbarrier.arrive $0xFFFF;
	(pc) =	sbr.rel @p0 .LBB2_1-.Ltmp1, $4  }
0x2c: {  	[hbm:s8@s17], [sflag:s15] =	dma.strided [spmem:s16@s18], $0x50, s11, $0x10   }
0x2d: {  	_ =	swait.ge [sflag:s11], $0x50  }
0x2e: {  	[sflag:s11] =	ssyncset.done $0x0  }
0x2f: {  	[sflag:s11] =	ssyncadd.s32 $0xFFFFFFB0  }
0x30: {  	_ =	sfence.sel $0x180000  }
0x31: {  	[bflag:$0x0] =	sbarrier.arrive $0xFFFF  }
0x32: {  	p0 =	sne.s32 s4, $0x0;
	_ =	strace $0x90000047  }
0x33: {  	s0 =	sadd.s32 @!p0 $0x100000, s0;
	[bflag:$0x2] =	sbarrier.arrive $0xFFFF  }
0x34: {  	[sflag:s0] =	ssyncadd.tile.s32 @!p0 $0x1;
	_ =	shalt  }
.Lfunc_end2:
_tile_overlayer_lowered:
.L_overlay_start_2:
0x35: {  	(tag) =	ssettag $0x2  }
0x36: {  	s0 =	rddreg [dreg:$0x0];
	s2 =	stileid.u32  }
0x37: {  	s1 =	rddreg [dreg:$0x1];
	p0 =	sne.s32 s2, $0x0  }
0x38: {  	s3 =	rddreg [dreg:$0x2];
	[bflag:$0x3] =	sbarrier.arrive $0xFFFF;
	s2 =	simm.s32 @!p0 $0x1C01  }
0x39: {  	[timem:s3], [sflag:s2] =	dma.local @!p0 [hbm:s0], s1  }
0x3a: {  	s0 =	simm.s32 @!p0 $0x1  }
0x3b: {  	_ =	swait.ge @!p0 [sflag:s0], s1  }
0x3c: {  	s1 =	ssub.s32 @!p0 $0x0, s1;
	[sflag:s0] =	ssyncset.done @!p0 $0x0  }
0x3d: {  	[sflag:s0] =	ssyncadd.s32 @!p0 s1  }
0x3e: {  	[bflag:$0x3] =	sbarrier.arrive $0xFFFF  }
0x3f: {  	_ =	shalt  }

// kernel: kernel.13.cloned.1.call-start
scs
__scs_entry_jumppad:
0x0: {  	(pc) =	sbr.rel $0x88, $3  }
0x1: {  	(tag) =	ssettag $0x0;
	lr =	simm.s32 $0x1  }
0x2: {  	[smem:$0x3F83] =	sst lr;
	_ =	strace $0xD0000000  }
0x3: {  	_ = 	snop  }
0x4: {  	_ = 	snop  }
0x5: {  	_ = 	snop  }
0x6: {  	_ = 	snop  }
0x7: {  	_ = 	snop  }
__scs_overlays_trampoline_lowered:
0x8: {  	[smem:$0x3F92] =	sst s0  }
0x9: {  	[smem:$0x3F93] =	sst s1  }
0xa: {  	[smem:$0x3F94] =	sst s2  }
0xb: {  	[smem:$0x3F95] =	sst s3  }
0xc: {  	[smem:$0x3F96] =	sst s4  }
0xd: {  	[smem:$0x3F97] =	sst s5  }
0xe: {  	[smem:$0x3F98] =	sst s6  }
0xf: {  	[smem:$0x3F99] =	sst s7  }
0x10: {  	[smem:$0x3F9A] =	sst s8  }
0x11: {  	[smem:$0x3F9B] =	sst s9;
	s0 =	simm.s32 @!p0 $0x0  }
0x12: {  	s1 =	sld [smem:$0x3F81];
	s0 =	simm.s32 @p0 $0x1  }
0x13: {  	[smem:$0x3F9C] =	sst s0;
	s0 =	simm.s32 @!p1 $0x0  }
0x14: {  	s2 =	sld [smem:$0x3F80];
	s0 =	simm.s32 @p1 $0x1  }
0x15: {  	[smem:$0x3F9D] =	sst s0;
	s0 =	simm.s32 @!p2 $0x0  }
0x16: {  	s3 =	sld [smem:$0x3FDB];
	s0 =	simm.s32 @p2 $0x1  }
0x17: {  	s4 =	simm.s32 $0x1BF5;
	[smem:$0x3F9F] =	sst s0  }
0x18: {  	s0 =	sld [smem:$0x3F82];
	_ =	swait.ge [sflag:s4], $0x0  }
0x19: {  	s7 =	sld [smem:$0x3F83]  }
0x1a: {  	s8 =	sadd.s32 $0xFFFFE003, lr  }
0x1b: {  	s9 =	sadd.s32 $0xFFFFFEF7, lr;
	s5 =	simm.s32 $0xFFFFFFFF;
	p2 =	slt.u32 s8, $0xFFFFF086  }
0x1c: {  	p1 =	slt.u32 s9, $0xF7A;
	s5 =	simm.s32 @!p2 $0x0  }
0x1d: {  	s5 =	simm.s32 @p1 $0x1;
	p0 =	seq.s32 s7, s2  }
0x1e: {  	s7 =	smul.u32 @!p0 $0xF7A, s2;
	p2 =	seq.s32 @!p0 s5, $0x0  }
0x1f: {  	s9 =	smul.u32 $0xF7A, s1;
	s8 =	simm.s32 @!p0 $0x1BF5;
	p2 =	por !p2, p0  }
0x20: {  	[sflag:s8] =	ssyncset.s32 @!p0 $0xFFFFF086;
	s6 =	sadd.s32 @!p0 s3, s7;
	s7 =	simm.s32 @!p0 $0x108  }
0x21: {  	s3 =	sadd.s32 s3, s9;
	s6 =	sadd.s32 @!p0 $0x88, s6;
	s7 =	simm.s32 @p2 $0x1082  }
0x22: {  	[simem:s7], [sflag:s8] =	dma.local @!p0 [hbm:s6], $0xF7A  }
0x23: {  	s9 =	sor.u32 $0xD0000000, s2;
	s6 =	simm.s32 $0x108;
	_ =	swait.ge @!p0 [sflag:s8], $0x0  }
0x24: {  	s3 =	sadd.s32 $0x88, s3;
	s6 =	simm.s32 @!p1 $0x1082;
	[sflag:s4] =	ssyncset.s32 $0xFFFFF086  }
0x25: {  	[simem:s6], [sflag:s4] =	dma.local [hbm:s3], $0xF7A  }
0x26: {  	[smem:$0x3F83] =	sst s1;
	(tag) =	ssettag s2;
	_ =	strace s9  }
0x27: {  	s1 =	sld [smem:$0x3F93]  }
0x28: {  	s2 =	sld [smem:$0x3F94]  }
0x29: {  	s4 =	sld [smem:$0x3F96]  }
0x2a: {  	p0 =	seq.s32 s5, $0x0;
	s5 =	sld [smem:$0x3F97]  }
0x2b: {  	s6 =	sld [smem:$0x3F98]  }
0x2c: {  	s7 =	sld [smem:$0x3F99]  }
0x2d: {  	s3 =	simm.s32 $0x108;
	s8 =	sld [smem:$0x3F9A]  }
0x2e: {  	s3 =	simm.s32 @!p0 $0x1082;
	s9 =	sld [smem:$0x3F9B]  }
0x2f: {  	lr =	sadd.s32 s0, s3;
	s0 =	sld [smem:$0x3F92]  }
0x30: {  	s3 =	sld [smem:$0x3F95]  }
0x31: {  	[smem:$0x3F9E] =	sst s10  }
0x32: {  	s10 =	sld [smem:$0x3F9C];
	_ =	sdelay $0x3  }
0x33: {  	p0 =	seq.s32 s10, $0x1;
	s10 =	sld [smem:$0x3F9E];
	_ =	sdelay $0x3  }
0x34: {  	[smem:$0x3F9E] =	sst s10  }
0x35: {  	s10 =	sld [smem:$0x3F9D];
	_ =	sdelay $0x3  }
0x36: {  	p1 =	seq.s32 s10, $0x1;
	s10 =	sld [smem:$0x3F9E];
	_ =	sdelay $0x3  }
0x37: {  	[smem:$0x3F9E] =	sst s10  }
0x38: {  	s10 =	sld [smem:$0x3F9F]  }
0x39: {  	_ = 	snop;
	(pc) =	sbr.ind lr, $3  }
0x3a: {  	_ = 	snop  }
0x3b: {  	_ = 	snop  }
0x3c: {  	p2 =	seq.s32 s10, $0x1;
	s10 =	sld [smem:$0x3F9E]  }
0x3d: {  	_ =	shalt  }
0x3e: {  	_ =	shalt  }
0x3f: {  	_ =	shalt  }
0x40: {  	_ =	shalt  }
0x41: {  	_ =	shalt  }
0x42: {  	_ =	shalt  }
0x43: {  	_ =	shalt  }
0x44: {  	_ =	shalt  }
0x45: {  	_ =	shalt  }
0x46: {  	_ =	shalt  }
0x47: {  	_ =	shalt  }
0x48: {  	_ =	shalt  }
0x49: {  	_ =	shalt  }
0x4a: {  	_ =	shalt  }
0x4b: {  	_ =	shalt  }
0x4c: {  	_ =	shalt  }
0x4d: {  	_ =	shalt  }
0x4e: {  	_ =	shalt  }
0x4f: {  	_ =	shalt  }
0x50: {  	_ =	shalt  }
0x51: {  	_ =	shalt  }
0x52: {  	_ =	shalt  }
0x53: {  	_ =	shalt  }
0x54: {  	_ =	shalt  }
0x55: {  	_ =	shalt  }
0x56: {  	_ =	shalt  }
0x57: {  	_ =	shalt  }
0x58: {  	_ =	shalt  }
0x59: {  	_ =	shalt  }
0x5a: {  	_ =	shalt  }
0x5b: {  	_ =	shalt  }
0x5c: {  	_ =	shalt  }
0x5d: {  	_ =	shalt  }
0x5e: {  	_ =	shalt  }
0x5f: {  	_ =	shalt  }
0x60: {  	_ =	shalt  }
0x61: {  	_ =	shalt  }
0x62: {  	_ =	shalt  }
0x63: {  	_ =	shalt  }
0x64: {  	_ =	shalt  }
0x65: {  	_ =	shalt  }
0x66: {  	_ =	shalt  }
0x67: {  	_ =	shalt  }
0x68: {  	_ =	shalt  }
0x69: {  	_ =	shalt  }
0x6a: {  	_ =	shalt  }
0x6b: {  	_ =	shalt  }
0x6c: {  	_ =	shalt  }
0x6d: {  	_ =	shalt  }
0x6e: {  	_ =	shalt  }
0x6f: {  	_ =	shalt  }
0x70: {  	_ =	shalt  }
0x71: {  	_ =	shalt  }
0x72: {  	_ =	shalt  }
0x73: {  	_ =	shalt  }
0x74: {  	_ =	shalt  }
0x75: {  	_ =	shalt  }
0x76: {  	_ =	shalt  }
0x77: {  	_ =	shalt  }
0x78: {  	_ =	shalt  }
0x79: {  	_ =	shalt  }
0x7a: {  	_ =	shalt  }
0x7b: {  	_ =	shalt  }
0x7c: {  	_ =	shalt  }
0x7d: {  	_ =	shalt  }
0x7e: {  	_ =	shalt  }
0x7f: {  	_ =	shalt  }
0x80: {  	_ =	shalt  }
0x81: {  	_ =	shalt  }
0x82: {  	_ =	shalt  }
0x83: {  	_ =	shalt  }
0x84: {  	_ =	shalt  }
0x85: {  	_ =	shalt  }
0x86: {  	_ =	shalt  }
0x87: {  	_ =	shalt  }
.Lfunc_end0:
.L_simem_size_0:
called_computation.1_lowered:
.L_overlay_start_0:
0x88: {  	s2 =	sld [smem:$0x3FD9]  }
0x89: {  	s3 =	sld [smem:$0x3FFE];
	_ =	sdelay $0x1  }
0x8a: {  	s1 =	srdreg.scid  }
0x8b: {  	s0 =	sand.u32 $0x1, s1  }
0x8c: {  	s14 =	sshll.u32 s0, $0xA;
	s2 =	sadd.s32 s3, s2  }
0x8d: {  	s2 =	sadd.s32 s2, s14  }
0x8e: {  	[smem:$0x3FAA] =	sst s2  }
0x8f: {  	_ = 	snop  }
0x90: {  	s2 =	sld [smem:$0x3FD0];
	_ =	sdelay $0x2  }
0x91: {  	s15 =	simm.s32 $0xA;
	s4 =	simm.s32 $0x10  }
0x92: {  	[smem:s4], [sflag:s15] =	dma.local [hbm:s2], $0x1  }
0x93: {  	_ =	swait.eq [sflag:s15], $0x1  }
0x94: {  	[sflag:s15] =	ssyncset.done $0x0  }
0x95: {  	[sflag:s15] =	ssyncadd.s32 $0xFFFFFFFF  }
0x96: {  	s16 =	sld [smem:$0x10];
	(tm) =	ssettm $0x1  }
0x97: {  	s17 =	sld [smem:$0x3FFB];
	_ =	sdelay $0x3  }
0x98: {  	_ =	strace s17  }
0x99: {  	s3 =	sld [smem:$0x3FFC];
	_ =	sdelay $0x3  }
0x9a: {  	_ =	strace s3  }
0x9b: {  	s3 =	sld [smem:$0x3FFD];
	_ =	sdelay $0x3  }
0x9c: {  	_ =	strace s3  }
0x9d: {  	_ =	strace $0x8FFFFFFF  }
0x9e: {  	s18 =	sld [smem:$0x3FDB];
	_ =	sdelay $0x1  }
0x9f: {  	s19 =	simm.s32 $_scs_section_size  }
0xa0: {  	s5 =	simm.s32 $_size__tile_overlayer_lowered;
	s6 =	simm.s32 $_tile_overlayer_lowered  }
0xa1: {  	s22 =	simm.s32 $0x1BFF;
	s21 =	sshll.u32 s6, $0x1;
	s3 =	sadd.s32 s19, s18  }
0xa2: {  	s7 =	simm.s32 $0x0;
	s20 =	sshll.u32 s5, $0x1;
	s5 =	sadd.s32 s21, s3  }
0xa3: {  	[timem:s7], [sflag:s22] =	dma.local [hbm:s5], s20  }
0xa4: {  	_ =	swait.ge [sflag:s22], s20  }
0xa5: {  	s4 =	ssub.s32 $0x0, s20;
	[sflag:s22] =	ssyncset.done $0x0  }
0xa6: {  	[sflag:s22] =	ssyncadd.s32 s4;
	_ =	sdelay $0x1  }
0xa7: {  	s23 =	simm.s32 $0x1B8B  }
0xa8: {  	_ =	swait.ge [sflag:s23], $0x1  }
0xa9: {  	[sflag:s23] =	ssyncset.done $0x0  }
0xaa: {  	s25 =	simm.s32 $0x1B8E;
	s24 =	sld [smem:$0x3FFE];
	[sflag:s23] =	ssyncadd.s32 $0xFFFFFFFF  }
0xab: {  	s26 =	simm.s32 $execute0_lowered;
	[smem:$0x3FD2] =	sst s25  }
0xac: {  	s5 =	sshll.u32 s26, $0x1;
	_ =	strace $0x80000049;
	[dreg:$0x1] =	wrdreg $0xFFFFFFFF  }
0xad: {  	s28 =	simm.s32 $_size_execute0_lowered;
	s3 =	sadd.s32 s3, s5;
	[dreg:$0x0] =	wrdreg $0x0  }
0xae: {  	s5 =	sshll.u32 s28, $0x1;
	[dreg:$0x2] =	wrdreg s3  }
0xaf: {  	[dreg:$0x3] =	wrdreg s5  }
0xb0: {  	[dreg:$0x4] =	wrdreg $0xC0  }
0xb1: {  	_ =	task [dreg:s7], $0x5FFFF  }
0xb2: {  	[dreg:$0x1] =	wrdreg $0xFFFFFFFF  }
0xb3: {  	[dreg:$0x0] =	wrdreg $0x60  }
0xb4: {  	[dreg:$0x2] =	wrdreg s24  }
0xb5: {  	[dreg:$0x3] =	wrdreg s16  }
0xb6: {  	[dreg:$0x4] =	wrdreg $0x0  }
0xb7: {  	[dreg:$0x5] =	wrdreg $0x9  }
0xb8: {  	_ =	task.clear_ibuf [dreg:s7], $0x6FFFF;
	_ =	strace $0x90000049  }
0xb9: {  	s29 =	simm.s32 $0x9;
	_ =	strace $0x8000004B  }
0xba: {  	_ =	swait.ge [sflag:s29], $0x1  }
0xbb: {  	[sflag:s29] =	ssyncadd.s32 $0xFFFFFFFF  }
0xbc: {  	_ =	strace $0x9000004B  }
0xbd: {  	_ =	sfence  }
0xbe: {  	s30 =	sld [smem:$0x0];
	_ =	sdelay $0x2  }
0xbf: {  	s31 =	sshll.u32 s1, $0xD;
	s1 =	sshrl.u32 s1, $0x2  }
0xc0: {  	s3 =	sand.u32 $0x4000, s31;
	s1 =	sadd.s32 s1, s30  }
0xc1: {  	s0 =	sor.u32 s3, s0;
	s1 =	sshll.u32 s1, $0x11  }
0xc2: {  	s0 =	sor.u32 s1, s0  }
0xc3: {  	s0 =	sadd.s32 $0x8F2B, s0  }
0xc4: {  	[sflag:s0] =	ssyncadd.remote.s32 $0x1  }
0xc5: {  	_ =	sfence.sel $0xFFFF  }
0xc6: {  	[dreg:$0x0] =	wrdreg $0xFFFFFFFF;
	(pc) =	sbr.abs _section_cstart, $3  }
0xc7: {  	[dreg:$0x1] =	wrdreg $0xFFFFFFFF  }
0xc8: {  	_ =	task.clear_ibuf [dreg:s7], $0x2FFFF;
	_ =	strace $0x9FFFFFFF  }
0xc9: {  	(tm) =	ssettm $0x7FFFFFFF  }
tec
execute0_lowered:
.L_overlay_start_1:
0x0: {  	(tag) =	ssettag $0x1  }
0x1: {  	s7 =	rddreg [dreg:$0x0]  }
0x2: {  	s1 =	rddreg [dreg:$0x1]  }
0x3: {  	s3 =	rddreg [dreg:$0x2];
	s4 =	simm.s32 $0x0  }
0x4: {  	s2 =	stileid.u32;
	s6 =	srdreg.scid;
	s16 =	simm.s32 $0x3  }
0x5: {  	s17 =	simm.s32 $0x14000;
	s18 =	simm.s32 $0x15400;
	s19 =	simm.s32 $0x80  }
0x6: {  	s20 =	simm.s32 $0x16800;
	s21 =	simm.s32 $0x14080;
	s22 =	simm.s32 $0x1A800  }
0x7: {  	s23 =	simm.s32 $0x1;
	s24 =	simm.s32 $0x2;
	s25 =	simm.s32 $0x16700  }
0x8: {  	s26 =	simm.s32 $0x16780;
	[smem:$0x7FF] =	sst s4;
	s5 =	smul.u32 $0x2800, s2  }
0x9: {  	s8 =	sand.u32 $0x1, s6;
	s11 =	smul.u32 $0x50000, s2;
	s6 =	sadd.s32 $0x8C00, s7  }
0xa: {  	s14 =	sshll.u32 s2, $0x6;
	_ =	strace $0x8000004A;
	s10 =	ssub.s32 $0x2, s8  }
0xb: {  	s8 =	sshll.u32 s8, $0x1;
	s14 =	sor.u32 $0x1C03, s14;
	s9 =	sshrl.u32 s5, $0x3  }
0xc: {  	s30 =	sshrl.u32 s10, $0x1;
	s31 =	sshrl.u32 s11, $0x2;
	s13 =	sadd.s32 s9, s7  }
0xd: {  	s7 =	sadd.s32 $0xA8C00, s7;
	s12 =	ssub.s32 s10, s30;
	s9 =	smul.u32 $0x280, s2  }
0xe: {  	s15 =	sadd.s32 s31, s3;
	s10 =	smul.u32 $0x14000, s2;
	s11 =	smax.u32 s12, $0x1  }
0xf: {  	s12 =	sadd.s32 $0x3C00, s13;
	s13 =	sadd.s32 $0x3E80, s13;
	s15 =	sshrl.u32 s15, $0x3  }
.LBB2_1:
0x10: {  	p1 =	por $0x1, $0x1;
	s29 =	simm.s32 $0x0  }
.LBB2_2:
0x11: {  	s28 =	sor.u32 s8, s29  }
0x12: {  	s29 =	smul.u32 $0x2800, s28;
	_ =	sdelay $0x1  }
0x13: {  	s29 =	sadd.s32 s9, s29  }
0x14: {  	s29 =	sshll.u32 s29, $0x4  }
0x15: {  	s29 =	sadd.s32 s6, s29  }
0x16: {  	[spmem:s15], [sflag:s14] =	dma.local [hbm:s29], $0x2800  }
0x17: {  	s29 =	smul.u32 $0x28000, s28  }
0x18: {  	_ =	swait.ge [sflag:s16], $0x2800  }
0x19: {  	[sflag:s16] =	ssyncset.done $0x0;
	s29 =	sadd.s32 s29, s5  }
0x1a: {  	[sflag:s16] =	ssyncadd.s32 $0xFFFFD800;
	s29 =	sshrl.u32 s29, $0x3  }
0x1b: {  	s30 =	simm.s32 $0x0;
	[bflag:$0x0] =	sbarrier.arrive $0xFFFF;
	s29 =	sadd.s32 s1, s29  }
0x1c: {  	[tilespmem:s17], [sflag:$0x3] =	stream.linear.gather [hbm4b:s29+s30], $0x1400, $0x38;
	[tilespmem:$0x1E800] =	vst v63  }
0x1d: {  	_ =	swait.ge [sflag:s16], $0x1400  }
0x1e: {  	[sflag:s16] =	ssyncset.done $0x0  }
0x1f: {  	[sflag:s16] =	ssyncadd.s32 $0xFFFFEC00  }
0x20: {  	[tilespmem:s18], [sflag:$0x3] =	stream.linear.gather [hbm4b:s12+s30], $0x1400, $0x38;
	[tilespmem:$0x1E800] =	vst v63  }
0x21: {  	_ =	swait.ge [sflag:s16], $0x1400  }
0x22: {  	[sflag:s16] =	ssyncset.done $0x0  }
0x23: {  	[sflag:s16] =	ssyncadd.s32 $0xFFFFEC00  }
0x24: {  	[tilespmem:s20], [sflag:$0x1] =	stream.indirect.gather [hbm4b:s6+s19], $0x80, s17, s19, $0xb8;
	[tilespmem:$0x1E800] =	vst v63  }
0x25: {  	_ = 	snop  }
0x26: {  	[tilespmem:s22], [sflag:$0x2] =	stream.indirect.gather [hbm4b:s6+s19], $0x80, s21, s19, $0xb8;
	[tilespmem:$0x1E800] =	vst v63  }
0x27: {  	_ =	swait.ge [sflag:s23], $0x4000  }
0x28: {  	[sflag:s23] =	ssyncset.done $0x0  }
0x29: {  	s30 =	simm.s32 $0x15400;
	[sflag:s23] =	ssyncadd.s32 $0xFFFFC000  }
0x2a: {  	[spmem:s3] =	stream.indirect.scatter.add.f32 [tilespmem:s20], [sflag:$0x3], $0x80, s30, s19, $0xb8;
	[tilespmem:$0x1E800] =	vst v63  }
0x2b: {  	_ =	swait.ge [sflag:s16], $0x4000  }
0x2c: {  	[sflag:s16] =	ssyncset.done $0x0  }
0x2d: {  	s30 =	simm.s32 $0x14100;
	[sflag:s16] =	ssyncadd.s32 $0xFFFFC000  }
0x2e: {  	[tilespmem:s20], [sflag:$0x1] =	stream.indirect.gather [hbm4b:s6+s19], $0x80, s30, s19, $0xb8;
	[tilespmem:$0x1E800] =	vst v63  }
0x2f: {  	_ =	swait.ge [sflag:s24], $0x4000  }
0x30: {  	[sflag:s24] =	ssyncset.done $0x0  }
0x31: {  	s30 =	simm.s32 $0x15480;
	[sflag:s24] =	ssyncadd.s32 $0xFFFFC000  }
0x32: {  	[spmem:s3] =	stream.indirect.scatter.add.f32 [tilespmem:s22], [sflag:$0x3], $0x80, s30, s19, $0xb8;
	[tilespmem:$0x1E800] =	vst v63  }
0x33: {  	_ =	swait.ge [sflag:s16], $0x4000  }
0x34: {  	p0 =	por p1, p1;
	[sflag:s16] =	ssyncset.done $0x0  }
0x35: {  	s31 =	simm.s32 $0x14180;
	s30 =	simm.s32 $0x400;
	[sflag:s16] =	ssyncadd.s32 $0xFFFFC000  }
.LBB2_3:
0x36: {  	[tilespmem:s22], [sflag:$0x2] =	stream.indirect.gather [hbm4b:s6+s19], $0x80, s31, s19, $0xb8;
	[tilespmem:$0x1E800] =	vst v63  }
0x37: {  	s31 =	smov.u32 s30  }
0x38: {  	p1 =	sne.s32 s30, $0x4800;
	s30 =	sadd.s32 $0x400, s30;
	_ =	swait.ge [sflag:s23], $0x4000  }
0x39: {  	s31 =	sshra.s32 s31, $0x2;
	[sflag:s23] =	ssyncset.done $0x0  }
0x3a: {  	s0 =	sadd.s32 $0x15400, s31;
	[sflag:s23] =	ssyncadd.s32 $0xFFFFC000  }
0x3b: {  	[spmem:s3] =	stream.indirect.scatter.add.f32 [tilespmem:s20], [sflag:$0x3], $0x80, s0, s19, $0xb8;
	[tilespmem:$0x1E800] =	vst v63  }
0x3c: {  	_ =	swait.ge [sflag:s16], $0x4000  }
0x3d: {  	[sflag:s16] =	ssyncset.done $0x0  }
0x3e: {  	s0 =	sadd.s32 $0x14100, s31;
	[sflag:s16] =	ssyncadd.s32 $0xFFFFC000  }
0x3f: {  	[tilespmem:s20], [sflag:$0x1] =	stream.indirect.gather [hbm4b:s6+s19], $0x80, s0, s19, $0xb8;
	[tilespmem:$0x1E800] =	vst v63  }
0x40: {  	_ =	swait.ge [sflag:s24], $0x4000  }
0x41: {  	[sflag:s24] =	ssyncset.done $0x0  }
.Ltmp0:
0x42: {  	s0 =	sadd.s32 $0x15480, s31;
	[sflag:s24] =	ssyncadd.s32 $0xFFFFC000;
	(pc) =	sbr.rel @p1 .LBB2_3-.Ltmp0, $4  }
0x43: {  	[spmem:s3] =	stream.indirect.scatter.add.f32 [tilespmem:s22], [sflag:$0x3], $0x80, s0, s19, $0xb8;
	[tilespmem:$0x1E800] =	vst v63  }
0x44: {  	_ =	swait.ge [sflag:s16], $0x4000  }
0x45: {  	[sflag:s16] =	ssyncset.done $0x0  }
0x46: {  	s31 =	sadd.s32 $0x14180, s31;
	[sflag:s16] =	ssyncadd.s32 $0xFFFFC000  }
0x47: {  	[tilespmem:s22], [sflag:$0x2] =	stream.indirect.gather [hbm4b:s6+s19], $0x80, s31, s19, $0xb8;
	[tilespmem:$0x1E800] =	vst v63  }
0x48: {  	_ =	swait.ge [sflag:s23], $0x4000  }
0x49: {  	[sflag:s23] =	ssyncset.done $0x0  }
0x4a: {  	[sflag:s23] =	ssyncadd.s32 $0xFFFFC000  }
0x4b: {  	[spmem:s3] =	stream.indirect.scatter.add.f32 [tilespmem:s20], [sflag:$0x3], $0x80, s25, s19, $0xb8;
	[tilespmem:$0x1E800] =	vst v63  }
0x4c: {  	_ =	swait.ge [sflag:s16], $0x4000  }
0x4d: {  	[sflag:s16] =	ssyncset.done $0x0  }
0x4e: {  	[sflag:s16] =	ssyncadd.s32 $0xFFFFC000  }
0x4f: {  	[tilespmem:s20], [sflag:$0x1] =	stream.indirect.gather [hbm4b:s6+s19], $0x80, s17, s19, $0xb8;
	[tilespmem:$0x1E800] =	vst v63  }
0x50: {  	_ =	swait.ge [sflag:s24], $0x4000  }
0x51: {  	[sflag:s24] =	ssyncset.done $0x0  }
0x52: {  	[sflag:s24] =	ssyncadd.s32 $0xFFFFC000  }
0x53: {  	[spmem:s3] =	stream.indirect.scatter.add.f32 [tilespmem:s22], [sflag:$0x3], $0x80, s26, s19, $0xb8;
	[tilespmem:$0x1E800] =	vst v63  }
0x54: {  	_ =	swait.ge [sflag:s16], $0x4000  }
0x55: {  	[sflag:s16] =	ssyncset.done $0x0  }
0x56: {  	[sflag:s16] =	ssyncadd.s32 $0xFFFFC000  }
0x57: {  	[tilespmem:s22], [sflag:$0x2] =	stream.indirect.gather [hbm4b:s6+s19], $0x80, s21, s19, $0xb8;
	[tilespmem:$0x1E800] =	vst v63  }
0x58: {  	_ =	swait.ge [sflag:s23], $0x4000  }
0x59: {  	[sflag:s23] =	ssyncset.done $0x0  }
0x5a: {  	[sflag:s23] =	ssyncadd.s32 $0xFFFFC000  }
0x5b: {  	_ =	swait.ge [sflag:s24], $0x4000  }
0x5c: {  	[sflag:s24] =	ssyncset.done $0x0  }
0x5d: {  	s0 =	sadd.s32 $0x280, s29;
	s29 =	simm.s32 $0x0;
	[sflag:s24] =	ssyncadd.s32 $0xFFFFC000  }
0x5e: {  	[tilespmem:s17], [sflag:$0x3] =	stream.linear.gather [hbm4b:s0+s29], $0x1400, $0x38;
	[tilespmem:$0x1E800] =	vst v63  }
0x5f: {  	_ =	swait.ge [sflag:s16], $0x1400  }
0x60: {  	[sflag:s16] =	ssyncset.done $0x0  }
0x61: {  	[sflag:s16] =	ssyncadd.s32 $0xFFFFEC00  }
0x62: {  	[tilespmem:s18], [sflag:$0x3] =	stream.linear.gather [hbm4b:s13+s29], $0x1400, $0x38;
	[tilespmem:$0x1E800] =	vst v63  }
0x63: {  	_ =	swait.ge [sflag:s16], $0x1400  }
0x64: {  	[sflag:s16] =	ssyncset.done $0x0  }
0x65: {  	[sflag:s16] =	ssyncadd.s32 $0xFFFFEC00  }
0x66: {  	[tilespmem:s20], [sflag:$0x1] =	stream.indirect.gather [hbm4b:s6+s19], $0x80, s17, s19, $0xb8;
	[tilespmem:$0x1E800] =	vst v63  }
0x67: {  	_ = 	snop  }
0x68: {  	[tilespmem:s22], [sflag:$0x2] =	stream.indirect.gather [hbm4b:s6+s19], $0x80, s21, s19, $0xb8;
	[tilespmem:$0x1E800] =	vst v63  }
0x69: {  	_ =	swait.ge [sflag:s23], $0x4000  }
0x6a: {  	[sflag:s23] =	ssyncset.done $0x0  }
0x6b: {  	s31 =	simm.s32 $0x15400;
	[sflag:s23] =	ssyncadd.s32 $0xFFFFC000  }
0x6c: {  	[spmem:s3] =	stream.indirect.scatter.add.f32 [tilespmem:s20], [sflag:$0x3], $0x80, s31, s19, $0xb8;
	[tilespmem:$0x1E800] =	vst v63  }
0x6d: {  	_ =	swait.ge [sflag:s16], $0x4000  }
0x6e: {  	[sflag:s16] =	ssyncset.done $0x0  }
0x6f: {  	s31 =	simm.s32 $0x14100;
	[sflag:s16] =	ssyncadd.s32 $0xFFFFC000  }
0x70: {  	[tilespmem:s20], [sflag:$0x1] =	stream.indirect.gather [hbm4b:s6+s19], $0x80, s31, s19, $0xb8;
	[tilespmem:$0x1E800] =	vst v63  }
0x71: {  	_ =	swait.ge [sflag:s24], $0x4000  }
0x72: {  	[sflag:s24] =	ssyncset.done $0x0  }
0x73: {  	s31 =	simm.s32 $0x15480;
	[sflag:s24] =	ssyncadd.s32 $0xFFFFC000  }
0x74: {  	[spmem:s3] =	stream.indirect.scatter.add.f32 [tilespmem:s22], [sflag:$0x3], $0x80, s31, s19, $0xb8;
	[tilespmem:$0x1E800] =	vst v63  }
0x75: {  	_ =	swait.ge [sflag:s16], $0x4000  }
0x76: {  	[sflag:s16] =	ssyncset.done $0x0  }
0x77: {  	s30 =	simm.s32 $0x14180;
	s29 =	simm.s32 $0x400;
	[sflag:s16] =	ssyncadd.s32 $0xFFFFC000  }
.LBB2_5:
0x78: {  	[tilespmem:s22], [sflag:$0x2] =	stream.indirect.gather [hbm4b:s6+s19], $0x80, s30, s19, $0xb8;
	[tilespmem:$0x1E800] =	vst v63  }
0x79: {  	s0 =	smov.u32 s29  }
0x7a: {  	p1 =	sne.s32 s29, $0x4800;
	s29 =	sadd.s32 $0x400, s29;
	_ =	swait.ge [sflag:s23], $0x4000  }
0x7b: {  	s0 =	sshra.s32 s0, $0x2;
	[sflag:s23] =	ssyncset.done $0x0  }
0x7c: {  	s30 =	sadd.s32 $0x15400, s0;
	[sflag:s23] =	ssyncadd.s32 $0xFFFFC000  }
0x7d: {  	[spmem:s3] =	stream.indirect.scatter.add.f32 [tilespmem:s20], [sflag:$0x3], $0x80, s30, s19, $0xb8;
	[tilespmem:$0x1E800] =	vst v63  }
0x7e: {  	_ =	swait.ge [sflag:s16], $0x4000  }
0x7f: {  	[sflag:s16] =	ssyncset.done $0x0  }
0x80: {  	s30 =	sadd.s32 $0x14100, s0;
	[sflag:s16] =	ssyncadd.s32 $0xFFFFC000  }
0x81: {  	[tilespmem:s20], [sflag:$0x1] =	stream.indirect.gather [hbm4b:s6+s19], $0x80, s30, s19, $0xb8;
	[tilespmem:$0x1E800] =	vst v63  }
0x82: {  	_ =	swait.ge [sflag:s24], $0x4000  }
0x83: {  	[sflag:s24] =	ssyncset.done $0x0  }
.Ltmp1:
0x84: {  	s30 =	sadd.s32 $0x15480, s0;
	[sflag:s24] =	ssyncadd.s32 $0xFFFFC000;
	(pc) =	sbr.rel @p1 .LBB2_5-.Ltmp1, $4  }
0x85: {  	[spmem:s3] =	stream.indirect.scatter.add.f32 [tilespmem:s22], [sflag:$0x3], $0x80, s30, s19, $0xb8;
	[tilespmem:$0x1E800] =	vst v63  }
0x86: {  	_ =	swait.ge [sflag:s16], $0x4000  }
0x87: {  	[sflag:s16] =	ssyncset.done $0x0  }
0x88: {  	s30 =	sadd.s32 $0x14180, s0;
	[sflag:s16] =	ssyncadd.s32 $0xFFFFC000  }
0x89: {  	[tilespmem:s22], [sflag:$0x2] =	stream.indirect.gather [hbm4b:s6+s19], $0x80, s30, s19, $0xb8;
	[tilespmem:$0x1E800] =	vst v63  }
0x8a: {  	s29 =	simm.s32 $0x1  }
0x8b: {  	_ =	swait.ge [sflag:s29], $0x4000  }
0x8c: {  	[sflag:s29] =	ssyncset.done $0x0  }
0x8d: {  	[sflag:s29] =	ssyncadd.s32 $0xFFFFC000  }
0x8e: {  	[spmem:s3] =	stream.indirect.scatter.add.f32 [tilespmem:s20], [sflag:$0x3], $0x80, s25, s19, $0xb8;
	[tilespmem:$0x1E800] =	vst v63  }
0x8f: {  	_ =	swait.ge [sflag:s16], $0x4000  }
0x90: {  	[sflag:s16] =	ssyncset.done $0x0  }
0x91: {  	[sflag:s16] =	ssyncadd.s32 $0xFFFFC000  }
0x92: {  	[tilespmem:s20], [sflag:$0x1] =	stream.indirect.gather [hbm4b:s6+s19], $0x80, s17, s19, $0xb8;
	[tilespmem:$0x1E800] =	vst v63  }
0x93: {  	_ =	swait.ge [sflag:s24], $0x4000  }
0x94: {  	[sflag:s24] =	ssyncset.done $0x0  }
0x95: {  	[sflag:s24] =	ssyncadd.s32 $0xFFFFC000  }
0x96: {  	[spmem:s3] =	stream.indirect.scatter.add.f32 [tilespmem:s22], [sflag:$0x3], $0x80, s26, s19, $0xb8;
	[tilespmem:$0x1E800] =	vst v63  }
0x97: {  	_ =	swait.ge [sflag:s16], $0x4000  }
0x98: {  	[sflag:s16] =	ssyncset.done $0x0  }
0x99: {  	[sflag:s16] =	ssyncadd.s32 $0xFFFFC000  }
0x9a: {  	[tilespmem:s22], [sflag:$0x2] =	stream.indirect.gather [hbm4b:s6+s19], $0x80, s21, s19, $0xb8;
	[tilespmem:$0x1E800] =	vst v63  }
0x9b: {  	_ =	swait.ge [sflag:s29], $0x4000  }
0x9c: {  	[sflag:s29] =	ssyncset.done $0x0  }
0x9d: {  	s0 =	smul.u32 $0x140000, s28;
	[sflag:s29] =	ssyncadd.s32 $0xFFFFC000  }
0x9e: {  	_ =	swait.ge [sflag:s24], $0x4000  }
0x9f: {  	s0 =	sadd.s32 s10, s0;
	[sflag:s24] =	ssyncset.done $0x0  }
0xa0: {  	s0 =	sshrl.u32 s0, $0x3;
	[sflag:s24] =	ssyncadd.s32 $0xFFFFC000  }
0xa1: {  	s0 =	sadd.s32 s7, s0;
	[bflag:$0x0] =	sbarrier.arrive $0xFFFF  }
0xa2: {  	[hbm:s0], [sflag:s14] =	dma.local [spmem:s15], $0x2800  }
.Ltmp2:
0xa3: {  	_ =	swait.ge [sflag:s16], $0x2800;
	(pc) =	sbr.rel @p0 .LBB2_2-.Ltmp2, $4  }
0xa4: {  	[sflag:s16] =	ssyncset.done $0x0  }
0xa5: {  	[sflag:s16] =	ssyncadd.s32 $0xFFFFD800  }
0xa6: {  	[bflag:$0x0] =	sbarrier.arrive $0xFFFF  }
0xa7: {  	p1 =	por $0x0, $0x0  }
0xa8: {  	s4 =	sadd.s32 $0x1, s4  }
0xa9: {  	p0 =	sne.s32 s4, s11  }
.Ltmp3:
0xaa: {  	_ = 	snop;
	(pc) =	sbr.rel @p0 .LBB2_1-.Ltmp3, $1  }
0xab: {  	_ =	sdelay $0x3  }
0xac: {  	_ =	sfence.sel $0x180000  }
0xad: {  	[bflag:$0x0] =	sbarrier.arrive $0xFFFF  }
0xae: {  	_ =	strace $0x9000004A  }
0xaf: {  	[bflag:$0x2] =	sbarrier.arrive $0xFFFF  }
0xb0: {  	p0 =	sne.s32 s2, $0x0;
	s0 =	rddreg [dreg:$0x3]  }
0xb1: {  	s0 =	sadd.s32 @!p0 $0x100000, s0  }
0xb2: {  	[sflag:s0] =	ssyncadd.tile.s32 @!p0 $0x1;
	_ =	shalt  }
.Lfunc_end2:
_tile_overlayer_lowered:
.L_overlay_start_2:
0xb3: {  	(tag) =	ssettag $0x2  }
0xb4: {  	s0 =	rddreg [dreg:$0x0];
	s2 =	stileid.u32  }
0xb5: {  	s1 =	rddreg [dreg:$0x1];
	p0 =	sne.s32 s2, $0x0  }
0xb6: {  	s3 =	rddreg [dreg:$0x2];
	[bflag:$0x3] =	sbarrier.arrive $0xFFFF;
	s2 =	simm.s32 @!p0 $0x1C03  }
0xb7: {  	[timem:s3], [sflag:s2] =	dma.local @!p0 [hbm:s0], s1  }
0xb8: {  	s0 =	simm.s32 @!p0 $0x3  }
0xb9: {  	_ =	swait.ge @!p0 [sflag:s0], s1  }
0xba: {  	s1 =	ssub.s32 @!p0 $0x0, s1;
	[sflag:s0] =	ssyncset.done @!p0 $0x0  }
0xbb: {  	[sflag:s0] =	ssyncadd.s32 @!p0 s1  }
0xbc: {  	[bflag:$0x3] =	sbarrier.arrive $0xFFFF  }
0xbd: {  	_ =	shalt  }

// kernel: kernel.16.cloned.1.call-start
scs
__scs_entry_jumppad:
0x0: {  	(pc) =	sbr.rel $0x88, $3  }
0x1: {  	(tag) =	ssettag $0x0;
	lr =	simm.s32 $0x1  }
0x2: {  	[smem:$0x3F83] =	sst lr;
	_ =	strace $0xD0000000  }
0x3: {  	_ = 	snop  }
0x4: {  	_ = 	snop  }
0x5: {  	_ = 	snop  }
0x6: {  	_ = 	snop  }
0x7: {  	_ = 	snop  }
__scs_overlays_trampoline_lowered:
0x8: {  	[smem:$0x3F92] =	sst s0  }
0x9: {  	[smem:$0x3F93] =	sst s1  }
0xa: {  	[smem:$0x3F94] =	sst s2  }
0xb: {  	[smem:$0x3F95] =	sst s3  }
0xc: {  	[smem:$0x3F96] =	sst s4  }
0xd: {  	[smem:$0x3F97] =	sst s5  }
0xe: {  	[smem:$0x3F98] =	sst s6  }
0xf: {  	[smem:$0x3F99] =	sst s7  }
0x10: {  	[smem:$0x3F9A] =	sst s8  }
0x11: {  	[smem:$0x3F9B] =	sst s9;
	s0 =	simm.s32 @!p0 $0x0  }
0x12: {  	s1 =	sld [smem:$0x3F81];
	s0 =	simm.s32 @p0 $0x1  }
0x13: {  	[smem:$0x3F9C] =	sst s0;
	s0 =	simm.s32 @!p1 $0x0  }
0x14: {  	s2 =	sld [smem:$0x3F80];
	s0 =	simm.s32 @p1 $0x1  }
0x15: {  	[smem:$0x3F9D] =	sst s0;
	s0 =	simm.s32 @!p2 $0x0  }
0x16: {  	s3 =	sld [smem:$0x3FDB];
	s0 =	simm.s32 @p2 $0x1  }
0x17: {  	s4 =	simm.s32 $0x1BF5;
	[smem:$0x3F9F] =	sst s0  }
0x18: {  	s0 =	sld [smem:$0x3F82];
	_ =	swait.ge [sflag:s4], $0x0  }
0x19: {  	s7 =	sld [smem:$0x3F83]  }
0x1a: {  	s8 =	sadd.s32 $0xFFFFE003, lr  }
0x1b: {  	s9 =	sadd.s32 $0xFFFFFEF7, lr;
	s5 =	simm.s32 $0xFFFFFFFF;
	p2 =	slt.u32 s8, $0xFFFFF086  }
0x1c: {  	p1 =	slt.u32 s9, $0xF7A;
	s5 =	simm.s32 @!p2 $0x0  }
0x1d: {  	s5 =	simm.s32 @p1 $0x1;
	p0 =	seq.s32 s7, s2  }
0x1e: {  	s7 =	smul.u32 @!p0 $0xF7A, s2;
	p2 =	seq.s32 @!p0 s5, $0x0  }
0x1f: {  	s9 =	smul.u32 $0xF7A, s1;
	s8 =	simm.s32 @!p0 $0x1BF5;
	p2 =	por !p2, p0  }
0x20: {  	[sflag:s8] =	ssyncset.s32 @!p0 $0xFFFFF086;
	s6 =	sadd.s32 @!p0 s3, s7;
	s7 =	simm.s32 @!p0 $0x108  }
0x21: {  	s3 =	sadd.s32 s3, s9;
	s6 =	sadd.s32 @!p0 $0x88, s6;
	s7 =	simm.s32 @p2 $0x1082  }
0x22: {  	[simem:s7], [sflag:s8] =	dma.local @!p0 [hbm:s6], $0xF7A  }
0x23: {  	s9 =	sor.u32 $0xD0000000, s2;
	s6 =	simm.s32 $0x108;
	_ =	swait.ge @!p0 [sflag:s8], $0x0  }
0x24: {  	s3 =	sadd.s32 $0x88, s3;
	s6 =	simm.s32 @!p1 $0x1082;
	[sflag:s4] =	ssyncset.s32 $0xFFFFF086  }
0x25: {  	[simem:s6], [sflag:s4] =	dma.local [hbm:s3], $0xF7A  }
0x26: {  	[smem:$0x3F83] =	sst s1;
	(tag) =	ssettag s2;
	_ =	strace s9  }
0x27: {  	s1 =	sld [smem:$0x3F93]  }
0x28: {  	s2 =	sld [smem:$0x3F94]  }
0x29: {  	s4 =	sld [smem:$0x3F96]  }
0x2a: {  	p0 =	seq.s32 s5, $0x0;
	s5 =	sld [smem:$0x3F97]  }
0x2b: {  	s6 =	sld [smem:$0x3F98]  }
0x2c: {  	s7 =	sld [smem:$0x3F99]  }
0x2d: {  	s3 =	simm.s32 $0x108;
	s8 =	sld [smem:$0x3F9A]  }
0x2e: {  	s3 =	simm.s32 @!p0 $0x1082;
	s9 =	sld [smem:$0x3F9B]  }
0x2f: {  	lr =	sadd.s32 s0, s3;
	s0 =	sld [smem:$0x3F92]  }
0x30: {  	s3 =	sld [smem:$0x3F95]  }
0x31: {  	[smem:$0x3F9E] =	sst s10  }
0x32: {  	s10 =	sld [smem:$0x3F9C];
	_ =	sdelay $0x3  }
0x33: {  	p0 =	seq.s32 s10, $0x1;
	s10 =	sld [smem:$0x3F9E];
	_ =	sdelay $0x3  }
0x34: {  	[smem:$0x3F9E] =	sst s10  }
0x35: {  	s10 =	sld [smem:$0x3F9D];
	_ =	sdelay $0x3  }
0x36: {  	p1 =	seq.s32 s10, $0x1;
	s10 =	sld [smem:$0x3F9E];
	_ =	sdelay $0x3  }
0x37: {  	[smem:$0x3F9E] =	sst s10  }
0x38: {  	s10 =	sld [smem:$0x3F9F]  }
0x39: {  	_ = 	snop;
	(pc) =	sbr.ind lr, $3  }
0x3a: {  	_ = 	snop  }
0x3b: {  	_ = 	snop  }
0x3c: {  	p2 =	seq.s32 s10, $0x1;
	s10 =	sld [smem:$0x3F9E]  }
0x3d: {  	_ =	shalt  }
0x3e: {  	_ =	shalt  }
0x3f: {  	_ =	shalt  }
0x40: {  	_ =	shalt  }
0x41: {  	_ =	shalt  }
0x42: {  	_ =	shalt  }
0x43: {  	_ =	shalt  }
0x44: {  	_ =	shalt  }
0x45: {  	_ =	shalt  }
0x46: {  	_ =	shalt  }
0x47: {  	_ =	shalt  }
0x48: {  	_ =	shalt  }
0x49: {  	_ =	shalt  }
0x4a: {  	_ =	shalt  }
0x4b: {  	_ =	shalt  }
0x4c: {  	_ =	shalt  }
0x4d: {  	_ =	shalt  }
0x4e: {  	_ =	shalt  }
0x4f: {  	_ =	shalt  }
0x50: {  	_ =	shalt  }
0x51: {  	_ =	shalt  }
0x52: {  	_ =	shalt  }
0x53: {  	_ =	shalt  }
0x54: {  	_ =	shalt  }
0x55: {  	_ =	shalt  }
0x56: {  	_ =	shalt  }
0x57: {  	_ =	shalt  }
0x58: {  	_ =	shalt  }
0x59: {  	_ =	shalt  }
0x5a: {  	_ =	shalt  }
0x5b: {  	_ =	shalt  }
0x5c: {  	_ =	shalt  }
0x5d: {  	_ =	shalt  }
0x5e: {  	_ =	shalt  }
0x5f: {  	_ =	shalt  }
0x60: {  	_ =	shalt  }
0x61: {  	_ =	shalt  }
0x62: {  	_ =	shalt  }
0x63: {  	_ =	shalt  }
0x64: {  	_ =	shalt  }
0x65: {  	_ =	shalt  }
0x66: {  	_ =	shalt  }
0x67: {  	_ =	shalt  }
0x68: {  	_ =	shalt  }
0x69: {  	_ =	shalt  }
0x6a: {  	_ =	shalt  }
0x6b: {  	_ =	shalt  }
0x6c: {  	_ =	shalt  }
0x6d: {  	_ =	shalt  }
0x6e: {  	_ =	shalt  }
0x6f: {  	_ =	shalt  }
0x70: {  	_ =	shalt  }
0x71: {  	_ =	shalt  }
0x72: {  	_ =	shalt  }
0x73: {  	_ =	shalt  }
0x74: {  	_ =	shalt  }
0x75: {  	_ =	shalt  }
0x76: {  	_ =	shalt  }
0x77: {  	_ =	shalt  }
0x78: {  	_ =	shalt  }
0x79: {  	_ =	shalt  }
0x7a: {  	_ =	shalt  }
0x7b: {  	_ =	shalt  }
0x7c: {  	_ =	shalt  }
0x7d: {  	_ =	shalt  }
0x7e: {  	_ =	shalt  }
0x7f: {  	_ =	shalt  }
0x80: {  	_ =	shalt  }
0x81: {  	_ =	shalt  }
0x82: {  	_ =	shalt  }
0x83: {  	_ =	shalt  }
0x84: {  	_ =	shalt  }
0x85: {  	_ =	shalt  }
0x86: {  	_ =	shalt  }
0x87: {  	_ =	shalt  }
.Lfunc_end0:
.L_simem_size_0:
called_computation.2_lowered:
.L_overlay_start_0:
0x88: {  	s2 =	sld [smem:$0x3FD9]  }
0x89: {  	s3 =	sld [smem:$0x3FFE];
	_ =	sdelay $0x1  }
0x8a: {  	s1 =	srdreg.scid  }
0x8b: {  	s0 =	sand.u32 $0x1, s1  }
0x8c: {  	s14 =	sshll.u32 s0, $0xA;
	s2 =	sadd.s32 s3, s2  }
0x8d: {  	s2 =	sadd.s32 s2, s14  }
0x8e: {  	[smem:$0x3FAA] =	sst s2  }
0x8f: {  	_ = 	snop  }
0x90: {  	s2 =	sld [smem:$0x3FD0];
	_ =	sdelay $0x2  }
0x91: {  	s15 =	simm.s32 $0xA;
	s4 =	simm.s32 $0x10  }
0x92: {  	[smem:s4], [sflag:s15] =	dma.local [hbm:s2], $0x1  }
0x93: {  	_ =	swait.eq [sflag:s15], $0x1  }
0x94: {  	[sflag:s15] =	ssyncset.done $0x0  }
0x95: {  	[sflag:s15] =	ssyncadd.s32 $0xFFFFFFFF  }
0x96: {  	s16 =	sld [smem:$0x10];
	(tm) =	ssettm $0x1  }
0x97: {  	s17 =	sld [smem:$0x3FFB];
	_ =	sdelay $0x3  }
0x98: {  	_ =	strace s17  }
0x99: {  	s3 =	sld [smem:$0x3FFC];
	_ =	sdelay $0x3  }
0x9a: {  	_ =	strace s3  }
0x9b: {  	s3 =	sld [smem:$0x3FFD];
	_ =	sdelay $0x3  }
0x9c: {  	_ =	strace s3  }
0x9d: {  	_ =	strace $0x8FFFFFFF  }
0x9e: {  	s18 =	sld [smem:$0x3FDB];
	_ =	sdelay $0x1  }
0x9f: {  	s19 =	simm.s32 $_scs_section_size  }
0xa0: {  	s5 =	simm.s32 $_size__tile_overlayer_lowered;
	s6 =	simm.s32 $_tile_overlayer_lowered  }
0xa1: {  	s22 =	simm.s32 $0x1BFF;
	s21 =	sshll.u32 s6, $0x1;
	s3 =	sadd.s32 s19, s18  }
0xa2: {  	s7 =	simm.s32 $0x0;
	s20 =	sshll.u32 s5, $0x1;
	s5 =	sadd.s32 s21, s3  }
0xa3: {  	[timem:s7], [sflag:s22] =	dma.local [hbm:s5], s20  }
0xa4: {  	_ =	swait.ge [sflag:s22], s20  }
0xa5: {  	s4 =	ssub.s32 $0x0, s20;
	[sflag:s22] =	ssyncset.done $0x0  }
0xa6: {  	[sflag:s22] =	ssyncadd.s32 s4;
	_ =	sdelay $0x1  }
0xa7: {  	s23 =	simm.s32 $0x1B8B  }
0xa8: {  	_ =	swait.ge [sflag:s23], $0x1  }
0xa9: {  	[sflag:s23] =	ssyncset.done $0x0  }
0xaa: {  	s25 =	simm.s32 $0x1B8E;
	s24 =	sld [smem:$0x3FFE];
	[sflag:s23] =	ssyncadd.s32 $0xFFFFFFFF  }
0xab: {  	s26 =	simm.s32 $execute0_lowered;
	[smem:$0x3FD2] =	sst s25  }
0xac: {  	s5 =	sshll.u32 s26, $0x1;
	_ =	strace $0x8000004C;
	[dreg:$0x1] =	wrdreg $0xFFFFFFFF  }
0xad: {  	s28 =	simm.s32 $_size_execute0_lowered;
	s3 =	sadd.s32 s3, s5;
	[dreg:$0x0] =	wrdreg $0x0  }
0xae: {  	s5 =	sshll.u32 s28, $0x1;
	[dreg:$0x2] =	wrdreg s3  }
0xaf: {  	[dreg:$0x3] =	wrdreg s5  }
0xb0: {  	[dreg:$0x4] =	wrdreg $0xC0  }
0xb1: {  	_ =	task [dreg:s7], $0x5FFFF  }
0xb2: {  	[dreg:$0x1] =	wrdreg $0xFFFFFFFF  }
0xb3: {  	[dreg:$0x0] =	wrdreg $0x60  }
0xb4: {  	[dreg:$0x2] =	wrdreg s24  }
0xb5: {  	[dreg:$0x3] =	wrdreg s16  }
0xb6: {  	[dreg:$0x4] =	wrdreg $0x0  }
0xb7: {  	[dreg:$0x5] =	wrdreg $0x9  }
0xb8: {  	_ =	task.clear_ibuf [dreg:s7], $0x6FFFF;
	_ =	strace $0x9000004C  }
0xb9: {  	s29 =	simm.s32 $0x9;
	_ =	strace $0x8000004E  }
0xba: {  	_ =	swait.ge [sflag:s29], $0x1  }
0xbb: {  	[sflag:s29] =	ssyncadd.s32 $0xFFFFFFFF  }
0xbc: {  	_ =	strace $0x9000004E  }
0xbd: {  	_ =	sfence  }
0xbe: {  	s30 =	sld [smem:$0x0];
	_ =	sdelay $0x2  }
0xbf: {  	s31 =	sshll.u32 s1, $0xD;
	s1 =	sshrl.u32 s1, $0x2  }
0xc0: {  	s3 =	sand.u32 $0x4000, s31;
	s1 =	sadd.s32 s1, s30  }
0xc1: {  	s0 =	sor.u32 s3, s0;
	s1 =	sshll.u32 s1, $0x11  }
0xc2: {  	s0 =	sor.u32 s1, s0  }
0xc3: {  	s0 =	sadd.s32 $0x8F2B, s0  }
0xc4: {  	[sflag:s0] =	ssyncadd.remote.s32 $0x1  }
0xc5: {  	_ =	sfence.sel $0xFFFF  }
0xc6: {  	[dreg:$0x0] =	wrdreg $0xFFFFFFFF;
	(pc) =	sbr.abs _section_cstart, $3  }
0xc7: {  	[dreg:$0x1] =	wrdreg $0xFFFFFFFF  }
0xc8: {  	_ =	task.clear_ibuf [dreg:s7], $0x2FFFF;
	_ =	strace $0x9FFFFFFF  }
0xc9: {  	(tm) =	ssettm $0x7FFFFFFF  }
tec
execute0_lowered:
.L_overlay_start_1:
0x0: {  	(tag) =	ssettag $0x1  }
0x1: {  	s7 =	rddreg [dreg:$0x0]  }
0x2: {  	s1 =	rddreg [dreg:$0x1]  }
0x3: {  	s3 =	rddreg [dreg:$0x2];
	s4 =	simm.s32 $0x0  }
0x4: {  	s2 =	stileid.u32;
	s6 =	srdreg.scid;
	s16 =	simm.s32 $0x3  }
0x5: {  	s17 =	simm.s32 $0x14000;
	s18 =	simm.s32 $0x15400;
	s19 =	simm.s32 $0x80  }
0x6: {  	s20 =	simm.s32 $0x16800;
	s21 =	simm.s32 $0x14080;
	s22 =	simm.s32 $0x1A800  }
0x7: {  	s23 =	simm.s32 $0x1;
	s24 =	simm.s32 $0x2;
	s25 =	simm.s32 $0x16700  }
0x8: {  	s26 =	simm.s32 $0x16780;
	[smem:$0x7FF] =	sst s4;
	s5 =	smul.u32 $0x2800, s2  }
0x9: {  	s8 =	sand.u32 $0x1, s6;
	s11 =	smul.u32 $0x50000, s2;
	s6 =	sadd.s32 $0x8C00, s7  }
0xa: {  	s14 =	sshll.u32 s2, $0x6;
	_ =	strace $0x8000004D;
	s10 =	ssub.s32 $0x2, s8  }
0xb: {  	s8 =	sshll.u32 s8, $0x1;
	s14 =	sor.u32 $0x1C03, s14;
	s9 =	sshrl.u32 s5, $0x3  }
0xc: {  	s30 =	sshrl.u32 s10, $0x1;
	s31 =	sshrl.u32 s11, $0x2;
	s13 =	sadd.s32 s9, s7  }
0xd: {  	s7 =	sadd.s32 $0x148C00, s7;
	s12 =	ssub.s32 s10, s30;
	s9 =	smul.u32 $0x280, s2  }
0xe: {  	s15 =	sadd.s32 s31, s3;
	s10 =	smul.u32 $0x14000, s2;
	s11 =	smax.u32 s12, $0x1  }
0xf: {  	s12 =	sadd.s32 $0x3C00, s13;
	s13 =	sadd.s32 $0x3E80, s13;
	s15 =	sshrl.u32 s15, $0x3  }
.LBB2_1:
0x10: {  	p1 =	por $0x1, $0x1;
	s29 =	simm.s32 $0x0  }
.LBB2_2:
0x11: {  	s28 =	sor.u32 s8, s29  }
0x12: {  	s29 =	smul.u32 $0x2800, s28;
	_ =	sdelay $0x1  }
0x13: {  	s29 =	sadd.s32 s9, s29  }
0x14: {  	s29 =	sshll.u32 s29, $0x4  }
0x15: {  	s29 =	sadd.s32 s6, s29  }
0x16: {  	[spmem:s15], [sflag:s14] =	dma.local [hbm:s29], $0x2800  }
0x17: {  	s29 =	smul.u32 $0x28000, s28  }
0x18: {  	_ =	swait.ge [sflag:s16], $0x2800  }
0x19: {  	[sflag:s16] =	ssyncset.done $0x0;
	s29 =	sadd.s32 s29, s5  }
0x1a: {  	[sflag:s16] =	ssyncadd.s32 $0xFFFFD800;
	s29 =	sshrl.u32 s29, $0x3  }
0x1b: {  	s30 =	simm.s32 $0x0;
	[bflag:$0x0] =	sbarrier.arrive $0xFFFF;
	s29 =	sadd.s32 s1, s29  }
0x1c: {  	[tilespmem:s17], [sflag:$0x3] =	stream.linear.gather [hbm4b:s29+s30], $0x1400, $0x38;
	[tilespmem:$0x1E800] =	vst v63  }
0x1d: {  	_ =	swait.ge [sflag:s16], $0x1400  }
0x1e: {  	[sflag:s16] =	ssyncset.done $0x0  }
0x1f: {  	[sflag:s16] =	ssyncadd.s32 $0xFFFFEC00  }
0x20: {  	[tilespmem:s18], [sflag:$0x3] =	stream.linear.gather [hbm4b:s12+s30], $0x1400, $0x38;
	[tilespmem:$0x1E800] =	vst v63  }
0x21: {  	_ =	swait.ge [sflag:s16], $0x1400  }
0x22: {  	[sflag:s16] =	ssyncset.done $0x0  }
0x23: {  	[sflag:s16] =	ssyncadd.s32 $0xFFFFEC00  }
0x24: {  	[tilespmem:s20], [sflag:$0x1] =	stream.indirect.gather [hbm4b:s6+s19], $0x80, s17, s19, $0xb8;
	[tilespmem:$0x1E800] =	vst v63  }
0x25: {  	_ = 	snop  }
0x26: {  	[tilespmem:s22], [sflag:$0x2] =	stream.indirect.gather [hbm4b:s6+s19], $0x80, s21, s19, $0xb8;
	[tilespmem:$0x1E800] =	vst v63  }
0x27: {  	_ =	swait.ge [sflag:s23], $0x4000  }
0x28: {  	[sflag:s23] =	ssyncset.done $0x0  }
0x29: {  	s30 =	simm.s32 $0x15400;
	[sflag:s23] =	ssyncadd.s32 $0xFFFFC000  }
0x2a: {  	[spmem:s3] =	stream.indirect.scatter.add.f32 [tilespmem:s20], [sflag:$0x3], $0x80, s30, s19, $0xb8;
	[tilespmem:$0x1E800] =	vst v63  }
0x2b: {  	_ =	swait.ge [sflag:s16], $0x4000  }
0x2c: {  	[sflag:s16] =	ssyncset.done $0x0  }
0x2d: {  	s30 =	simm.s32 $0x14100;
	[sflag:s16] =	ssyncadd.s32 $0xFFFFC000  }
0x2e: {  	[tilespmem:s20], [sflag:$0x1] =	stream.indirect.gather [hbm4b:s6+s19], $0x80, s30, s19, $0xb8;
	[tilespmem:$0x1E800] =	vst v63  }
0x2f: {  	_ =	swait.ge [sflag:s24], $0x4000  }
0x30: {  	[sflag:s24] =	ssyncset.done $0x0  }
0x31: {  	s30 =	simm.s32 $0x15480;
	[sflag:s24] =	ssyncadd.s32 $0xFFFFC000  }
0x32: {  	[spmem:s3] =	stream.indirect.scatter.add.f32 [tilespmem:s22], [sflag:$0x3], $0x80, s30, s19, $0xb8;
	[tilespmem:$0x1E800] =	vst v63  }
0x33: {  	_ =	swait.ge [sflag:s16], $0x4000  }
0x34: {  	p0 =	por p1, p1;
	[sflag:s16] =	ssyncset.done $0x0  }
0x35: {  	s31 =	simm.s32 $0x14180;
	s30 =	simm.s32 $0x400;
	[sflag:s16] =	ssyncadd.s32 $0xFFFFC000  }
.LBB2_3:
0x36: {  	[tilespmem:s22], [sflag:$0x2] =	stream.indirect.gather [hbm4b:s6+s19], $0x80, s31, s19, $0xb8;
	[tilespmem:$0x1E800] =	vst v63  }
0x37: {  	s31 =	smov.u32 s30  }
0x38: {  	p1 =	sne.s32 s30, $0x4800;
	s30 =	sadd.s32 $0x400, s30;
	_ =	swait.ge [sflag:s23], $0x4000  }
0x39: {  	s31 =	sshra.s32 s31, $0x2;
	[sflag:s23] =	ssyncset.done $0x0  }
0x3a: {  	s0 =	sadd.s32 $0x15400, s31;
	[sflag:s23] =	ssyncadd.s32 $0xFFFFC000  }
0x3b: {  	[spmem:s3] =	stream.indirect.scatter.add.f32 [tilespmem:s20], [sflag:$0x3], $0x80, s0, s19, $0xb8;
	[tilespmem:$0x1E800] =	vst v63  }
0x3c: {  	_ =	swait.ge [sflag:s16], $0x4000  }
0x3d: {  	[sflag:s16] =	ssyncset.done $0x0  }
0x3e: {  	s0 =	sadd.s32 $0x14100, s31;
	[sflag:s16] =	ssyncadd.s32 $0xFFFFC000  }
0x3f: {  	[tilespmem:s20], [sflag:$0x1] =	stream.indirect.gather [hbm4b:s6+s19], $0x80, s0, s19, $0xb8;
	[tilespmem:$0x1E800] =	vst v63  }
0x40: {  	_ =	swait.ge [sflag:s24], $0x4000  }
0x41: {  	[sflag:s24] =	ssyncset.done $0x0  }
.Ltmp0:
0x42: {  	s0 =	sadd.s32 $0x15480, s31;
	[sflag:s24] =	ssyncadd.s32 $0xFFFFC000;
	(pc) =	sbr.rel @p1 .LBB2_3-.Ltmp0, $4  }
0x43: {  	[spmem:s3] =	stream.indirect.scatter.add.f32 [tilespmem:s22], [sflag:$0x3], $0x80, s0, s19, $0xb8;
	[tilespmem:$0x1E800] =	vst v63  }
0x44: {  	_ =	swait.ge [sflag:s16], $0x4000  }
0x45: {  	[sflag:s16] =	ssyncset.done $0x0  }
0x46: {  	s31 =	sadd.s32 $0x14180, s31;
	[sflag:s16] =	ssyncadd.s32 $0xFFFFC000  }
0x47: {  	[tilespmem:s22], [sflag:$0x2] =	stream.indirect.gather [hbm4b:s6+s19], $0x80, s31, s19, $0xb8;
	[tilespmem:$0x1E800] =	vst v63  }
0x48: {  	_ =	swait.ge [sflag:s23], $0x4000  }
0x49: {  	[sflag:s23] =	ssyncset.done $0x0  }
0x4a: {  	[sflag:s23] =	ssyncadd.s32 $0xFFFFC000  }
0x4b: {  	[spmem:s3] =	stream.indirect.scatter.add.f32 [tilespmem:s20], [sflag:$0x3], $0x80, s25, s19, $0xb8;
	[tilespmem:$0x1E800] =	vst v63  }
0x4c: {  	_ =	swait.ge [sflag:s16], $0x4000  }
0x4d: {  	[sflag:s16] =	ssyncset.done $0x0  }
0x4e: {  	[sflag:s16] =	ssyncadd.s32 $0xFFFFC000  }
0x4f: {  	[tilespmem:s20], [sflag:$0x1] =	stream.indirect.gather [hbm4b:s6+s19], $0x80, s17, s19, $0xb8;
	[tilespmem:$0x1E800] =	vst v63  }
0x50: {  	_ =	swait.ge [sflag:s24], $0x4000  }
0x51: {  	[sflag:s24] =	ssyncset.done $0x0  }
0x52: {  	[sflag:s24] =	ssyncadd.s32 $0xFFFFC000  }
0x53: {  	[spmem:s3] =	stream.indirect.scatter.add.f32 [tilespmem:s22], [sflag:$0x3], $0x80, s26, s19, $0xb8;
	[tilespmem:$0x1E800] =	vst v63  }
0x54: {  	_ =	swait.ge [sflag:s16], $0x4000  }
0x55: {  	[sflag:s16] =	ssyncset.done $0x0  }
0x56: {  	[sflag:s16] =	ssyncadd.s32 $0xFFFFC000  }
0x57: {  	[tilespmem:s22], [sflag:$0x2] =	stream.indirect.gather [hbm4b:s6+s19], $0x80, s21, s19, $0xb8;
	[tilespmem:$0x1E800] =	vst v63  }
0x58: {  	_ =	swait.ge [sflag:s23], $0x4000  }
0x59: {  	[sflag:s23] =	ssyncset.done $0x0  }
0x5a: {  	[sflag:s23] =	ssyncadd.s32 $0xFFFFC000  }
0x5b: {  	_ =	swait.ge [sflag:s24], $0x4000  }
0x5c: {  	[sflag:s24] =	ssyncset.done $0x0  }
0x5d: {  	s0 =	sadd.s32 $0x280, s29;
	s29 =	simm.s32 $0x0;
	[sflag:s24] =	ssyncadd.s32 $0xFFFFC000  }
0x5e: {  	[tilespmem:s17], [sflag:$0x3] =	stream.linear.gather [hbm4b:s0+s29], $0x1400, $0x38;
	[tilespmem:$0x1E800] =	vst v63  }
0x5f: {  	_ =	swait.ge [sflag:s16], $0x1400  }
0x60: {  	[sflag:s16] =	ssyncset.done $0x0  }
0x61: {  	[sflag:s16] =	ssyncadd.s32 $0xFFFFEC00  }
0x62: {  	[tilespmem:s18], [sflag:$0x3] =	stream.linear.gather [hbm4b:s13+s29], $0x1400, $0x38;
	[tilespmem:$0x1E800] =	vst v63  }
0x63: {  	_ =	swait.ge [sflag:s16], $0x1400  }
0x64: {  	[sflag:s16] =	ssyncset.done $0x0  }
0x65: {  	[sflag:s16] =	ssyncadd.s32 $0xFFFFEC00  }
0x66: {  	[tilespmem:s20], [sflag:$0x1] =	stream.indirect.gather [hbm4b:s6+s19], $0x80, s17, s19, $0xb8;
	[tilespmem:$0x1E800] =	vst v63  }
0x67: {  	_ = 	snop  }
0x68: {  	[tilespmem:s22], [sflag:$0x2] =	stream.indirect.gather [hbm4b:s6+s19], $0x80, s21, s19, $0xb8;
	[tilespmem:$0x1E800] =	vst v63  }
0x69: {  	_ =	swait.ge [sflag:s23], $0x4000  }
0x6a: {  	[sflag:s23] =	ssyncset.done $0x0  }
0x6b: {  	s31 =	simm.s32 $0x15400;
	[sflag:s23] =	ssyncadd.s32 $0xFFFFC000  }
0x6c: {  	[spmem:s3] =	stream.indirect.scatter.add.f32 [tilespmem:s20], [sflag:$0x3], $0x80, s31, s19, $0xb8;
	[tilespmem:$0x1E800] =	vst v63  }
0x6d: {  	_ =	swait.ge [sflag:s16], $0x4000  }
0x6e: {  	[sflag:s16] =	ssyncset.done $0x0  }
0x6f: {  	s31 =	simm.s32 $0x14100;
	[sflag:s16] =	ssyncadd.s32 $0xFFFFC000  }
0x70: {  	[tilespmem:s20], [sflag:$0x1] =	stream.indirect.gather [hbm4b:s6+s19], $0x80, s31, s19, $0xb8;
	[tilespmem:$0x1E800] =	vst v63  }
0x71: {  	_ =	swait.ge [sflag:s24], $0x4000  }
0x72: {  	[sflag:s24] =	ssyncset.done $0x0  }
0x73: {  	s31 =	simm.s32 $0x15480;
	[sflag:s24] =	ssyncadd.s32 $0xFFFFC000  }
0x74: {  	[spmem:s3] =	stream.indirect.scatter.add.f32 [tilespmem:s22], [sflag:$0x3], $0x80, s31, s19, $0xb8;
	[tilespmem:$0x1E800] =	vst v63  }
0x75: {  	_ =	swait.ge [sflag:s16], $0x4000  }
0x76: {  	[sflag:s16] =	ssyncset.done $0x0  }
0x77: {  	s30 =	simm.s32 $0x14180;
	s29 =	simm.s32 $0x400;
	[sflag:s16] =	ssyncadd.s32 $0xFFFFC000  }
.LBB2_5:
0x78: {  	[tilespmem:s22], [sflag:$0x2] =	stream.indirect.gather [hbm4b:s6+s19], $0x80, s30, s19, $0xb8;
	[tilespmem:$0x1E800] =	vst v63  }
0x79: {  	s0 =	smov.u32 s29  }
0x7a: {  	p1 =	sne.s32 s29, $0x4800;
	s29 =	sadd.s32 $0x400, s29;
	_ =	swait.ge [sflag:s23], $0x4000  }
0x7b: {  	s0 =	sshra.s32 s0, $0x2;
	[sflag:s23] =	ssyncset.done $0x0  }
0x7c: {  	s30 =	sadd.s32 $0x15400, s0;
	[sflag:s23] =	ssyncadd.s32 $0xFFFFC000  }
0x7d: {  	[spmem:s3] =	stream.indirect.scatter.add.f32 [tilespmem:s20], [sflag:$0x3], $0x80, s30, s19, $0xb8;
	[tilespmem:$0x1E800] =	vst v63  }
0x7e: {  	_ =	swait.ge [sflag:s16], $0x4000  }
0x7f: {  	[sflag:s16] =	ssyncset.done $0x0  }
0x80: {  	s30 =	sadd.s32 $0x14100, s0;
	[sflag:s16] =	ssyncadd.s32 $0xFFFFC000  }
0x81: {  	[tilespmem:s20], [sflag:$0x1] =	stream.indirect.gather [hbm4b:s6+s19], $0x80, s30, s19, $0xb8;
	[tilespmem:$0x1E800] =	vst v63  }
0x82: {  	_ =	swait.ge [sflag:s24], $0x4000  }
0x83: {  	[sflag:s24] =	ssyncset.done $0x0  }
.Ltmp1:
0x84: {  	s30 =	sadd.s32 $0x15480, s0;
	[sflag:s24] =	ssyncadd.s32 $0xFFFFC000;
	(pc) =	sbr.rel @p1 .LBB2_5-.Ltmp1, $4  }
0x85: {  	[spmem:s3] =	stream.indirect.scatter.add.f32 [tilespmem:s22], [sflag:$0x3], $0x80, s30, s19, $0xb8;
	[tilespmem:$0x1E800] =	vst v63  }
0x86: {  	_ =	swait.ge [sflag:s16], $0x4000  }
0x87: {  	[sflag:s16] =	ssyncset.done $0x0  }
0x88: {  	s30 =	sadd.s32 $0x14180, s0;
	[sflag:s16] =	ssyncadd.s32 $0xFFFFC000  }
0x89: {  	[tilespmem:s22], [sflag:$0x2] =	stream.indirect.gather [hbm4b:s6+s19], $0x80, s30, s19, $0xb8;
	[tilespmem:$0x1E800] =	vst v63  }
0x8a: {  	s29 =	simm.s32 $0x1  }
0x8b: {  	_ =	swait.ge [sflag:s29], $0x4000  }
0x8c: {  	[sflag:s29] =	ssyncset.done $0x0  }
0x8d: {  	[sflag:s29] =	ssyncadd.s32 $0xFFFFC000  }
0x8e: {  	[spmem:s3] =	stream.indirect.scatter.add.f32 [tilespmem:s20], [sflag:$0x3], $0x80, s25, s19, $0xb8;
	[tilespmem:$0x1E800] =	vst v63  }
0x8f: {  	_ =	swait.ge [sflag:s16], $0x4000  }
0x90: {  	[sflag:s16] =	ssyncset.done $0x0  }
0x91: {  	[sflag:s16] =	ssyncadd.s32 $0xFFFFC000  }
0x92: {  	[tilespmem:s20], [sflag:$0x1] =	stream.indirect.gather [hbm4b:s6+s19], $0x80, s17, s19, $0xb8;
	[tilespmem:$0x1E800] =	vst v63  }
0x93: {  	_ =	swait.ge [sflag:s24], $0x4000  }
0x94: {  	[sflag:s24] =	ssyncset.done $0x0  }
0x95: {  	[sflag:s24] =	ssyncadd.s32 $0xFFFFC000  }
0x96: {  	[spmem:s3] =	stream.indirect.scatter.add.f32 [tilespmem:s22], [sflag:$0x3], $0x80, s26, s19, $0xb8;
	[tilespmem:$0x1E800] =	vst v63  }
0x97: {  	_ =	swait.ge [sflag:s16], $0x4000  }
0x98: {  	[sflag:s16] =	ssyncset.done $0x0  }
0x99: {  	[sflag:s16] =	ssyncadd.s32 $0xFFFFC000  }
0x9a: {  	[tilespmem:s22], [sflag:$0x2] =	stream.indirect.gather [hbm4b:s6+s19], $0x80, s21, s19, $0xb8;
	[tilespmem:$0x1E800] =	vst v63  }
0x9b: {  	_ =	swait.ge [sflag:s29], $0x4000  }
0x9c: {  	[sflag:s29] =	ssyncset.done $0x0  }
0x9d: {  	s0 =	smul.u32 $0x140000, s28;
	[sflag:s29] =	ssyncadd.s32 $0xFFFFC000  }
0x9e: {  	_ =	swait.ge [sflag:s24], $0x4000  }
0x9f: {  	s0 =	sadd.s32 s10, s0;
	[sflag:s24] =	ssyncset.done $0x0  }
0xa0: {  	s0 =	sshrl.u32 s0, $0x3;
	[sflag:s24] =	ssyncadd.s32 $0xFFFFC000  }
0xa1: {  	s0 =	sadd.s32 s7, s0;
	[bflag:$0x0] =	sbarrier.arrive $0xFFFF  }
0xa2: {  	[hbm:s0], [sflag:s14] =	dma.local [spmem:s15], $0x2800  }
.Ltmp2:
0xa3: {  	_ =	swait.ge [sflag:s16], $0x2800;
	(pc) =	sbr.rel @p0 .LBB2_2-.Ltmp2, $4  }
0xa4: {  	[sflag:s16] =	ssyncset.done $0x0  }
0xa5: {  	[sflag:s16] =	ssyncadd.s32 $0xFFFFD800  }
0xa6: {  	[bflag:$0x0] =	sbarrier.arrive $0xFFFF  }
0xa7: {  	p1 =	por $0x0, $0x0  }
0xa8: {  	s4 =	sadd.s32 $0x1, s4  }
0xa9: {  	p0 =	sne.s32 s4, s11  }
.Ltmp3:
0xaa: {  	_ = 	snop;
	(pc) =	sbr.rel @p0 .LBB2_1-.Ltmp3, $1  }
0xab: {  	_ =	sdelay $0x3  }
0xac: {  	_ =	sfence.sel $0x180000  }
0xad: {  	[bflag:$0x0] =	sbarrier.arrive $0xFFFF  }
0xae: {  	_ =	strace $0x9000004D  }
0xaf: {  	[bflag:$0x2] =	sbarrier.arrive $0xFFFF  }
0xb0: {  	p0 =	sne.s32 s2, $0x0;
	s0 =	rddreg [dreg:$0x3]  }
0xb1: {  	s0 =	sadd.s32 @!p0 $0x100000, s0  }
0xb2: {  	[sflag:s0] =	ssyncadd.tile.s32 @!p0 $0x1;
	_ =	shalt  }
.Lfunc_end2:
_tile_overlayer_lowered:
.L_overlay_start_2:
0xb3: {  	(tag) =	ssettag $0x2  }
0xb4: {  	s0 =	rddreg [dreg:$0x0];
	s2 =	stileid.u32  }
0xb5: {  	s1 =	rddreg [dreg:$0x1];
	p0 =	sne.s32 s2, $0x0  }
0xb6: {  	s3 =	rddreg [dreg:$0x2];
	[bflag:$0x3] =	sbarrier.arrive $0xFFFF;
	s2 =	simm.s32 @!p0 $0x1C03  }
0xb7: {  	[timem:s3], [sflag:s2] =	dma.local @!p0 [hbm:s0], s1  }
0xb8: {  	s0 =	simm.s32 @!p0 $0x3  }
0xb9: {  	_ =	swait.ge @!p0 [sflag:s0], s1  }
0xba: {  	s1 =	ssub.s32 @!p0 $0x0, s1;
	[sflag:s0] =	ssyncset.done @!p0 $0x0  }
0xbb: {  	[sflag:s0] =	ssyncadd.s32 @!p0 s1  }
0xbc: {  	[bflag:$0x3] =	sbarrier.arrive $0xFFFF  }
0xbd: {  	_ =	shalt  }

// kernel: kernel.19.cloned.1.call-start
scs
__scs_entry_jumppad:
0x0: {  	(pc) =	sbr.rel $0x88, $3  }
0x1: {  	(tag) =	ssettag $0x0;
	lr =	simm.s32 $0x1  }
0x2: {  	[smem:$0x3F83] =	sst lr;
	_ =	strace $0xD0000000  }
0x3: {  	_ = 	snop  }
0x4: {  	_ = 	snop  }
0x5: {  	_ = 	snop  }
0x6: {  	_ = 	snop  }
0x7: {  	_ = 	snop  }
__scs_overlays_trampoline_lowered:
0x8: {  	[smem:$0x3F92] =	sst s0  }
0x9: {  	[smem:$0x3F93] =	sst s1  }
0xa: {  	[smem:$0x3F94] =	sst s2  }
0xb: {  	[smem:$0x3F95] =	sst s3  }
0xc: {  	[smem:$0x3F96] =	sst s4  }
0xd: {  	[smem:$0x3F97] =	sst s5  }
0xe: {  	[smem:$0x3F98] =	sst s6  }
0xf: {  	[smem:$0x3F99] =	sst s7  }
0x10: {  	[smem:$0x3F9A] =	sst s8  }
0x11: {  	[smem:$0x3F9B] =	sst s9;
	s0 =	simm.s32 @!p0 $0x0  }
0x12: {  	s1 =	sld [smem:$0x3F81];
	s0 =	simm.s32 @p0 $0x1  }
0x13: {  	[smem:$0x3F9C] =	sst s0;
	s0 =	simm.s32 @!p1 $0x0  }
0x14: {  	s2 =	sld [smem:$0x3F80];
	s0 =	simm.s32 @p1 $0x1  }
0x15: {  	[smem:$0x3F9D] =	sst s0;
	s0 =	simm.s32 @!p2 $0x0  }
0x16: {  	s3 =	sld [smem:$0x3FDB];
	s0 =	simm.s32 @p2 $0x1  }
0x17: {  	s4 =	simm.s32 $0x1BF5;
	[smem:$0x3F9F] =	sst s0  }
0x18: {  	s0 =	sld [smem:$0x3F82];
	_ =	swait.ge [sflag:s4], $0x0  }
0x19: {  	s7 =	sld [smem:$0x3F83]  }
0x1a: {  	s8 =	sadd.s32 $0xFFFFE003, lr  }
0x1b: {  	s9 =	sadd.s32 $0xFFFFFEF7, lr;
	s5 =	simm.s32 $0xFFFFFFFF;
	p2 =	slt.u32 s8, $0xFFFFF086  }
0x1c: {  	p1 =	slt.u32 s9, $0xF7A;
	s5 =	simm.s32 @!p2 $0x0  }
0x1d: {  	s5 =	simm.s32 @p1 $0x1;
	p0 =	seq.s32 s7, s2  }
0x1e: {  	s7 =	smul.u32 @!p0 $0xF7A, s2;
	p2 =	seq.s32 @!p0 s5, $0x0  }
0x1f: {  	s9 =	smul.u32 $0xF7A, s1;
	s8 =	simm.s32 @!p0 $0x1BF5;
	p2 =	por !p2, p0  }
0x20: {  	[sflag:s8] =	ssyncset.s32 @!p0 $0xFFFFF086;
	s6 =	sadd.s32 @!p0 s3, s7;
	s7 =	simm.s32 @!p0 $0x108  }
0x21: {  	s3 =	sadd.s32 s3, s9;
	s6 =	sadd.s32 @!p0 $0x88, s6;
	s7 =	simm.s32 @p2 $0x1082  }
0x22: {  	[simem:s7], [sflag:s8] =	dma.local @!p0 [hbm:s6], $0xF7A  }
0x23: {  	s9 =	sor.u32 $0xD0000000, s2;
	s6 =	simm.s32 $0x108;
	_ =	swait.ge @!p0 [sflag:s8], $0x0  }
0x24: {  	s3 =	sadd.s32 $0x88, s3;
	s6 =	simm.s32 @!p1 $0x1082;
	[sflag:s4] =	ssyncset.s32 $0xFFFFF086  }
0x25: {  	[simem:s6], [sflag:s4] =	dma.local [hbm:s3], $0xF7A  }
0x26: {  	[smem:$0x3F83] =	sst s1;
	(tag) =	ssettag s2;
	_ =	strace s9  }
0x27: {  	s1 =	sld [smem:$0x3F93]  }
0x28: {  	s2 =	sld [smem:$0x3F94]  }
0x29: {  	s4 =	sld [smem:$0x3F96]  }
0x2a: {  	p0 =	seq.s32 s5, $0x0;
	s5 =	sld [smem:$0x3F97]  }
0x2b: {  	s6 =	sld [smem:$0x3F98]  }
0x2c: {  	s7 =	sld [smem:$0x3F99]  }
0x2d: {  	s3 =	simm.s32 $0x108;
	s8 =	sld [smem:$0x3F9A]  }
0x2e: {  	s3 =	simm.s32 @!p0 $0x1082;
	s9 =	sld [smem:$0x3F9B]  }
0x2f: {  	lr =	sadd.s32 s0, s3;
	s0 =	sld [smem:$0x3F92]  }
0x30: {  	s3 =	sld [smem:$0x3F95]  }
0x31: {  	[smem:$0x3F9E] =	sst s10  }
0x32: {  	s10 =	sld [smem:$0x3F9C];
	_ =	sdelay $0x3  }
0x33: {  	p0 =	seq.s32 s10, $0x1;
	s10 =	sld [smem:$0x3F9E];
	_ =	sdelay $0x3  }
0x34: {  	[smem:$0x3F9E] =	sst s10  }
0x35: {  	s10 =	sld [smem:$0x3F9D];
	_ =	sdelay $0x3  }
0x36: {  	p1 =	seq.s32 s10, $0x1;
	s10 =	sld [smem:$0x3F9E];
	_ =	sdelay $0x3  }
0x37: {  	[smem:$0x3F9E] =	sst s10  }
0x38: {  	s10 =	sld [smem:$0x3F9F]  }
0x39: {  	_ = 	snop;
	(pc) =	sbr.ind lr, $3  }
0x3a: {  	_ = 	snop  }
0x3b: {  	_ = 	snop  }
0x3c: {  	p2 =	seq.s32 s10, $0x1;
	s10 =	sld [smem:$0x3F9E]  }
0x3d: {  	_ =	shalt  }
0x3e: {  	_ =	shalt  }
0x3f: {  	_ =	shalt  }
0x40: {  	_ =	shalt  }
0x41: {  	_ =	shalt  }
0x42: {  	_ =	shalt  }
0x43: {  	_ =	shalt  }
0x44: {  	_ =	shalt  }
0x45: {  	_ =	shalt  }
0x46: {  	_ =	shalt  }
0x47: {  	_ =	shalt  }
0x48: {  	_ =	shalt  }
0x49: {  	_ =	shalt  }
0x4a: {  	_ =	shalt  }
0x4b: {  	_ =	shalt  }
0x4c: {  	_ =	shalt  }
0x4d: {  	_ =	shalt  }
0x4e: {  	_ =	shalt  }
0x4f: {  	_ =	shalt  }
0x50: {  	_ =	shalt  }
0x51: {  	_ =	shalt  }
0x52: {  	_ =	shalt  }
0x53: {  	_ =	shalt  }
0x54: {  	_ =	shalt  }
0x55: {  	_ =	shalt  }
0x56: {  	_ =	shalt  }
0x57: {  	_ =	shalt  }
0x58: {  	_ =	shalt  }
0x59: {  	_ =	shalt  }
0x5a: {  	_ =	shalt  }
0x5b: {  	_ =	shalt  }
0x5c: {  	_ =	shalt  }
0x5d: {  	_ =	shalt  }
0x5e: {  	_ =	shalt  }
0x5f: {  	_ =	shalt  }
0x60: {  	_ =	shalt  }
0x61: {  	_ =	shalt  }
0x62: {  	_ =	shalt  }
0x63: {  	_ =	shalt  }
0x64: {  	_ =	shalt  }
0x65: {  	_ =	shalt  }
0x66: {  	_ =	shalt  }
0x67: {  	_ =	shalt  }
0x68: {  	_ =	shalt  }
0x69: {  	_ =	shalt  }
0x6a: {  	_ =	shalt  }
0x6b: {  	_ =	shalt  }
0x6c: {  	_ =	shalt  }
0x6d: {  	_ =	shalt  }
0x6e: {  	_ =	shalt  }
0x6f: {  	_ =	shalt  }
0x70: {  	_ =	shalt  }
0x71: {  	_ =	shalt  }
0x72: {  	_ =	shalt  }
0x73: {  	_ =	shalt  }
0x74: {  	_ =	shalt  }
0x75: {  	_ =	shalt  }
0x76: {  	_ =	shalt  }
0x77: {  	_ =	shalt  }
0x78: {  	_ =	shalt  }
0x79: {  	_ =	shalt  }
0x7a: {  	_ =	shalt  }
0x7b: {  	_ =	shalt  }
0x7c: {  	_ =	shalt  }
0x7d: {  	_ =	shalt  }
0x7e: {  	_ =	shalt  }
0x7f: {  	_ =	shalt  }
0x80: {  	_ =	shalt  }
0x81: {  	_ =	shalt  }
0x82: {  	_ =	shalt  }
0x83: {  	_ =	shalt  }
0x84: {  	_ =	shalt  }
0x85: {  	_ =	shalt  }
0x86: {  	_ =	shalt  }
0x87: {  	_ =	shalt  }
.Lfunc_end0:
.L_simem_size_0:
called_computation.3_lowered:
.L_overlay_start_0:
0x88: {  	s2 =	sld [smem:$0x3FD9]  }
0x89: {  	s3 =	sld [smem:$0x3FFE];
	_ =	sdelay $0x1  }
0x8a: {  	s1 =	srdreg.scid  }
0x8b: {  	s0 =	sand.u32 $0x1, s1  }
0x8c: {  	s14 =	sshll.u32 s0, $0xA;
	s2 =	sadd.s32 s3, s2  }
0x8d: {  	s2 =	sadd.s32 s2, s14  }
0x8e: {  	[smem:$0x3FAA] =	sst s2  }
0x8f: {  	_ = 	snop  }
0x90: {  	s2 =	sld [smem:$0x3FD0];
	_ =	sdelay $0x2  }
0x91: {  	s15 =	simm.s32 $0xA;
	s4 =	simm.s32 $0x10  }
0x92: {  	[smem:s4], [sflag:s15] =	dma.local [hbm:s2], $0x1  }
0x93: {  	_ =	swait.eq [sflag:s15], $0x1  }
0x94: {  	[sflag:s15] =	ssyncset.done $0x0  }
0x95: {  	[sflag:s15] =	ssyncadd.s32 $0xFFFFFFFF  }
0x96: {  	s16 =	sld [smem:$0x10];
	(tm) =	ssettm $0x1  }
0x97: {  	s17 =	sld [smem:$0x3FFB];
	_ =	sdelay $0x3  }
0x98: {  	_ =	strace s17  }
0x99: {  	s3 =	sld [smem:$0x3FFC];
	_ =	sdelay $0x3  }
0x9a: {  	_ =	strace s3  }
0x9b: {  	s3 =	sld [smem:$0x3FFD];
	_ =	sdelay $0x3  }
0x9c: {  	_ =	strace s3  }
0x9d: {  	_ =	strace $0x8FFFFFFF  }
0x9e: {  	s18 =	sld [smem:$0x3FDB];
	_ =	sdelay $0x1  }
0x9f: {  	s19 =	simm.s32 $_scs_section_size  }
0xa0: {  	s5 =	simm.s32 $_size__tile_overlayer_lowered;
	s6 =	simm.s32 $_tile_overlayer_lowered  }
0xa1: {  	s22 =	simm.s32 $0x1BFF;
	s21 =	sshll.u32 s6, $0x1;
	s3 =	sadd.s32 s19, s18  }
0xa2: {  	s7 =	simm.s32 $0x0;
	s20 =	sshll.u32 s5, $0x1;
	s5 =	sadd.s32 s21, s3  }
0xa3: {  	[timem:s7], [sflag:s22] =	dma.local [hbm:s5], s20  }
0xa4: {  	_ =	swait.ge [sflag:s22], s20  }
0xa5: {  	s4 =	ssub.s32 $0x0, s20;
	[sflag:s22] =	ssyncset.done $0x0  }
0xa6: {  	[sflag:s22] =	ssyncadd.s32 s4;
	_ =	sdelay $0x1  }
0xa7: {  	s23 =	simm.s32 $0x1B8B  }
0xa8: {  	_ =	swait.ge [sflag:s23], $0x1  }
0xa9: {  	[sflag:s23] =	ssyncset.done $0x0  }
0xaa: {  	s25 =	simm.s32 $0x1B8E;
	s24 =	sld [smem:$0x3FFE];
	[sflag:s23] =	ssyncadd.s32 $0xFFFFFFFF  }
0xab: {  	s26 =	simm.s32 $execute0_lowered;
	[smem:$0x3FD2] =	sst s25  }
0xac: {  	s5 =	sshll.u32 s26, $0x1;
	_ =	strace $0x8000004F;
	[dreg:$0x1] =	wrdreg $0xFFFFFFFF  }
0xad: {  	s28 =	simm.s32 $_size_execute0_lowered;
	s3 =	sadd.s32 s3, s5;
	[dreg:$0x0] =	wrdreg $0x0  }
0xae: {  	s5 =	sshll.u32 s28, $0x1;
	[dreg:$0x2] =	wrdreg s3  }
0xaf: {  	[dreg:$0x3] =	wrdreg s5  }
0xb0: {  	[dreg:$0x4] =	wrdreg $0xC0  }
0xb1: {  	_ =	task [dreg:s7], $0x5FFFF  }
0xb2: {  	[dreg:$0x1] =	wrdreg $0xFFFFFFFF  }
0xb3: {  	[dreg:$0x0] =	wrdreg $0x60  }
0xb4: {  	[dreg:$0x2] =	wrdreg s24  }
0xb5: {  	[dreg:$0x3] =	wrdreg s16  }
0xb6: {  	[dreg:$0x4] =	wrdreg $0x0  }
0xb7: {  	[dreg:$0x5] =	wrdreg $0x9  }
0xb8: {  	_ =	task.clear_ibuf [dreg:s7], $0x6FFFF;
	_ =	strace $0x9000004F  }
0xb9: {  	s29 =	simm.s32 $0x9;
	_ =	strace $0x80000051  }
0xba: {  	_ =	swait.ge [sflag:s29], $0x1  }
0xbb: {  	[sflag:s29] =	ssyncadd.s32 $0xFFFFFFFF  }
0xbc: {  	_ =	strace $0x90000051  }
0xbd: {  	_ =	sfence  }
0xbe: {  	s30 =	sld [smem:$0x0];
	_ =	sdelay $0x2  }
0xbf: {  	s31 =	sshll.u32 s1, $0xD;
	s1 =	sshrl.u32 s1, $0x2  }
0xc0: {  	s3 =	sand.u32 $0x4000, s31;
	s1 =	sadd.s32 s1, s30  }
0xc1: {  	s0 =	sor.u32 s3, s0;
	s1 =	sshll.u32 s1, $0x11  }
0xc2: {  	s0 =	sor.u32 s1, s0  }
0xc3: {  	s0 =	sadd.s32 $0x8F2B, s0  }
0xc4: {  	[sflag:s0] =	ssyncadd.remote.s32 $0x1  }
0xc5: {  	_ =	sfence.sel $0xFFFF  }
0xc6: {  	[dreg:$0x0] =	wrdreg $0xFFFFFFFF;
	(pc) =	sbr.abs _section_cstart, $3  }
0xc7: {  	[dreg:$0x1] =	wrdreg $0xFFFFFFFF  }
0xc8: {  	_ =	task.clear_ibuf [dreg:s7], $0x2FFFF;
	_ =	strace $0x9FFFFFFF  }
0xc9: {  	(tm) =	ssettm $0x7FFFFFFF  }
tec
execute0_lowered:
.L_overlay_start_1:
0x0: {  	(tag) =	ssettag $0x1  }
0x1: {  	s7 =	rddreg [dreg:$0x0]  }
0x2: {  	s1 =	rddreg [dreg:$0x1]  }
0x3: {  	s3 =	rddreg [dreg:$0x2];
	s4 =	simm.s32 $0x0  }
0x4: {  	s2 =	stileid.u32;
	s6 =	srdreg.scid;
	s16 =	simm.s32 $0x3  }
0x5: {  	s17 =	simm.s32 $0x14000;
	s18 =	simm.s32 $0x15400;
	s19 =	simm.s32 $0x80  }
0x6: {  	s20 =	simm.s32 $0x16800;
	s21 =	simm.s32 $0x14080;
	s22 =	simm.s32 $0x1A800  }
0x7: {  	s23 =	simm.s32 $0x1;
	s24 =	simm.s32 $0x2;
	s25 =	simm.s32 $0x16700  }
0x8: {  	s26 =	simm.s32 $0x16780;
	[smem:$0x7FF] =	sst s4;
	s5 =	smul.u32 $0x2800, s2  }
0x9: {  	s8 =	sand.u32 $0x1, s6;
	s11 =	smul.u32 $0x50000, s2;
	s6 =	sadd.s32 $0x8C00, s7  }
0xa: {  	s14 =	sshll.u32 s2, $0x6;
	_ =	strace $0x80000050;
	s10 =	ssub.s32 $0x2, s8  }
0xb: {  	s8 =	sshll.u32 s8, $0x1;
	s14 =	sor.u32 $0x1C03, s14;
	s9 =	sshrl.u32 s5, $0x3  }
0xc: {  	s30 =	sshrl.u32 s10, $0x1;
	s31 =	sshrl.u32 s11, $0x2;
	s13 =	sadd.s32 s9, s7  }
0xd: {  	s7 =	sadd.s32 $0x148C00, s7;
	s12 =	ssub.s32 s10, s30;
	s9 =	smul.u32 $0x280, s2  }
0xe: {  	s15 =	sadd.s32 s31, s3;
	s10 =	smul.u32 $0x14000, s2;
	s11 =	smax.u32 s12, $0x1  }
0xf: {  	s12 =	sadd.s32 $0x3C00, s13;
	s13 =	sadd.s32 $0x3E80, s13;
	s15 =	sshrl.u32 s15, $0x3  }
.LBB2_1:
0x10: {  	p1 =	por $0x1, $0x1;
	s29 =	simm.s32 $0x0  }
.LBB2_2:
0x11: {  	s28 =	sor.u32 s8, s29  }
0x12: {  	s29 =	smul.u32 $0x2800, s28;
	_ =	sdelay $0x1  }
0x13: {  	s29 =	sadd.s32 s9, s29  }
0x14: {  	s29 =	sshll.u32 s29, $0x4  }
0x15: {  	s29 =	sadd.s32 s6, s29  }
0x16: {  	[spmem:s15], [sflag:s14] =	dma.local [hbm:s29], $0x2800  }
0x17: {  	s29 =	smul.u32 $0x28000, s28  }
0x18: {  	_ =	swait.ge [sflag:s16], $0x2800  }
0x19: {  	[sflag:s16] =	ssyncset.done $0x0;
	s29 =	sadd.s32 s29, s5  }
0x1a: {  	[sflag:s16] =	ssyncadd.s32 $0xFFFFD800;
	s29 =	sshrl.u32 s29, $0x3  }
0x1b: {  	s30 =	simm.s32 $0x0;
	[bflag:$0x0] =	sbarrier.arrive $0xFFFF;
	s29 =	sadd.s32 s1, s29  }
0x1c: {  	[tilespmem:s17], [sflag:$0x3] =	stream.linear.gather [hbm4b:s29+s30], $0x1400, $0x38;
	[tilespmem:$0x1E800] =	vst v63  }
0x1d: {  	_ =	swait.ge [sflag:s16], $0x1400  }
0x1e: {  	[sflag:s16] =	ssyncset.done $0x0  }
0x1f: {  	[sflag:s16] =	ssyncadd.s32 $0xFFFFEC00  }
0x20: {  	[tilespmem:s18], [sflag:$0x3] =	stream.linear.gather [hbm4b:s12+s30], $0x1400, $0x38;
	[tilespmem:$0x1E800] =	vst v63  }
0x21: {  	_ =	swait.ge [sflag:s16], $0x1400  }
0x22: {  	[sflag:s16] =	ssyncset.done $0x0  }
0x23: {  	[sflag:s16] =	ssyncadd.s32 $0xFFFFEC00  }
0x24: {  	[tilespmem:s20], [sflag:$0x1] =	stream.indirect.gather [hbm4b:s6+s19], $0x80, s17, s19, $0xb8;
	[tilespmem:$0x1E800] =	vst v63  }
0x25: {  	_ = 	snop  }
0x26: {  	[tilespmem:s22], [sflag:$0x2] =	stream.indirect.gather [hbm4b:s6+s19], $0x80, s21, s19, $0xb8;
	[tilespmem:$0x1E800] =	vst v63  }
0x27: {  	_ =	swait.ge [sflag:s23], $0x4000  }
0x28: {  	[sflag:s23] =	ssyncset.done $0x0  }
0x29: {  	s30 =	simm.s32 $0x15400;
	[sflag:s23] =	ssyncadd.s32 $0xFFFFC000  }
0x2a: {  	[spmem:s3] =	stream.indirect.scatter.add.f32 [tilespmem:s20], [sflag:$0x3], $0x80, s30, s19, $0xb8;
	[tilespmem:$0x1E800] =	vst v63  }
0x2b: {  	_ =	swait.ge [sflag:s16], $0x4000  }
0x2c: {  	[sflag:s16] =	ssyncset.done $0x0  }
0x2d: {  	s30 =	simm.s32 $0x14100;
	[sflag:s16] =	ssyncadd.s32 $0xFFFFC000  }
0x2e: {  	[tilespmem:s20], [sflag:$0x1] =	stream.indirect.gather [hbm4b:s6+s19], $0x80, s30, s19, $0xb8;
	[tilespmem:$0x1E800] =	vst v63  }
0x2f: {  	_ =	swait.ge [sflag:s24], $0x4000  }
0x30: {  	[sflag:s24] =	ssyncset.done $0x0  }
0x31: {  	s30 =	simm.s32 $0x15480;
	[sflag:s24] =	ssyncadd.s32 $0xFFFFC000  }
0x32: {  	[spmem:s3] =	stream.indirect.scatter.add.f32 [tilespmem:s22], [sflag:$0x3], $0x80, s30, s19, $0xb8;
	[tilespmem:$0x1E800] =	vst v63  }
0x33: {  	_ =	swait.ge [sflag:s16], $0x4000  }
0x34: {  	p0 =	por p1, p1;
	[sflag:s16] =	ssyncset.done $0x0  }
0x35: {  	s31 =	simm.s32 $0x14180;
	s30 =	simm.s32 $0x400;
	[sflag:s16] =	ssyncadd.s32 $0xFFFFC000  }
.LBB2_3:
0x36: {  	[tilespmem:s22], [sflag:$0x2] =	stream.indirect.gather [hbm4b:s6+s19], $0x80, s31, s19, $0xb8;
	[tilespmem:$0x1E800] =	vst v63  }
0x37: {  	s31 =	smov.u32 s30  }
0x38: {  	p1 =	sne.s32 s30, $0x4800;
	s30 =	sadd.s32 $0x400, s30;
	_ =	swait.ge [sflag:s23], $0x4000  }
0x39: {  	s31 =	sshra.s32 s31, $0x2;
	[sflag:s23] =	ssyncset.done $0x0  }
0x3a: {  	s0 =	sadd.s32 $0x15400, s31;
	[sflag:s23] =	ssyncadd.s32 $0xFFFFC000  }
0x3b: {  	[spmem:s3] =	stream.indirect.scatter.add.f32 [tilespmem:s20], [sflag:$0x3], $0x80, s0, s19, $0xb8;
	[tilespmem:$0x1E800] =	vst v63  }
0x3c: {  	_ =	swait.ge [sflag:s16], $0x4000  }
0x3d: {  	[sflag:s16] =	ssyncset.done $0x0  }
0x3e: {  	s0 =	sadd.s32 $0x14100, s31;
	[sflag:s16] =	ssyncadd.s32 $0xFFFFC000  }
0x3f: {  	[tilespmem:s20], [sflag:$0x1] =	stream.indirect.gather [hbm4b:s6+s19], $0x80, s0, s19, $0xb8;
	[tilespmem:$0x1E800] =	vst v63  }
0x40: {  	_ =	swait.ge [sflag:s24], $0x4000  }
0x41: {  	[sflag:s24] =	ssyncset.done $0x0  }
.Ltmp0:
0x42: {  	s0 =	sadd.s32 $0x15480, s31;
	[sflag:s24] =	ssyncadd.s32 $0xFFFFC000;
	(pc) =	sbr.rel @p1 .LBB2_3-.Ltmp0, $4  }
0x43: {  	[spmem:s3] =	stream.indirect.scatter.add.f32 [tilespmem:s22], [sflag:$0x3], $0x80, s0, s19, $0xb8;
	[tilespmem:$0x1E800] =	vst v63  }
0x44: {  	_ =	swait.ge [sflag:s16], $0x4000  }
0x45: {  	[sflag:s16] =	ssyncset.done $0x0  }
0x46: {  	s31 =	sadd.s32 $0x14180, s31;
	[sflag:s16] =	ssyncadd.s32 $0xFFFFC000  }
0x47: {  	[tilespmem:s22], [sflag:$0x2] =	stream.indirect.gather [hbm4b:s6+s19], $0x80, s31, s19, $0xb8;
	[tilespmem:$0x1E800] =	vst v63  }
0x48: {  	_ =	swait.ge [sflag:s23], $0x4000  }
0x49: {  	[sflag:s23] =	ssyncset.done $0x0  }
0x4a: {  	[sflag:s23] =	ssyncadd.s32 $0xFFFFC000  }
0x4b: {  	[spmem:s3] =	stream.indirect.scatter.add.f32 [tilespmem:s20], [sflag:$0x3], $0x80, s25, s19, $0xb8;
	[tilespmem:$0x1E800] =	vst v63  }
0x4c: {  	_ =	swait.ge [sflag:s16], $0x4000  }
0x4d: {  	[sflag:s16] =	ssyncset.done $0x0  }
0x4e: {  	[sflag:s16] =	ssyncadd.s32 $0xFFFFC000  }
0x4f: {  	[tilespmem:s20], [sflag:$0x1] =	stream.indirect.gather [hbm4b:s6+s19], $0x80, s17, s19, $0xb8;
	[tilespmem:$0x1E800] =	vst v63  }
0x50: {  	_ =	swait.ge [sflag:s24], $0x4000  }
0x51: {  	[sflag:s24] =	ssyncset.done $0x0  }
0x52: {  	[sflag:s24] =	ssyncadd.s32 $0xFFFFC000  }
0x53: {  	[spmem:s3] =	stream.indirect.scatter.add.f32 [tilespmem:s22], [sflag:$0x3], $0x80, s26, s19, $0xb8;
	[tilespmem:$0x1E800] =	vst v63  }
0x54: {  	_ =	swait.ge [sflag:s16], $0x4000  }
0x55: {  	[sflag:s16] =	ssyncset.done $0x0  }
0x56: {  	[sflag:s16] =	ssyncadd.s32 $0xFFFFC000  }
0x57: {  	[tilespmem:s22], [sflag:$0x2] =	stream.indirect.gather [hbm4b:s6+s19], $0x80, s21, s19, $0xb8;
	[tilespmem:$0x1E800] =	vst v63  }
0x58: {  	_ =	swait.ge [sflag:s23], $0x4000  }
0x59: {  	[sflag:s23] =	ssyncset.done $0x0  }
0x5a: {  	[sflag:s23] =	ssyncadd.s32 $0xFFFFC000  }
0x5b: {  	_ =	swait.ge [sflag:s24], $0x4000  }
0x5c: {  	[sflag:s24] =	ssyncset.done $0x0  }
0x5d: {  	s0 =	sadd.s32 $0x280, s29;
	s29 =	simm.s32 $0x0;
	[sflag:s24] =	ssyncadd.s32 $0xFFFFC000  }
0x5e: {  	[tilespmem:s17], [sflag:$0x3] =	stream.linear.gather [hbm4b:s0+s29], $0x1400, $0x38;
	[tilespmem:$0x1E800] =	vst v63  }
0x5f: {  	_ =	swait.ge [sflag:s16], $0x1400  }
0x60: {  	[sflag:s16] =	ssyncset.done $0x0  }
0x61: {  	[sflag:s16] =	ssyncadd.s32 $0xFFFFEC00  }
0x62: {  	[tilespmem:s18], [sflag:$0x3] =	stream.linear.gather [hbm4b:s13+s29], $0x1400, $0x38;
	[tilespmem:$0x1E800] =	vst v63  }
0x63: {  	_ =	swait.ge [sflag:s16], $0x1400  }
0x64: {  	[sflag:s16] =	ssyncset.done $0x0  }
0x65: {  	[sflag:s16] =	ssyncadd.s32 $0xFFFFEC00  }
0x66: {  	[tilespmem:s20], [sflag:$0x1] =	stream.indirect.gather [hbm4b:s6+s19], $0x80, s17, s19, $0xb8;
	[tilespmem:$0x1E800] =	vst v63  }
0x67: {  	_ = 	snop  }
0x68: {  	[tilespmem:s22], [sflag:$0x2] =	stream.indirect.gather [hbm4b:s6+s19], $0x80, s21, s19, $0xb8;
	[tilespmem:$0x1E800] =	vst v63  }
0x69: {  	_ =	swait.ge [sflag:s23], $0x4000  }
0x6a: {  	[sflag:s23] =	ssyncset.done $0x0  }
0x6b: {  	s31 =	simm.s32 $0x15400;
	[sflag:s23] =	ssyncadd.s32 $0xFFFFC000  }
0x6c: {  	[spmem:s3] =	stream.indirect.scatter.add.f32 [tilespmem:s20], [sflag:$0x3], $0x80, s31, s19, $0xb8;
	[tilespmem:$0x1E800] =	vst v63  }
0x6d: {  	_ =	swait.ge [sflag:s16], $0x4000  }
0x6e: {  	[sflag:s16] =	ssyncset.done $0x0  }
0x6f: {  	s31 =	simm.s32 $0x14100;
	[sflag:s16] =	ssyncadd.s32 $0xFFFFC000  }
0x70: {  	[tilespmem:s20], [sflag:$0x1] =	stream.indirect.gather [hbm4b:s6+s19], $0x80, s31, s19, $0xb8;
	[tilespmem:$0x1E800] =	vst v63  }
0x71: {  	_ =	swait.ge [sflag:s24], $0x4000  }
0x72: {  	[sflag:s24] =	ssyncset.done $0x0  }
0x73: {  	s31 =	simm.s32 $0x15480;
	[sflag:s24] =	ssyncadd.s32 $0xFFFFC000  }
0x74: {  	[spmem:s3] =	stream.indirect.scatter.add.f32 [tilespmem:s22], [sflag:$0x3], $0x80, s31, s19, $0xb8;
	[tilespmem:$0x1E800] =	vst v63  }
0x75: {  	_ =	swait.ge [sflag:s16], $0x4000  }
0x76: {  	[sflag:s16] =	ssyncset.done $0x0  }
0x77: {  	s30 =	simm.s32 $0x14180;
	s29 =	simm.s32 $0x400;
	[sflag:s16] =	ssyncadd.s32 $0xFFFFC000  }
.LBB2_5:
0x78: {  	[tilespmem:s22], [sflag:$0x2] =	stream.indirect.gather [hbm4b:s6+s19], $0x80, s30, s19, $0xb8;
	[tilespmem:$0x1E800] =	vst v63  }
0x79: {  	s0 =	smov.u32 s29  }
0x7a: {  	p1 =	sne.s32 s29, $0x4800;
	s29 =	sadd.s32 $0x400, s29;
	_ =	swait.ge [sflag:s23], $0x4000  }
0x7b: {  	s0 =	sshra.s32 s0, $0x2;
	[sflag:s23] =	ssyncset.done $0x0  }
0x7c: {  	s30 =	sadd.s32 $0x15400, s0;
	[sflag:s23] =	ssyncadd.s32 $0xFFFFC000  }
0x7d: {  	[spmem:s3] =	stream.indirect.scatter.add.f32 [tilespmem:s20], [sflag:$0x3], $0x80, s30, s19, $0xb8;
	[tilespmem:$0x1E800] =	vst v63  }
0x7e: {  	_ =	swait.ge [sflag:s16], $0x4000  }
0x7f: {  	[sflag:s16] =	ssyncset.done $0x0  }
0x80: {  	s30 =	sadd.s32 $0x14100, s0;
	[sflag:s16] =	ssyncadd.s32 $0xFFFFC000  }
0x81: {  	[tilespmem:s20], [sflag:$0x1] =	stream.indirect.gather [hbm4b:s6+s19], $0x80, s30, s19, $0xb8;
	[tilespmem:$0x1E800] =	vst v63  }
0x82: {  	_ =	swait.ge [sflag:s24], $0x4000  }
0x83: {  	[sflag:s24] =	ssyncset.done $0x0  }
.Ltmp1:
0x84: {  	s30 =	sadd.s32 $0x15480, s0;
	[sflag:s24] =	ssyncadd.s32 $0xFFFFC000;
	(pc) =	sbr.rel @p1 .LBB2_5-.Ltmp1, $4  }
0x85: {  	[spmem:s3] =	stream.indirect.scatter.add.f32 [tilespmem:s22], [sflag:$0x3], $0x80, s30, s19, $0xb8;
	[tilespmem:$0x1E800] =	vst v63  }
0x86: {  	_ =	swait.ge [sflag:s16], $0x4000  }
0x87: {  	[sflag:s16] =	ssyncset.done $0x0  }
0x88: {  	s30 =	sadd.s32 $0x14180, s0;
	[sflag:s16] =	ssyncadd.s32 $0xFFFFC000  }
0x89: {  	[tilespmem:s22], [sflag:$0x2] =	stream.indirect.gather [hbm4b:s6+s19], $0x80, s30, s19, $0xb8;
	[tilespmem:$0x1E800] =	vst v63  }
0x8a: {  	s29 =	simm.s32 $0x1  }
0x8b: {  	_ =	swait.ge [sflag:s29], $0x4000  }
0x8c: {  	[sflag:s29] =	ssyncset.done $0x0  }
0x8d: {  	[sflag:s29] =	ssyncadd.s32 $0xFFFFC000  }
0x8e: {  	[spmem:s3] =	stream.indirect.scatter.add.f32 [tilespmem:s20], [sflag:$0x3], $0x80, s25, s19, $0xb8;
	[tilespmem:$0x1E800] =	vst v63  }
0x8f: {  	_ =	swait.ge [sflag:s16], $0x4000  }
0x90: {  	[sflag:s16] =	ssyncset.done $0x0  }
0x91: {  	[sflag:s16] =	ssyncadd.s32 $0xFFFFC000  }
0x92: {  	[tilespmem:s20], [sflag:$0x1] =	stream.indirect.gather [hbm4b:s6+s19], $0x80, s17, s19, $0xb8;
	[tilespmem:$0x1E800] =	vst v63  }
0x93: {  	_ =	swait.ge [sflag:s24], $0x4000  }
0x94: {  	[sflag:s24] =	ssyncset.done $0x0  }
0x95: {  	[sflag:s24] =	ssyncadd.s32 $0xFFFFC000  }
0x96: {  	[spmem:s3] =	stream.indirect.scatter.add.f32 [tilespmem:s22], [sflag:$0x3], $0x80, s26, s19, $0xb8;
	[tilespmem:$0x1E800] =	vst v63  }
0x97: {  	_ =	swait.ge [sflag:s16], $0x4000  }
0x98: {  	[sflag:s16] =	ssyncset.done $0x0  }
0x99: {  	[sflag:s16] =	ssyncadd.s32 $0xFFFFC000  }
0x9a: {  	[tilespmem:s22], [sflag:$0x2] =	stream.indirect.gather [hbm4b:s6+s19], $0x80, s21, s19, $0xb8;
	[tilespmem:$0x1E800] =	vst v63  }
0x9b: {  	_ =	swait.ge [sflag:s29], $0x4000  }
0x9c: {  	[sflag:s29] =	ssyncset.done $0x0  }
0x9d: {  	s0 =	smul.u32 $0x140000, s28;
	[sflag:s29] =	ssyncadd.s32 $0xFFFFC000  }
0x9e: {  	_ =	swait.ge [sflag:s24], $0x4000  }
0x9f: {  	s0 =	sadd.s32 s10, s0;
	[sflag:s24] =	ssyncset.done $0x0  }
0xa0: {  	s0 =	sshrl.u32 s0, $0x3;
	[sflag:s24] =	ssyncadd.s32 $0xFFFFC000  }
0xa1: {  	s0 =	sadd.s32 s7, s0;
	[bflag:$0x0] =	sbarrier.arrive $0xFFFF  }
0xa2: {  	[hbm:s0], [sflag:s14] =	dma.local [spmem:s15], $0x2800  }
.Ltmp2:
0xa3: {  	_ =	swait.ge [sflag:s16], $0x2800;
	(pc) =	sbr.rel @p0 .LBB2_2-.Ltmp2, $4  }
0xa4: {  	[sflag:s16] =	ssyncset.done $0x0  }
0xa5: {  	[sflag:s16] =	ssyncadd.s32 $0xFFFFD800  }
0xa6: {  	[bflag:$0x0] =	sbarrier.arrive $0xFFFF  }
0xa7: {  	p1 =	por $0x0, $0x0  }
0xa8: {  	s4 =	sadd.s32 $0x1, s4  }
0xa9: {  	p0 =	sne.s32 s4, s11  }
.Ltmp3:
0xaa: {  	_ = 	snop;
	(pc) =	sbr.rel @p0 .LBB2_1-.Ltmp3, $1  }
0xab: {  	_ =	sdelay $0x3  }
0xac: {  	_ =	sfence.sel $0x180000  }
0xad: {  	[bflag:$0x0] =	sbarrier.arrive $0xFFFF  }
0xae: {  	_ =	strace $0x90000050  }
0xaf: {  	[bflag:$0x2] =	sbarrier.arrive $0xFFFF  }
0xb0: {  	p0 =	sne.s32 s2, $0x0;
	s0 =	rddreg [dreg:$0x3]  }
0xb1: {  	s0 =	sadd.s32 @!p0 $0x100000, s0  }
0xb2: {  	[sflag:s0] =	ssyncadd.tile.s32 @!p0 $0x1;
	_ =	shalt  }
.Lfunc_end2:
_tile_overlayer_lowered:
.L_overlay_start_2:
0xb3: {  	(tag) =	ssettag $0x2  }
0xb4: {  	s0 =	rddreg [dreg:$0x0];
	s2 =	stileid.u32  }
0xb5: {  	s1 =	rddreg [dreg:$0x1];
	p0 =	sne.s32 s2, $0x0  }
0xb6: {  	s3 =	rddreg [dreg:$0x2];
	[bflag:$0x3] =	sbarrier.arrive $0xFFFF;
	s2 =	simm.s32 @!p0 $0x1C03  }
0xb7: {  	[timem:s3], [sflag:s2] =	dma.local @!p0 [hbm:s0], s1  }
0xb8: {  	s0 =	simm.s32 @!p0 $0x3  }
0xb9: {  	_ =	swait.ge @!p0 [sflag:s0], s1  }
0xba: {  	s1 =	ssub.s32 @!p0 $0x0, s1;
	[sflag:s0] =	ssyncset.done @!p0 $0x0  }
0xbb: {  	[sflag:s0] =	ssyncadd.s32 @!p0 s1  }
0xbc: {  	[bflag:$0x3] =	sbarrier.arrive $0xFFFF  }
0xbd: {  	_ =	shalt  }

</sc_bundles>
